<compile_context>
chip_gen: v7x
topology: tpu7x:2x2x1
jax: 0.10.2.dev20260603
libtpu: 0.0.44.dev20260713+nightly
codegen_flags: <defaults>
</compile_context>

<pallas_src>
import dataclasses
import functools

import jax
import jax.numpy as jnp
from jax.experimental import pallas as pl
from jax.experimental.pallas import tpu as pltpu
from jax.experimental.pallas import tpu_sc as plsc

N = 10000
E = 320000
D = 128
NP = 10240

NUM_CORES = 2
NUM_SUBCORES = 16
NUM_WORKERS = NUM_CORES * NUM_SUBCORES
PER_WORKER = E // NUM_WORKERS
ROWS_PER_SUB = NP // NUM_SUBCORES


CHUNK = 128
EPW = 10240
NCH = EPW // CHUNK
E_PAD = EPW * NUM_WORKERS


@functools.partial(
    pl.kernel,
    out_type=jax.ShapeDtypeStruct((NUM_CORES, NP, D), jnp.float32),
    mesh=plsc.VectorSubcoreMesh(core_axis_name="c", subcore_axis_name="s"),
    scratch_types=[
        pltpu.VMEM_SHARED((NP, D), jnp.float32),
        pltpu.VMEM((NCH, CHUNK), jnp.int32),
        pltpu.VMEM((4, CHUNK), jnp.int32),
        pltpu.VMEM((CHUNK, D), jnp.float32),
        pltpu.VMEM((CHUNK, D), jnp.float32),
        pltpu.SemaphoreType.DMA,
        pltpu.SemaphoreType.DMA,
        pltpu.SemaphoreType.DMA,
        pltpu.SemaphoreType.DMA,
        pltpu.SemaphoreType.DMA((4,)),
    ],
    name="gcn_edge_agg",
)
def _agg_feat(table, init0, init1, src_h, dst_h, out, acc, dst2d,
              sidx4, msg_a, msg_b, sg_a, sg_b, ss_a, ss_b, si4):
  core = jax.lax.axis_index("c")
  sub = jax.lax.axis_index("s")
  wid = core * NUM_SUBCORES + sub
  rbase = sub * ROWS_PER_SUB
  rows = pl.ds(rbase, ROWS_PER_SUB)
  ebase = wid * EPW

  @pl.when(core == 0)
  def _():
    pltpu.async_copy(init0.at[rows], acc.at[rows], ss_a)

  @pl.when(core == 1)
  def _():
    pltpu.async_copy(init1.at[rows], acc.at[rows], ss_a)

  pltpu.sync_copy(dst_h.at[wid], dst2d)

  def src_slice(c):
    return src_h.at[pl.ds(ebase + c * CHUNK, CHUNK)]

  def slot(c):
    return jax.lax.rem(c, 4) if not isinstance(c, int) else c % 4

  def start_idx(c):
    pltpu.async_copy(src_slice(c), sidx4.at[slot(c)], si4.at[slot(c)])

  def wait_idx(c):
    pltpu.make_async_copy(src_slice(c), sidx4.at[slot(c)],
                          si4.at[slot(c)]).wait()

  def start_gather(c, msg, sem):
    pltpu.async_copy(table.at[sidx4.at[slot(c)]], msg, sem)

  def wait_gather(c, msg, sem):
    pltpu.make_async_copy(table.at[sidx4.at[slot(c)]], msg, sem).wait()

  def start_scatter(c, msg, sem):
    pltpu.async_copy(msg, acc.at[dst2d.at[c]], sem, add=True)

  def wait_scatter(c, msg, sem):
    pltpu.make_async_copy(msg, acc.at[dst2d.at[c]], sem).wait()

  pltpu.sync_copy(src_slice(0), sidx4.at[0])
  pltpu.sync_copy(src_slice(1), sidx4.at[1])
  start_gather(0, msg_a, sg_a)
  start_gather(1, msg_b, sg_b)
  start_idx(2)
  start_idx(3)

  @pl.when(core == 0)
  def _():
    pltpu.make_async_copy(init0.at[rows], acc.at[rows], ss_a).wait()

  @pl.when(core == 1)
  def _():
    pltpu.make_async_copy(init1.at[rows], acc.at[rows], ss_a).wait()

  plsc.subcore_barrier()
  wait_gather(0, msg_a, sg_a)
  start_scatter(0, msg_a, ss_a)

  @pl.loop(1, NCH // 2 - 1)
  def _(j):
    c0 = 2 * j
    wait_scatter(c0 - 2, msg_a, ss_a)
    start_idx(c0 + 2)
    wait_idx(c0)
    start_gather(c0, msg_a, sg_a)
    wait_gather(c0 - 1, msg_b, sg_b)
    start_scatter(c0 - 1, msg_b, ss_b)
    wait_scatter(c0 - 1, msg_b, ss_b)
    start_idx(c0 + 3)
    wait_idx(c0 + 1)
    start_gather(c0 + 1, msg_b, sg_b)
    wait_gather(c0, msg_a, sg_a)
    start_scatter(c0, msg_a, ss_a)

  wait_scatter(NCH - 4, msg_a, ss_a)
  wait_idx(NCH - 2)
  start_gather(NCH - 2, msg_a, sg_a)
  wait_gather(NCH - 3, msg_b, sg_b)
  start_scatter(NCH - 3, msg_b, ss_b)
  wait_scatter(NCH - 3, msg_b, ss_b)
  wait_idx(NCH - 1)
  start_gather(NCH - 1, msg_b, sg_b)
  wait_gather(NCH - 2, msg_a, sg_a)
  start_scatter(NCH - 2, msg_a, ss_a)
  wait_gather(NCH - 1, msg_b, sg_b)
  start_scatter(NCH - 1, msg_b, ss_b)
  wait_scatter(NCH - 2, msg_a, ss_a)
  wait_scatter(NCH - 1, msg_b, ss_b)

  plsc.subcore_barrier()
  pltpu.sync_copy(acc.at[rows], out.at[core].at[rows])

_DEG_CHUNK = 2000

_sc_params = pltpu.CompilerParams()
if "needs_layout_passes" in pltpu.CompilerParams.__dataclass_fields__:
  _sc_params = dataclasses.replace(_sc_params, needs_layout_passes=False)


@functools.partial(
    pl.kernel,
    out_type=jax.ShapeDtypeStruct((NUM_WORKERS, NP), jnp.float32),
    mesh=plsc.VectorSubcoreMesh(core_axis_name="c", subcore_axis_name="s"),
    scratch_types=[
        pltpu.VMEM((NP,), jnp.float32),
        pltpu.VMEM((_DEG_CHUNK,), jnp.int32),
    ],
    compiler_params=_sc_params,
    name="gcn_degree",
)
def _deg_kernel(dst_h, out, hist, didx):
  core = jax.lax.axis_index("c")
  sub = jax.lax.axis_index("s")
  wid = core * NUM_SUBCORES + sub
  zeros16 = jnp.zeros((16,), jnp.float32)
  ones16 = jnp.ones((16,), jnp.float32)

  @pl.loop(0, NP // 16)
  def _(i):
    hist[pl.ds(i * 16, 16)] = zeros16

  ebase = wid * PER_WORKER

  @pl.loop(0, PER_WORKER // _DEG_CHUNK)
  def _(i):
    pltpu.sync_copy(dst_h.at[pl.ds(ebase + i * _DEG_CHUNK, _DEG_CHUNK)], didx)

    @pl.loop(0, _DEG_CHUNK // 16)
    def _(j):
      idx = didx[pl.ds(j * 16, 16)]
      plsc.addupdate_scatter(hist, [idx], ones16)

  pltpu.sync_copy(hist, out.at[wid])


def _p1a_body(x_ref, w1_ref, h_ref):
  h_ref[...] = jax.lax.dot_general(x_ref[...], w1_ref[...],
                                   (((1,), (1,)), ((), ())),
                                   preferred_element_type=jnp.float32)


def _p1_body(degp_ref, h_ref, y1_ref, dis_ref):
  ones_col = jnp.ones((NUM_WORKERS, 1), jnp.float32)
  deg = 1.0 + jax.lax.dot_general(degp_ref[...], ones_col,
                                  (((0,), (0,)), ((), ())),
                                  preferred_element_type=jnp.float32)
  dis = jax.lax.rsqrt(deg)
  y1_ref[...] = dis * h_ref[...]
  dis_ref[...] = dis


def _p2_body(p_ref, dis_ref, b1_ref, w2_ref, y2_ref):
  s = dis_ref[...] * (p_ref[0] + p_ref[1]) + b1_ref[...]
  h1r = jnp.maximum(s, 0.0)
  h2 = jax.lax.dot_general(h1r, w2_ref[...], (((1,), (1,)), ((), ())),
                           preferred_element_type=jnp.float32)
  y2_ref[...] = dis_ref[...] * h2


def _p3_body(q_ref, dis_ref, b2_ref, x_ref, o_ref):
  o_ref[...] = dis_ref[...] * (q_ref[0] + q_ref[1]) + b2_ref[...] + x_ref[...]


def kernel(x, edge_index, W1, b1, W2, b2):
  src = edge_index[0]
  dst = edge_index[1]
  xp = jnp.pad(x, ((0, NP - N), (0, 0)))
  zeros_feat = jnp.zeros((NP, D), jnp.float32)

  pad_rows = N + (jnp.arange(E_PAD - E, dtype=jnp.int32) % (NP - N))
  srcp = jnp.concatenate([src, pad_rows])
  dstp = jnp.concatenate([dst, pad_rows]).reshape(NUM_WORKERS, NCH, CHUNK)

  degp = _deg_kernel(dst)
  h1 = pl.pallas_call(
      _p1a_body,
      out_shape=jax.ShapeDtypeStruct((NP, D), jnp.float32),
  )(xp, W1)

  y1, dis = pl.pallas_call(
      _p1_body,
      out_shape=(jax.ShapeDtypeStruct((NP, D), jnp.float32),
                 jax.ShapeDtypeStruct((NP, 1), jnp.float32)),
  )(degp, h1)

  p = _agg_feat(y1, y1, zeros_feat, srcp, dstp)

  y2 = pl.pallas_call(
      _p2_body,
      out_shape=jax.ShapeDtypeStruct((NP, D), jnp.float32),
  )(p, dis, b1.reshape(1, D), W2)

  q = _agg_feat(y2, y2, zeros_feat, srcp, dstp)

  out = pl.pallas_call(
      _p3_body,
      out_shape=jax.ShapeDtypeStruct((NP, D), jnp.float32),
  )(q, dis, b2.reshape(1, D), xp)

  return out[:N]

# --- scband reference (transcript-rebuilt; emitter-appended) ---
"""Pipeline reference for scband-skill-gnn-54700703482252 (READ-ONLY COPY).

The authoritative reference and input builder live on the scoring server;
editing this copy changes nothing except your own understanding.
"""

import jax, jax.numpy as jnp
import numpy as np

N = 10000
E = 320000
D = 128


def setup_inputs(seed: int = 0) -> dict:
    key = jax.random.key(seed)
    k1, k2 = jax.random.split(key)
    x = jax.random.normal(k1, (N, D), dtype=jnp.float32)
    edge_index = jax.random.randint(k2, (2, E), 0, N, dtype=jnp.int32)
    # Learned params: GCNConv lin weights are [out, in], eye-initialized per the module;
    # PyG GCNConv bias is zero-initialized.
    W1 = jnp.eye(D, dtype=jnp.float32)
    b1 = jnp.zeros((D,), dtype=jnp.float32)
    W2 = jnp.eye(D, dtype=jnp.float32)
    b2 = jnp.zeros((D,), dtype=jnp.float32)
    return {"x": x, "edge_index": edge_index, "W1": W1, "b1": b1, "W2": W2, "b2": b2}


def _gcn_conv(x, src, dst, W, b, num_nodes):
    # PyG GCNConv: add self-loops, symmetric normalization D^-1/2 (A+I) D^-1/2, then linear + bias
    loop = jnp.arange(num_nodes, dtype=src.dtype)
    src_sl = jnp.concatenate([src, loop])
    dst_sl = jnp.concatenate([dst, loop])
    deg = jnp.zeros((num_nodes,), dtype=x.dtype).at[dst_sl].add(1.0)
    deg_inv_sqrt = jnp.where(deg > 0, 1.0 / jnp.sqrt(deg), 0.0)
    norm = deg_inv_sqrt[src_sl] * deg_inv_sqrt[dst_sl]
    h = x @ W.T  # lin weight is [out, in]
    msgs = h[src_sl] * norm[:, None]
    out = jnp.zeros((num_nodes, h.shape[1]), dtype=h.dtype).at[dst_sl].add(msgs)
    return out + b


def reference(x, edge_index, W1, b1, W2, b2):
    src = edge_index[0]
    dst = edge_index[1]
    identity = x
    h = _gcn_conv(x, src, dst, W1, b1, N)
    h = jax.nn.relu(h)
    h = _gcn_conv(h, src, dst, W2, b2, N)
    return h + identity

if __name__ == "__main__":
    import jax
    _d = setup_inputs()
    print(jax.jit(kernel)(*tuple(_d.values())))

</pallas_src>

<mosaic_0001>
#map = affine_map<(d0, d1) -> (0)>
#map1 = affine_map<(d0, d1) -> (0, 0)>
module attributes {stable_mosaic.version = 14 : i64} {
  func.func @gcn_degree(%arg0: i32, %arg1: i32, %arg2: memref<320000xi32, #tpu.memory_space<hbm>>, %arg3: memref<32x10240xf32, #tpu.memory_space<hbm>>, %arg4: memref<10240xf32, #tpu.memory_space<vmem>>, %arg5: memref<2000xi32, #tpu.memory_space<vmem>>) attributes {dimension_semantics = [#tpu.dimension_semantics<core_parallel>, #tpu.dimension_semantics<subcore_parallel>], iteration_bounds = array<i64: 2, 16>, scalar_prefetch = 0 : i64, scratch_operands = 2 : i64, tpu.core_type = #tpu.core_type<sc_vector_subcore>, window_params = [{transform_indices = #map}, {transform_indices = #map1}]} {
    %mul3A = arith.constant 16 : i32
    %mul3A_0 = arith.muli %arg0, %mul3A : i32
    %add3A = arith.addi %mul3A_0, %arg1 : i32
    %broadcast_in_dim3A = arith.constant 0.000000e+00 : f32
    %broadcast_in_dim3A_1 = vector.broadcast %broadcast_in_dim3A : f32 to vector<16xf32>
    %broadcast_in_dim3A_2 = arith.constant 1.000000e+00 : f32
    %broadcast_in_dim3A_3 = vector.broadcast %broadcast_in_dim3A_2 : f32 to vector<16xf32>
    %scan3A = arith.constant 0 : i32
    %scan3A_4 = arith.constant 640 : i32
    %scan3A_5 = arith.addi %scan3A, %scan3A_4 : i32
    %scan3A_6 = arith.constant 1 : i32
    scf.for %scan3A_15 = %scan3A to %scan3A_5 step %scan3A_6  : i32 {
      %mul3A_16 = arith.constant 1 : i32
      %mul3A_17 = arith.muli %scan3A_15, %mul3A_16 : i32
      %add3A_18 = arith.constant 0 : i32
      %add3A_19 = arith.addi %add3A_18, %mul3A_17 : i32
      %mul3A_20 = arith.constant 16 : i32
      %mul3A_21 = arith.muli %add3A_19, %mul3A_20 : i32
      %swap3A = arith.index_cast %mul3A_21 : i32 to index
      %swap3A_22 = tpu.vector_load %arg4[%swap3A] {strides = array<i32>} : memref<10240xf32, #tpu.memory_space<vmem>>, vector<16xf32>,
      tpu.vector_store %arg4[%swap3A], %broadcast_in_dim3A_1 {strides = array<i32>} : memref<10240xf32, #tpu.memory_space<vmem>>, vector<16xf32>,
    }
    %scan3A_7 = arith.constant 640 : i32
    %mul3A_8 = arith.constant 10000 : i32
    %mul3A_9 = arith.muli %add3A, %mul3A_8 : i32
    %scan3A_10 = arith.constant 0 : i32
    %scan3A_11 = arith.constant 5 : i32
    %scan3A_12 = arith.addi %scan3A_10, %scan3A_11 : i32
    %scan3A_13 = arith.constant 1 : i32
    scf.for %scan3A_15 = %scan3A_10 to %scan3A_12 step %scan3A_13  : i32 {
      %mul3A_16 = arith.constant 1 : i32
      %mul3A_17 = arith.muli %scan3A_15, %mul3A_16 : i32
      %add3A_18 = arith.constant 0 : i32
      %add3A_19 = arith.addi %add3A_18, %mul3A_17 : i32
      %mul3A_20 = arith.constant 2000 : i32
      %mul3A_21 = arith.muli %add3A_19, %mul3A_20 : i32
      %add3A_22 = arith.addi %mul3A_9, %mul3A_21 : i32
      "tpu.region"() ({
        %run_scoped3A = tpu.sem_alloc : memref<!tpu.dma_semaphore, #tpu.memory_space<semaphore_mem>>
        %dma_start3A = tpu.memref_slice %arg2[%add3A_22] : memref<320000xi32, #tpu.memory_space<hbm>> -> memref<2000xi32, #tpu.memory_space<hbm>>
        %dma_start3A_28 = tpu.memref_slice %arg2[%add3A_22] : memref<320000xi32, #tpu.memory_space<hbm>> -> memref<2000xi32, #tpu.memory_space<hbm>>
        tpu.enqueue_dma source(%dma_start3A_28 : memref<2000xi32, #tpu.memory_space<hbm>>) target(%arg5 : memref<2000xi32, #tpu.memory_space<vmem>>) target_semaphore(%run_scoped3A : memref<!tpu.dma_semaphore, #tpu.memory_space<semaphore_mem>>)
        %dma_wait3A = tpu.memref_slice %arg2[%add3A_22] : memref<320000xi32, #tpu.memory_space<hbm>> -> memref<2000xi32, #tpu.memory_space<hbm>>
        %dma_wait3A_29 = tpu.memref_slice %arg2[%add3A_22] : memref<320000xi32, #tpu.memory_space<hbm>> -> memref<2000xi32, #tpu.memory_space<hbm>>
        tpu.wait_dma2 semaphore(%run_scoped3A : memref<!tpu.dma_semaphore, #tpu.memory_space<semaphore_mem>>) src(%dma_wait3A_29 : memref<2000xi32, #tpu.memory_space<hbm>>) dst(%arg5 : memref<2000xi32, #tpu.memory_space<vmem>>)
        tpu.yield
      }) : () -> ()
      %scan3A_23 = arith.constant 0 : i32
      %scan3A_24 = arith.constant 125 : i32
      %scan3A_25 = arith.addi %scan3A_23, %scan3A_24 : i32
      %scan3A_26 = arith.constant 1 : i32
      scf.for %scan3A_28 = %scan3A_23 to %scan3A_25 step %scan3A_26  : i32 {
        %mul3A_29 = arith.constant 1 : i32
        %mul3A_30 = arith.muli %scan3A_28, %mul3A_29 : i32
        %add3A_31 = arith.constant 0 : i32
        %add3A_32 = arith.addi %add3A_31, %mul3A_30 : i32
        %mul3A_33 = arith.constant 16 : i32
        %mul3A_34 = arith.muli %add3A_32, %mul3A_33 : i32
        %get3A = arith.index_cast %mul3A_34 : i32 to index
        %get3A_35 = tpu.vector_load %arg5[%get3A] {strides = array<i32>} : memref<2000xi32, #tpu.memory_space<vmem>>, vector<16xi32>,
        tpu.vector_store_idx %arg4[%get3A_35], %broadcast_in_dim3A_3 {add = true} : memref<10240xf32, #tpu.memory_space<vmem>>[vector<16xi32>], vector<16xf32>,
      }
      %scan3A_27 = arith.constant 125 : i32
    }
    %scan3A_14 = arith.constant 5 : i32
    "tpu.region"() ({
      %run_scoped3A = tpu.sem_alloc : memref<!tpu.dma_semaphore, #tpu.memory_space<semaphore_mem>>
      %dma_start3A = arith.constant 0 : i32
      %dma_start3A_15 = tpu.memref_slice %arg3[%add3A, %dma_start3A] : memref<32x10240xf32, #tpu.memory_space<hbm>> -> memref<1x10240xf32, #tpu.memory_space<hbm>>
      %dma_start3A_16 = tpu.memref_squeeze %dma_start3A_15 : memref<1x10240xf32, #tpu.memory_space<hbm>> -> memref<10240xf32, #tpu.memory_space<hbm>>
      %dma_start3A_17 = arith.constant 0 : i32
      %dma_start3A_18 = tpu.memref_slice %arg3[%add3A, %dma_start3A_17] : memref<32x10240xf32, #tpu.memory_space<hbm>> -> memref<1x10240xf32, #tpu.memory_space<hbm>>
      %dma_start3A_19 = tpu.memref_squeeze %dma_start3A_18 : memref<1x10240xf32, #tpu.memory_space<hbm>> -> memref<10240xf32, #tpu.memory_space<hbm>>
      tpu.enqueue_dma source(%arg4 : memref<10240xf32, #tpu.memory_space<vmem>>) target(%dma_start3A_19 : memref<10240xf32, #tpu.memory_space<hbm>>) target_semaphore(%run_scoped3A : memref<!tpu.dma_semaphore, #tpu.memory_space<semaphore_mem>>)
      %dma_wait3A = arith.constant 0 : i32
      %dma_wait3A_20 = tpu.memref_slice %arg3[%add3A, %dma_wait3A] : memref<32x10240xf32, #tpu.memory_space<hbm>> -> memref<1x10240xf32, #tpu.memory_space<hbm>>
      %dma_wait3A_21 = tpu.memref_squeeze %dma_wait3A_20 : memref<1x10240xf32, #tpu.memory_space<hbm>> -> memref<10240xf32, #tpu.memory_space<hbm>>
      %dma_wait3A_22 = arith.constant 0 : i32
      %dma_wait3A_23 = tpu.memref_slice %arg3[%add3A, %dma_wait3A_22] : memref<32x10240xf32, #tpu.memory_space<hbm>> -> memref<1x10240xf32, #tpu.memory_space<hbm>>
      %dma_wait3A_24 = tpu.memref_squeeze %dma_wait3A_23 : memref<1x10240xf32, #tpu.memory_space<hbm>> -> memref<10240xf32, #tpu.memory_space<hbm>>
      tpu.wait_dma2 semaphore(%run_scoped3A : memref<!tpu.dma_semaphore, #tpu.memory_space<semaphore_mem>>) src(%arg4 : memref<10240xf32, #tpu.memory_space<vmem>>) dst(%dma_wait3A_24 : memref<10240xf32, #tpu.memory_space<hbm>>)
      tpu.yield
    }) : () -> ()
    return
  }
}

#map = affine_map<(d0, d1) -> (0, 0)>
#map1 = affine_map<(d0, d1) -> (0)>
#map2 = affine_map<(d0, d1) -> (0, 0, 0)>
module attributes {stable_mosaic.version = 14 : i64} {
  func.func @gcn_edge_agg(%arg0: i32, %arg1: i32, %arg2: memref<10240x128xf32, #tpu.memory_space<hbm>>, %arg3: memref<10240x128xf32, #tpu.memory_space<hbm>>, %arg4: memref<10240x128xf32, #tpu.memory_space<hbm>>, %arg5: memref<327680xi32, #tpu.memory_space<hbm>>, %arg6: memref<32x80x128xi32, #tpu.memory_space<hbm>>, %arg7: memref<2x10240x128xf32, #tpu.memory_space<hbm>>, %arg8: memref<10240x128xf32, #tpu.memory_space<vmem_shared>>, %arg9: memref<80x128xi32, #tpu.memory_space<vmem>>, %arg10: memref<4x128xi32, #tpu.memory_space<vmem>>, %arg11: memref<128x128xf32, #tpu.memory_space<vmem>>, %arg12: memref<128x128xf32, #tpu.memory_space<vmem>>, %arg13: memref<!tpu.dma_semaphore, #tpu.memory_space<semaphore_mem>>, %arg14: memref<!tpu.dma_semaphore, #tpu.memory_space<semaphore_mem>>, %arg15: memref<!tpu.dma_semaphore, #tpu.memory_space<semaphore_mem>>, %arg16: memref<!tpu.dma_semaphore, #tpu.memory_space<semaphore_mem>>, %arg17: memref<4x!tpu.dma_semaphore, #tpu.memory_space<semaphore_mem>>) attributes {dimension_semantics = [#tpu.dimension_semantics<core_parallel>, #tpu.dimension_semantics<subcore_parallel>], iteration_bounds = array<i64: 2, 16>, scalar_prefetch = 0 : i64, scratch_operands = 10 : i64, tpu.core_type = #tpu.core_type<sc_vector_subcore>, window_params = [{transform_indices = #map}, {transform_indices = #map}, {transform_indices = #map}, {transform_indices = #map1}, {transform_indices = #map2}, {transform_indices = #map2}]} {
    %mul3A = arith.constant 16 : i32
    %mul3A_0 = arith.muli %arg0, %mul3A : i32
    %add3A = arith.addi %mul3A_0, %arg1 : i32
    %mul3A_1 = arith.constant 640 : i32
    %mul3A_2 = arith.muli %arg1, %mul3A_1 : i32
    %mul3A_3 = arith.constant 10240 : i32
    %mul3A_4 = arith.muli %add3A, %mul3A_3 : i32
    %eq3A = arith.constant 0 : i32
    %eq3A_5 = arith.cmpi eq, %arg0, %eq3A : i32
    %convert_element_type3A = arith.extui %eq3A_5 : i1 to i32
    %cond3A = arith.constant 0 : i32
    %cond3A_6 = arith.cmpi ne, %convert_element_type3A, %cond3A : i32
    scf.if %cond3A_6 {
      %dma_start3A_198 = arith.constant 0 : i32
      %dma_start3A_199 = tpu.memref_slice %arg8[%mul3A_2, %dma_start3A_198] : memref<10240x128xf32, #tpu.memory_space<vmem_shared>> -> memref<640x128xf32, #tpu.memory_space<vmem_shared>>
      %dma_start3A_200 = arith.constant 0 : i32
      %dma_start3A_201 = tpu.memref_slice %arg3[%mul3A_2, %dma_start3A_200] : memref<10240x128xf32, #tpu.memory_space<hbm>> -> memref<640x128xf32, #tpu.memory_space<hbm>>
      tpu.enqueue_dma source(%dma_start3A_201 : memref<640x128xf32, #tpu.memory_space<hbm>>) target(%dma_start3A_199 : memref<640x128xf32, #tpu.memory_space<vmem_shared>>) target_semaphore(%arg15 : memref<!tpu.dma_semaphore, #tpu.memory_space<semaphore_mem>>)
    } else {
    }
    %eq3A_7 = arith.constant 1 : i32
    %eq3A_8 = arith.cmpi eq, %arg0, %eq3A_7 : i32
    %convert_element_type3A_9 = arith.extui %eq3A_8 : i1 to i32
    %cond3A_10 = arith.constant 0 : i32
    %cond3A_11 = arith.cmpi ne, %convert_element_type3A_9, %cond3A_10 : i32
    scf.if %cond3A_11 {
      %dma_start3A_198 = arith.constant 0 : i32
      %dma_start3A_199 = tpu.memref_slice %arg8[%mul3A_2, %dma_start3A_198] : memref<10240x128xf32, #tpu.memory_space<vmem_shared>> -> memref<640x128xf32, #tpu.memory_space<vmem_shared>>
      %dma_start3A_200 = arith.constant 0 : i32
      %dma_start3A_201 = tpu.memref_slice %arg4[%mul3A_2, %dma_start3A_200] : memref<10240x128xf32, #tpu.memory_space<hbm>> -> memref<640x128xf32, #tpu.memory_space<hbm>>
      tpu.enqueue_dma source(%dma_start3A_201 : memref<640x128xf32, #tpu.memory_space<hbm>>) target(%dma_start3A_199 : memref<640x128xf32, #tpu.memory_space<vmem_shared>>) target_semaphore(%arg15 : memref<!tpu.dma_semaphore, #tpu.memory_space<semaphore_mem>>)
    } else {
    }
    "tpu.region"() ({
      %run_scoped3A_198 = tpu.sem_alloc : memref<!tpu.dma_semaphore, #tpu.memory_space<semaphore_mem>>
      %dma_start3A_199 = arith.constant 0 : i32
      %dma_start3A_200 = arith.constant 0 : i32
      %dma_start3A_201 = tpu.memref_slice %arg6[%add3A, %dma_start3A_199, %dma_start3A_200] : memref<32x80x128xi32, #tpu.memory_space<hbm>> -> memref<1x80x128xi32, #tpu.memory_space<hbm>>
      %dma_start3A_202 = tpu.memref_squeeze %dma_start3A_201 : memref<1x80x128xi32, #tpu.memory_space<hbm>> -> memref<80x128xi32, #tpu.memory_space<hbm>>
      %dma_start3A_203 = arith.constant 0 : i32
      %dma_start3A_204 = arith.constant 0 : i32
      %dma_start3A_205 = tpu.memref_slice %arg6[%add3A, %dma_start3A_203, %dma_start3A_204] : memref<32x80x128xi32, #tpu.memory_space<hbm>> -> memref<1x80x128xi32, #tpu.memory_space<hbm>>
      %dma_start3A_206 = tpu.memref_squeeze %dma_start3A_205 : memref<1x80x128xi32, #tpu.memory_space<hbm>> -> memref<80x128xi32, #tpu.memory_space<hbm>>
      tpu.enqueue_dma source(%dma_start3A_206 : memref<80x128xi32, #tpu.memory_space<hbm>>) target(%arg9 : memref<80x128xi32, #tpu.memory_space<vmem>>) target_semaphore(%run_scoped3A_198 : memref<!tpu.dma_semaphore, #tpu.memory_space<semaphore_mem>>)
      %dma_wait3A_207 = arith.constant 0 : i32
      %dma_wait3A_208 = arith.constant 0 : i32
      %dma_wait3A_209 = tpu.memref_slice %arg6[%add3A, %dma_wait3A_207, %dma_wait3A_208] : memref<32x80x128xi32, #tpu.memory_space<hbm>> -> memref<1x80x128xi32, #tpu.memory_space<hbm>>
      %dma_wait3A_210 = tpu.memref_squeeze %dma_wait3A_209 : memref<1x80x128xi32, #tpu.memory_space<hbm>> -> memref<80x128xi32, #tpu.memory_space<hbm>>
      %dma_wait3A_211 = arith.constant 0 : i32
      %dma_wait3A_212 = arith.constant 0 : i32
      %dma_wait3A_213 = tpu.memref_slice %arg6[%add3A, %dma_wait3A_211, %dma_wait3A_212] : memref<32x80x128xi32, #tpu.memory_space<hbm>> -> memref<1x80x128xi32, #tpu.memory_space<hbm>>
      %dma_wait3A_214 = tpu.memref_squeeze %dma_wait3A_213 : memref<1x80x128xi32, #tpu.memory_space<hbm>> -> memref<80x128xi32, #tpu.memory_space<hbm>>
      tpu.wait_dma2 semaphore(%run_scoped3A_198 : memref<!tpu.dma_semaphore, #tpu.memory_space<semaphore_mem>>) src(%dma_wait3A_214 : memref<80x128xi32, #tpu.memory_space<hbm>>) dst(%arg9 : memref<80x128xi32, #tpu.memory_space<vmem>>)
      tpu.yield
    }) : () -> ()
    %add3A_12 = arith.constant 0 : i32
    %add3A_13 = arith.addi %mul3A_4, %add3A_12 : i32
    %run_scoped3A = arith.constant 0 : i32
    "tpu.region"() ({
      %run_scoped3A_198 = tpu.sem_alloc : memref<!tpu.dma_semaphore, #tpu.memory_space<semaphore_mem>>
      %dma_start3A_199 = arith.constant 0 : i32
      %dma_start3A_200 = tpu.memref_slice %arg10[%run_scoped3A, %dma_start3A_199] : memref<4x128xi32, #tpu.memory_space<vmem>> -> memref<1x128xi32, #tpu.memory_space<vmem>>
      %dma_start3A_201 = tpu.memref_squeeze %dma_start3A_200 : memref<1x128xi32, #tpu.memory_space<vmem>> -> memref<128xi32, #tpu.memory_space<vmem>>
      %dma_start3A_202 = tpu.memref_slice %arg5[%add3A_13] : memref<327680xi32, #tpu.memory_space<hbm>> -> memref<128xi32, #tpu.memory_space<hbm>>
      %dma_start3A_203 = arith.constant 0 : i32
      %dma_start3A_204 = tpu.memref_slice %arg10[%run_scoped3A, %dma_start3A_203] : memref<4x128xi32, #tpu.memory_space<vmem>> -> memref<1x128xi32, #tpu.memory_space<vmem>>
      %dma_start3A_205 = tpu.memref_squeeze %dma_start3A_204 : memref<1x128xi32, #tpu.memory_space<vmem>> -> memref<128xi32, #tpu.memory_space<vmem>>
      %dma_start3A_206 = tpu.memref_slice %arg5[%add3A_13] : memref<327680xi32, #tpu.memory_space<hbm>> -> memref<128xi32, #tpu.memory_space<hbm>>
      tpu.enqueue_dma source(%dma_start3A_206 : memref<128xi32, #tpu.memory_space<hbm>>) target(%dma_start3A_205 : memref<128xi32, #tpu.memory_space<vmem>>) target_semaphore(%run_scoped3A_198 : memref<!tpu.dma_semaphore, #tpu.memory_space<semaphore_mem>>)
      %dma_wait3A_207 = arith.constant 0 : i32
      %dma_wait3A_208 = tpu.memref_slice %arg10[%run_scoped3A, %dma_wait3A_207] : memref<4x128xi32, #tpu.memory_space<vmem>> -> memref<1x128xi32, #tpu.memory_space<vmem>>
      %dma_wait3A_209 = tpu.memref_squeeze %dma_wait3A_208 : memref<1x128xi32, #tpu.memory_space<vmem>> -> memref<128xi32, #tpu.memory_space<vmem>>
      %dma_wait3A_210 = tpu.memref_slice %arg5[%add3A_13] : memref<327680xi32, #tpu.memory_space<hbm>> -> memref<128xi32, #tpu.memory_space<hbm>>
      %dma_wait3A_211 = arith.constant 0 : i32
      %dma_wait3A_212 = tpu.memref_slice %arg10[%run_scoped3A, %dma_wait3A_211] : memref<4x128xi32, #tpu.memory_space<vmem>> -> memref<1x128xi32, #tpu.memory_space<vmem>>
      %dma_wait3A_213 = tpu.memref_squeeze %dma_wait3A_212 : memref<1x128xi32, #tpu.memory_space<vmem>> -> memref<128xi32, #tpu.memory_space<vmem>>
      %dma_wait3A_214 = tpu.memref_slice %arg5[%add3A_13] : memref<327680xi32, #tpu.memory_space<hbm>> -> memref<128xi32, #tpu.memory_space<hbm>>
      tpu.wait_dma2 semaphore(%run_scoped3A_198 : memref<!tpu.dma_semaphore, #tpu.memory_space<semaphore_mem>>) src(%dma_wait3A_214 : memref<128xi32, #tpu.memory_space<hbm>>) dst(%dma_wait3A_213 : memref<128xi32, #tpu.memory_space<vmem>>)
      tpu.yield
    }) : () -> ()
    %add3A_14 = arith.constant 128 : i32
    %add3A_15 = arith.addi %mul3A_4, %add3A_14 : i32
    %run_scoped3A_16 = arith.constant 1 : i32
    "tpu.region"() ({
      %run_scoped3A_198 = tpu.sem_alloc : memref<!tpu.dma_semaphore, #tpu.memory_space<semaphore_mem>>
      %dma_start3A_199 = arith.constant 0 : i32
      %dma_start3A_200 = tpu.memref_slice %arg10[%run_scoped3A_16, %dma_start3A_199] : memref<4x128xi32, #tpu.memory_space<vmem>> -> memref<1x128xi32, #tpu.memory_space<vmem>>
      %dma_start3A_201 = tpu.memref_squeeze %dma_start3A_200 : memref<1x128xi32, #tpu.memory_space<vmem>> -> memref<128xi32, #tpu.memory_space<vmem>>
      %dma_start3A_202 = tpu.memref_slice %arg5[%add3A_15] : memref<327680xi32, #tpu.memory_space<hbm>> -> memref<128xi32, #tpu.memory_space<hbm>>
      %dma_start3A_203 = arith.constant 0 : i32
      %dma_start3A_204 = tpu.memref_slice %arg10[%run_scoped3A_16, %dma_start3A_203] : memref<4x128xi32, #tpu.memory_space<vmem>> -> memref<1x128xi32, #tpu.memory_space<vmem>>
      %dma_start3A_205 = tpu.memref_squeeze %dma_start3A_204 : memref<1x128xi32, #tpu.memory_space<vmem>> -> memref<128xi32, #tpu.memory_space<vmem>>
      %dma_start3A_206 = tpu.memref_slice %arg5[%add3A_15] : memref<327680xi32, #tpu.memory_space<hbm>> -> memref<128xi32, #tpu.memory_space<hbm>>
      tpu.enqueue_dma source(%dma_start3A_206 : memref<128xi32, #tpu.memory_space<hbm>>) target(%dma_start3A_205 : memref<128xi32, #tpu.memory_space<vmem>>) target_semaphore(%run_scoped3A_198 : memref<!tpu.dma_semaphore, #tpu.memory_space<semaphore_mem>>)
      %dma_wait3A_207 = arith.constant 0 : i32
      %dma_wait3A_208 = tpu.memref_slice %arg10[%run_scoped3A_16, %dma_wait3A_207] : memref<4x128xi32, #tpu.memory_space<vmem>> -> memref<1x128xi32, #tpu.memory_space<vmem>>
      %dma_wait3A_209 = tpu.memref_squeeze %dma_wait3A_208 : memref<1x128xi32, #tpu.memory_space<vmem>> -> memref<128xi32, #tpu.memory_space<vmem>>
      %dma_wait3A_210 = tpu.memref_slice %arg5[%add3A_15] : memref<327680xi32, #tpu.memory_space<hbm>> -> memref<128xi32, #tpu.memory_space<hbm>>
      %dma_wait3A_211 = arith.constant 0 : i32
      %dma_wait3A_212 = tpu.memref_slice %arg10[%run_scoped3A_16, %dma_wait3A_211] : memref<4x128xi32, #tpu.memory_space<vmem>> -> memref<1x128xi32, #tpu.memory_space<vmem>>
      %dma_wait3A_213 = tpu.memref_squeeze %dma_wait3A_212 : memref<1x128xi32, #tpu.memory_space<vmem>> -> memref<128xi32, #tpu.memory_space<vmem>>
      %dma_wait3A_214 = tpu.memref_slice %arg5[%add3A_15] : memref<327680xi32, #tpu.memory_space<hbm>> -> memref<128xi32, #tpu.memory_space<hbm>>
      tpu.wait_dma2 semaphore(%run_scoped3A_198 : memref<!tpu.dma_semaphore, #tpu.memory_space<semaphore_mem>>) src(%dma_wait3A_214 : memref<128xi32, #tpu.memory_space<hbm>>) dst(%dma_wait3A_213 : memref<128xi32, #tpu.memory_space<vmem>>)
      tpu.yield
    }) : () -> ()
    %dma_start3A = arith.constant 0 : i32
    %dma_start3A_17 = arith.constant 0 : i32
    %dma_start3A_18 = tpu.memref_slice %arg10[%dma_start3A, %dma_start3A_17] : memref<4x128xi32, #tpu.memory_space<vmem>> -> memref<1x128xi32, #tpu.memory_space<vmem>>
    %dma_start3A_19 = tpu.memref_squeeze %dma_start3A_18 : memref<1x128xi32, #tpu.memory_space<vmem>> -> memref<128xi32, #tpu.memory_space<vmem>>
    %dma_start3A_20 = arith.constant 0 : i32
    %dma_start3A_21 = arith.constant 0 : i32
    %dma_start3A_22 = tpu.memref_slice %arg2[%dma_start3A_20, %dma_start3A_21] : memref<10240x128xf32, #tpu.memory_space<hbm>> -> memref<10240x128xf32, #tpu.memory_space<hbm>>
    tpu.enqueue_indirect_dma source(%dma_start3A_22 : memref<10240x128xf32, #tpu.memory_space<hbm>>) target(%arg11 : memref<128x128xf32, #tpu.memory_space<vmem>>) offsets(%dma_start3A_19 : memref<128xi32, #tpu.memory_space<vmem>>) semaphore(%arg13 : memref<!tpu.dma_semaphore, #tpu.memory_space<semaphore_mem>>)
    %dma_start3A_23 = arith.constant 1 : i32
    %dma_start3A_24 = arith.constant 0 : i32
    %dma_start3A_25 = tpu.memref_slice %arg10[%dma_start3A_23, %dma_start3A_24] : memref<4x128xi32, #tpu.memory_space<vmem>> -> memref<1x128xi32, #tpu.memory_space<vmem>>
    %dma_start3A_26 = tpu.memref_squeeze %dma_start3A_25 : memref<1x128xi32, #tpu.memory_space<vmem>> -> memref<128xi32, #tpu.memory_space<vmem>>
    %dma_start3A_27 = arith.constant 0 : i32
    %dma_start3A_28 = arith.constant 0 : i32
    %dma_start3A_29 = tpu.memref_slice %arg2[%dma_start3A_27, %dma_start3A_28] : memref<10240x128xf32, #tpu.memory_space<hbm>> -> memref<10240x128xf32, #tpu.memory_space<hbm>>
    tpu.enqueue_indirect_dma source(%dma_start3A_29 : memref<10240x128xf32, #tpu.memory_space<hbm>>) target(%arg12 : memref<128x128xf32, #tpu.memory_space<vmem>>) offsets(%dma_start3A_26 : memref<128xi32, #tpu.memory_space<vmem>>) semaphore(%arg14 : memref<!tpu.dma_semaphore, #tpu.memory_space<semaphore_mem>>)
    %add3A_30 = arith.constant 256 : i32
    %add3A_31 = arith.addi %mul3A_4, %add3A_30 : i32
    %dma_start3A_32 = arith.constant 2 : i32
    %dma_start3A_33 = arith.constant 2 : i32
    %dma_start3A_34 = arith.constant 0 : i32
    %dma_start3A_35 = tpu.memref_slice %arg10[%dma_start3A_32, %dma_start3A_34] : memref<4x128xi32, #tpu.memory_space<vmem>> -> memref<1x128xi32, #tpu.memory_space<vmem>>
    %dma_start3A_36 = tpu.memref_squeeze %dma_start3A_35 : memref<1x128xi32, #tpu.memory_space<vmem>> -> memref<128xi32, #tpu.memory_space<vmem>>
    %dma_start3A_37 = tpu.memref_slice %arg5[%add3A_31] : memref<327680xi32, #tpu.memory_space<hbm>> -> memref<128xi32, #tpu.memory_space<hbm>>
    %dma_start3A_38 = tpu.memref_slice %arg17[%dma_start3A_33] : memref<4x!tpu.dma_semaphore, #tpu.memory_space<semaphore_mem>> -> memref<1x!tpu.dma_semaphore, #tpu.memory_space<semaphore_mem>>
    %dma_start3A_39 = tpu.memref_squeeze %dma_start3A_38 : memref<1x!tpu.dma_semaphore, #tpu.memory_space<semaphore_mem>> -> memref<!tpu.dma_semaphore, #tpu.memory_space<semaphore_mem>>
    %dma_start3A_40 = arith.constant 0 : i32
    %dma_start3A_41 = tpu.memref_slice %arg10[%dma_start3A_32, %dma_start3A_40] : memref<4x128xi32, #tpu.memory_space<vmem>> -> memref<1x128xi32, #tpu.memory_space<vmem>>
    %dma_start3A_42 = tpu.memref_squeeze %dma_start3A_41 : memref<1x128xi32, #tpu.memory_space<vmem>> -> memref<128xi32, #tpu.memory_space<vmem>>
    %dma_start3A_43 = tpu.memref_slice %arg5[%add3A_31] : memref<327680xi32, #tpu.memory_space<hbm>> -> memref<128xi32, #tpu.memory_space<hbm>>
    tpu.enqueue_dma source(%dma_start3A_43 : memref<128xi32, #tpu.memory_space<hbm>>) target(%dma_start3A_42 : memref<128xi32, #tpu.memory_space<vmem>>) target_semaphore(%dma_start3A_39 : memref<!tpu.dma_semaphore, #tpu.memory_space<semaphore_mem>>)
    %add3A_44 = arith.constant 384 : i32
    %add3A_45 = arith.addi %mul3A_4, %add3A_44 : i32
    %dma_start3A_46 = arith.constant 3 : i32
    %dma_start3A_47 = arith.constant 3 : i32
    %dma_start3A_48 = arith.constant 0 : i32
    %dma_start3A_49 = tpu.memref_slice %arg10[%dma_start3A_46, %dma_start3A_48] : memref<4x128xi32, #tpu.memory_space<vmem>> -> memref<1x128xi32, #tpu.memory_space<vmem>>
    %dma_start3A_50 = tpu.memref_squeeze %dma_start3A_49 : memref<1x128xi32, #tpu.memory_space<vmem>> -> memref<128xi32, #tpu.memory_space<vmem>>
    %dma_start3A_51 = tpu.memref_slice %arg5[%add3A_45] : memref<327680xi32, #tpu.memory_space<hbm>> -> memref<128xi32, #tpu.memory_space<hbm>>
    %dma_start3A_52 = tpu.memref_slice %arg17[%dma_start3A_47] : memref<4x!tpu.dma_semaphore, #tpu.memory_space<semaphore_mem>> -> memref<1x!tpu.dma_semaphore, #tpu.memory_space<semaphore_mem>>
    %dma_start3A_53 = tpu.memref_squeeze %dma_start3A_52 : memref<1x!tpu.dma_semaphore, #tpu.memory_space<semaphore_mem>> -> memref<!tpu.dma_semaphore, #tpu.memory_space<semaphore_mem>>
    %dma_start3A_54 = arith.constant 0 : i32
    %dma_start3A_55 = tpu.memref_slice %arg10[%dma_start3A_46, %dma_start3A_54] : memref<4x128xi32, #tpu.memory_space<vmem>> -> memref<1x128xi32, #tpu.memory_space<vmem>>
    %dma_start3A_56 = tpu.memref_squeeze %dma_start3A_55 : memref<1x128xi32, #tpu.memory_space<vmem>> -> memref<128xi32, #tpu.memory_space<vmem>>
    %dma_start3A_57 = tpu.memref_slice %arg5[%add3A_45] : memref<327680xi32, #tpu.memory_space<hbm>> -> memref<128xi32, #tpu.memory_space<hbm>>
    tpu.enqueue_dma source(%dma_start3A_57 : memref<128xi32, #tpu.memory_space<hbm>>) target(%dma_start3A_56 : memref<128xi32, #tpu.memory_space<vmem>>) target_semaphore(%dma_start3A_53 : memref<!tpu.dma_semaphore, #tpu.memory_space<semaphore_mem>>)
    %eq3A_58 = arith.constant 0 : i32
    %eq3A_59 = arith.cmpi eq, %arg0, %eq3A_58 : i32
    %convert_element_type3A_60 = arith.extui %eq3A_59 : i1 to i32
    %cond3A_61 = arith.constant 0 : i32
    %cond3A_62 = arith.cmpi ne, %convert_element_type3A_60, %cond3A_61 : i32
    scf.if %cond3A_62 {
      %dma_wait3A_198 = arith.constant 0 : i32
      %dma_wait3A_199 = tpu.memref_slice %arg8[%mul3A_2, %dma_wait3A_198] : memref<10240x128xf32, #tpu.memory_space<vmem_shared>> -> memref<640x128xf32, #tpu.memory_space<vmem_shared>>
      %dma_wait3A_200 = arith.constant 0 : i32
      %dma_wait3A_201 = tpu.memref_slice %arg3[%mul3A_2, %dma_wait3A_200] : memref<10240x128xf32, #tpu.memory_space<hbm>> -> memref<640x128xf32, #tpu.memory_space<hbm>>
      tpu.wait_dma2 semaphore(%arg15 : memref<!tpu.dma_semaphore, #tpu.memory_space<semaphore_mem>>) src(%dma_wait3A_201 : memref<640x128xf32, #tpu.memory_space<hbm>>) dst(%dma_wait3A_199 : memref<640x128xf32, #tpu.memory_space<vmem_shared>>)
    } else {
    }
    %eq3A_63 = arith.constant 1 : i32
    %eq3A_64 = arith.cmpi eq, %arg0, %eq3A_63 : i32
    %convert_element_type3A_65 = arith.extui %eq3A_64 : i1 to i32
    %cond3A_66 = arith.constant 0 : i32
    %cond3A_67 = arith.cmpi ne, %convert_element_type3A_65, %cond3A_66 : i32
    scf.if %cond3A_67 {
      %dma_wait3A_198 = arith.constant 0 : i32
      %dma_wait3A_199 = tpu.memref_slice %arg8[%mul3A_2, %dma_wait3A_198] : memref<10240x128xf32, #tpu.memory_space<vmem_shared>> -> memref<640x128xf32, #tpu.memory_space<vmem_shared>>
      %dma_wait3A_200 = arith.constant 0 : i32
      %dma_wait3A_201 = tpu.memref_slice %arg4[%mul3A_2, %dma_wait3A_200] : memref<10240x128xf32, #tpu.memory_space<hbm>> -> memref<640x128xf32, #tpu.memory_space<hbm>>
      tpu.wait_dma2 semaphore(%arg15 : memref<!tpu.dma_semaphore, #tpu.memory_space<semaphore_mem>>) src(%dma_wait3A_201 : memref<640x128xf32, #tpu.memory_space<hbm>>) dst(%dma_wait3A_199 : memref<640x128xf32, #tpu.memory_space<vmem_shared>>)
    } else {
    }
    %barrier3A = arith.constant 0 : index
    tpu.barrier barrier_id(%barrier3A)
    %dma_wait3A = arith.constant 0 : i32
    %dma_wait3A_68 = arith.constant 0 : i32
    %dma_wait3A_69 = tpu.memref_slice %arg10[%dma_wait3A, %dma_wait3A_68] : memref<4x128xi32, #tpu.memory_space<vmem>> -> memref<1x128xi32, #tpu.memory_space<vmem>>
    %dma_wait3A_70 = tpu.memref_squeeze %dma_wait3A_69 : memref<1x128xi32, #tpu.memory_space<vmem>> -> memref<128xi32, #tpu.memory_space<vmem>>
    %dma_wait3A_71 = arith.constant 0 : i32
    %dma_wait3A_72 = arith.constant 0 : i32
    %dma_wait3A_73 = tpu.memref_slice %arg2[%dma_wait3A_71, %dma_wait3A_72] : memref<10240x128xf32, #tpu.memory_space<hbm>> -> memref<10240x128xf32, #tpu.memory_space<hbm>>
    tpu.wait_indirect_dma semaphore(%arg13 : memref<!tpu.dma_semaphore, #tpu.memory_space<semaphore_mem>>) src(%dma_wait3A_73 : memref<10240x128xf32, #tpu.memory_space<hbm>>) dst(%arg11 : memref<128x128xf32, #tpu.memory_space<vmem>>)
    %dma_start3A_74 = arith.constant 0 : i32
    %dma_start3A_75 = arith.constant 0 : i32
    %dma_start3A_76 = tpu.memref_slice %arg9[%dma_start3A_74, %dma_start3A_75] : memref<80x128xi32, #tpu.memory_space<vmem>> -> memref<1x128xi32, #tpu.memory_space<vmem>>
    %dma_start3A_77 = tpu.memref_squeeze %dma_start3A_76 : memref<1x128xi32, #tpu.memory_space<vmem>> -> memref<128xi32, #tpu.memory_space<vmem>>
    %dma_start3A_78 = arith.constant 0 : i32
    %dma_start3A_79 = arith.constant 0 : i32
    %dma_start3A_80 = tpu.memref_slice %arg8[%dma_start3A_78, %dma_start3A_79] : memref<10240x128xf32, #tpu.memory_space<vmem_shared>> -> memref<10240x128xf32, #tpu.memory_space<vmem_shared>>
    tpu.enqueue_indirect_dma source(%arg11 : memref<128x128xf32, #tpu.memory_space<vmem>>) target(%dma_start3A_80 : memref<10240x128xf32, #tpu.memory_space<vmem_shared>>) offsets(%dma_start3A_77 : memref<128xi32, #tpu.memory_space<vmem>>) semaphore(%arg15 : memref<!tpu.dma_semaphore, #tpu.memory_space<semaphore_mem>>) {add = true}
    %scan3A = arith.constant 0 : i32
    %scan3A_81 = arith.constant 38 : i32
    %scan3A_82 = arith.addi %scan3A, %scan3A_81 : i32
    %scan3A_83 = arith.constant 1 : i32
    scf.for %scan3A_198 = %scan3A to %scan3A_82 step %scan3A_83  : i32 {
      %mul3A_199 = arith.constant 1 : i32
      %mul3A_200 = arith.muli %scan3A_198, %mul3A_199 : i32
      %add3A_201 = arith.constant 1 : i32
      %add3A_202 = arith.addi %add3A_201, %mul3A_200 : i32
      %mul3A_203 = arith.constant 2 : i32
      %mul3A_204 = arith.muli %mul3A_203, %add3A_202 : i32
      %sub3A = arith.constant 2 : i32
      %sub3A_205 = arith.subi %mul3A_204, %sub3A : i32
      %dma_wait3A_206 = arith.constant 0 : i32
      %dma_wait3A_207 = tpu.memref_slice %arg9[%sub3A_205, %dma_wait3A_206] : memref<80x128xi32, #tpu.memory_space<vmem>> -> memref<1x128xi32, #tpu.memory_space<vmem>>
      %dma_wait3A_208 = tpu.memref_squeeze %dma_wait3A_207 : memref<1x128xi32, #tpu.memory_space<vmem>> -> memref<128xi32, #tpu.memory_space<vmem>>
      %dma_wait3A_209 = arith.constant 0 : i32
      %dma_wait3A_210 = arith.constant 0 : i32
      %dma_wait3A_211 = tpu.memref_slice %arg8[%dma_wait3A_209, %dma_wait3A_210] : memref<10240x128xf32, #tpu.memory_space<vmem_shared>> -> memref<10240x128xf32, #tpu.memory_space<vmem_shared>>
      tpu.wait_indirect_dma semaphore(%arg15 : memref<!tpu.dma_semaphore, #tpu.memory_space<semaphore_mem>>) src(%arg11 : memref<128x128xf32, #tpu.memory_space<vmem>>) dst(%dma_wait3A_211 : memref<10240x128xf32, #tpu.memory_space<vmem_shared>>)
      %add3A_212 = arith.constant 2 : i32
      %add3A_213 = arith.addi %mul3A_204, %add3A_212 : i32
      %mul3A_214 = arith.constant 128 : i32
      %mul3A_215 = arith.muli %add3A_213, %mul3A_214 : i32
      %add3A_216 = arith.addi %mul3A_4, %mul3A_215 : i32
      %rem3A = arith.constant 4 : i32
      %rem3A_217 = arith.remsi %add3A_213, %rem3A : i32
      %rem3A_218 = arith.constant 4 : i32
      %rem3A_219 = arith.remsi %add3A_213, %rem3A_218 : i32
      %dma_start3A_220 = arith.constant 0 : i32
      %dma_start3A_221 = tpu.memref_slice %arg10[%rem3A_217, %dma_start3A_220] : memref<4x128xi32, #tpu.memory_space<vmem>> -> memref<1x128xi32, #tpu.memory_space<vmem>>
      %dma_start3A_222 = tpu.memref_squeeze %dma_start3A_221 : memref<1x128xi32, #tpu.memory_space<vmem>> -> memref<128xi32, #tpu.memory_space<vmem>>
      %dma_start3A_223 = tpu.memref_slice %arg5[%add3A_216] : memref<327680xi32, #tpu.memory_space<hbm>> -> memref<128xi32, #tpu.memory_space<hbm>>
      %dma_start3A_224 = tpu.memref_slice %arg17[%rem3A_219] : memref<4x!tpu.dma_semaphore, #tpu.memory_space<semaphore_mem>> -> memref<1x!tpu.dma_semaphore, #tpu.memory_space<semaphore_mem>>
      %dma_start3A_225 = tpu.memref_squeeze %dma_start3A_224 : memref<1x!tpu.dma_semaphore, #tpu.memory_space<semaphore_mem>> -> memref<!tpu.dma_semaphore, #tpu.memory_space<semaphore_mem>>
      %dma_start3A_226 = arith.constant 0 : i32
      %dma_start3A_227 = tpu.memref_slice %arg10[%rem3A_217, %dma_start3A_226] : memref<4x128xi32, #tpu.memory_space<vmem>> -> memref<1x128xi32, #tpu.memory_space<vmem>>
      %dma_start3A_228 = tpu.memref_squeeze %dma_start3A_227 : memref<1x128xi32, #tpu.memory_space<vmem>> -> memref<128xi32, #tpu.memory_space<vmem>>
      %dma_start3A_229 = tpu.memref_slice %arg5[%add3A_216] : memref<327680xi32, #tpu.memory_space<hbm>> -> memref<128xi32, #tpu.memory_space<hbm>>
      tpu.enqueue_dma source(%dma_start3A_229 : memref<128xi32, #tpu.memory_space<hbm>>) target(%dma_start3A_228 : memref<128xi32, #tpu.memory_space<vmem>>) target_semaphore(%dma_start3A_225 : memref<!tpu.dma_semaphore, #tpu.memory_space<semaphore_mem>>)
      %mul3A_230 = arith.constant 128 : i32
      %mul3A_231 = arith.muli %mul3A_204, %mul3A_230 : i32
      %add3A_232 = arith.addi %mul3A_4, %mul3A_231 : i32
      %rem3A_233 = arith.constant 4 : i32
      %rem3A_234 = arith.remsi %mul3A_204, %rem3A_233 : i32
      %rem3A_235 = arith.constant 4 : i32
      %rem3A_236 = arith.remsi %mul3A_204, %rem3A_235 : i32
      %dma_wait3A_237 = arith.constant 0 : i32
      %dma_wait3A_238 = tpu.memref_slice %arg10[%rem3A_234, %dma_wait3A_237] : memref<4x128xi32, #tpu.memory_space<vmem>> -> memref<1x128xi32, #tpu.memory_space<vmem>>
      %dma_wait3A_239 = tpu.memref_squeeze %dma_wait3A_238 : memref<1x128xi32, #tpu.memory_space<vmem>> -> memref<128xi32, #tpu.memory_space<vmem>>
      %dma_wait3A_240 = tpu.memref_slice %arg5[%add3A_232] : memref<327680xi32, #tpu.memory_space<hbm>> -> memref<128xi32, #tpu.memory_space<hbm>>
      %dma_wait3A_241 = tpu.memref_slice %arg17[%rem3A_236] : memref<4x!tpu.dma_semaphore, #tpu.memory_space<semaphore_mem>> -> memref<1x!tpu.dma_semaphore, #tpu.memory_space<semaphore_mem>>
      %dma_wait3A_242 = tpu.memref_squeeze %dma_wait3A_241 : memref<1x!tpu.dma_semaphore, #tpu.memory_space<semaphore_mem>> -> memref<!tpu.dma_semaphore, #tpu.memory_space<semaphore_mem>>
      %dma_wait3A_243 = arith.constant 0 : i32
      %dma_wait3A_244 = tpu.memref_slice %arg10[%rem3A_234, %dma_wait3A_243] : memref<4x128xi32, #tpu.memory_space<vmem>> -> memref<1x128xi32, #tpu.memory_space<vmem>>
      %dma_wait3A_245 = tpu.memref_squeeze %dma_wait3A_244 : memref<1x128xi32, #tpu.memory_space<vmem>> -> memref<128xi32, #tpu.memory_space<vmem>>
      %dma_wait3A_246 = tpu.memref_slice %arg5[%add3A_232] : memref<327680xi32, #tpu.memory_space<hbm>> -> memref<128xi32, #tpu.memory_space<hbm>>
      tpu.wait_dma2 semaphore(%dma_wait3A_242 : memref<!tpu.dma_semaphore, #tpu.memory_space<semaphore_mem>>) src(%dma_wait3A_246 : memref<128xi32, #tpu.memory_space<hbm>>) dst(%dma_wait3A_245 : memref<128xi32, #tpu.memory_space<vmem>>)
      %rem3A_247 = arith.constant 4 : i32
      %rem3A_248 = arith.remsi %mul3A_204, %rem3A_247 : i32
      %dma_start3A_249 = arith.constant 0 : i32
      %dma_start3A_250 = tpu.memref_slice %arg10[%rem3A_248, %dma_start3A_249] : memref<4x128xi32, #tpu.memory_space<vmem>> -> memref<1x128xi32, #tpu.memory_space<vmem>>
      %dma_start3A_251 = tpu.memref_squeeze %dma_start3A_250 : memref<1x128xi32, #tpu.memory_space<vmem>> -> memref<128xi32, #tpu.memory_space<vmem>>
      %dma_start3A_252 = arith.constant 0 : i32
      %dma_start3A_253 = arith.constant 0 : i32
      %dma_start3A_254 = tpu.memref_slice %arg2[%dma_start3A_252, %dma_start3A_253] : memref<10240x128xf32, #tpu.memory_space<hbm>> -> memref<10240x128xf32, #tpu.memory_space<hbm>>
      tpu.enqueue_indirect_dma source(%dma_start3A_254 : memref<10240x128xf32, #tpu.memory_space<hbm>>) target(%arg11 : memref<128x128xf32, #tpu.memory_space<vmem>>) offsets(%dma_start3A_251 : memref<128xi32, #tpu.memory_space<vmem>>) semaphore(%arg13 : memref<!tpu.dma_semaphore, #tpu.memory_space<semaphore_mem>>)
      %sub3A_255 = arith.constant 1 : i32
      %sub3A_256 = arith.subi %mul3A_204, %sub3A_255 : i32
      %rem3A_257 = arith.constant 4 : i32
      %rem3A_258 = arith.remsi %sub3A_256, %rem3A_257 : i32
      %dma_wait3A_259 = arith.constant 0 : i32
      %dma_wait3A_260 = tpu.memref_slice %arg10[%rem3A_258, %dma_wait3A_259] : memref<4x128xi32, #tpu.memory_space<vmem>> -> memref<1x128xi32, #tpu.memory_space<vmem>>
      %dma_wait3A_261 = tpu.memref_squeeze %dma_wait3A_260 : memref<1x128xi32, #tpu.memory_space<vmem>> -> memref<128xi32, #tpu.memory_space<vmem>>
      %dma_wait3A_262 = arith.constant 0 : i32
      %dma_wait3A_263 = arith.constant 0 : i32
      %dma_wait3A_264 = tpu.memref_slice %arg2[%dma_wait3A_262, %dma_wait3A_263] : memref<10240x128xf32, #tpu.memory_space<hbm>> -> memref<10240x128xf32, #tpu.memory_space<hbm>>
      tpu.wait_indirect_dma semaphore(%arg14 : memref<!tpu.dma_semaphore, #tpu.memory_space<semaphore_mem>>) src(%dma_wait3A_264 : memref<10240x128xf32, #tpu.memory_space<hbm>>) dst(%arg12 : memref<128x128xf32, #tpu.memory_space<vmem>>)
      %sub3A_265 = arith.constant 1 : i32
      %sub3A_266 = arith.subi %mul3A_204, %sub3A_265 : i32
      %dma_start3A_267 = arith.constant 0 : i32
      %dma_start3A_268 = tpu.memref_slice %arg9[%sub3A_266, %dma_start3A_267] : memref<80x128xi32, #tpu.memory_space<vmem>> -> memref<1x128xi32, #tpu.memory_space<vmem>>
      %dma_start3A_269 = tpu.memref_squeeze %dma_start3A_268 : memref<1x128xi32, #tpu.memory_space<vmem>> -> memref<128xi32, #tpu.memory_space<vmem>>
      %dma_start3A_270 = arith.constant 0 : i32
      %dma_start3A_271 = arith.constant 0 : i32
      %dma_start3A_272 = tpu.memref_slice %arg8[%dma_start3A_270, %dma_start3A_271] : memref<10240x128xf32, #tpu.memory_space<vmem_shared>> -> memref<10240x128xf32, #tpu.memory_space<vmem_shared>>
      tpu.enqueue_indirect_dma source(%arg12 : memref<128x128xf32, #tpu.memory_space<vmem>>) target(%dma_start3A_272 : memref<10240x128xf32, #tpu.memory_space<vmem_shared>>) offsets(%dma_start3A_269 : memref<128xi32, #tpu.memory_space<vmem>>) semaphore(%arg16 : memref<!tpu.dma_semaphore, #tpu.memory_space<semaphore_mem>>) {add = true}
      %sub3A_273 = arith.constant 1 : i32
      %sub3A_274 = arith.subi %mul3A_204, %sub3A_273 : i32
      %dma_wait3A_275 = arith.constant 0 : i32
      %dma_wait3A_276 = tpu.memref_slice %arg9[%sub3A_274, %dma_wait3A_275] : memref<80x128xi32, #tpu.memory_space<vmem>> -> memref<1x128xi32, #tpu.memory_space<vmem>>
      %dma_wait3A_277 = tpu.memref_squeeze %dma_wait3A_276 : memref<1x128xi32, #tpu.memory_space<vmem>> -> memref<128xi32, #tpu.memory_space<vmem>>
      %dma_wait3A_278 = arith.constant 0 : i32
      %dma_wait3A_279 = arith.constant 0 : i32
      %dma_wait3A_280 = tpu.memref_slice %arg8[%dma_wait3A_278, %dma_wait3A_279] : memref<10240x128xf32, #tpu.memory_space<vmem_shared>> -> memref<10240x128xf32, #tpu.memory_space<vmem_shared>>
      tpu.wait_indirect_dma semaphore(%arg16 : memref<!tpu.dma_semaphore, #tpu.memory_space<semaphore_mem>>) src(%arg12 : memref<128x128xf32, #tpu.memory_space<vmem>>) dst(%dma_wait3A_280 : memref<10240x128xf32, #tpu.memory_space<vmem_shared>>)
      %add3A_281 = arith.constant 3 : i32
      %add3A_282 = arith.addi %mul3A_204, %add3A_281 : i32
      %mul3A_283 = arith.constant 128 : i32
      %mul3A_284 = arith.muli %add3A_282, %mul3A_283 : i32
      %add3A_285 = arith.addi %mul3A_4, %mul3A_284 : i32
      %rem3A_286 = arith.constant 4 : i32
      %rem3A_287 = arith.remsi %add3A_282, %rem3A_286 : i32
      %rem3A_288 = arith.constant 4 : i32
      %rem3A_289 = arith.remsi %add3A_282, %rem3A_288 : i32
      %dma_start3A_290 = arith.constant 0 : i32
      %dma_start3A_291 = tpu.memref_slice %arg10[%rem3A_287, %dma_start3A_290] : memref<4x128xi32, #tpu.memory_space<vmem>> -> memref<1x128xi32, #tpu.memory_space<vmem>>
      %dma_start3A_292 = tpu.memref_squeeze %dma_start3A_291 : memref<1x128xi32, #tpu.memory_space<vmem>> -> memref<128xi32, #tpu.memory_space<vmem>>
      %dma_start3A_293 = tpu.memref_slice %arg5[%add3A_285] : memref<327680xi32, #tpu.memory_space<hbm>> -> memref<128xi32, #tpu.memory_space<hbm>>
      %dma_start3A_294 = tpu.memref_slice %arg17[%rem3A_289] : memref<4x!tpu.dma_semaphore, #tpu.memory_space<semaphore_mem>> -> memref<1x!tpu.dma_semaphore, #tpu.memory_space<semaphore_mem>>
      %dma_start3A_295 = tpu.memref_squeeze %dma_start3A_294 : memref<1x!tpu.dma_semaphore, #tpu.memory_space<semaphore_mem>> -> memref<!tpu.dma_semaphore, #tpu.memory_space<semaphore_mem>>
      %dma_start3A_296 = arith.constant 0 : i32
      %dma_start3A_297 = tpu.memref_slice %arg10[%rem3A_287, %dma_start3A_296] : memref<4x128xi32, #tpu.memory_space<vmem>> -> memref<1x128xi32, #tpu.memory_space<vmem>>
      %dma_start3A_298 = tpu.memref_squeeze %dma_start3A_297 : memref<1x128xi32, #tpu.memory_space<vmem>> -> memref<128xi32, #tpu.memory_space<vmem>>
      %dma_start3A_299 = tpu.memref_slice %arg5[%add3A_285] : memref<327680xi32, #tpu.memory_space<hbm>> -> memref<128xi32, #tpu.memory_space<hbm>>
      tpu.enqueue_dma source(%dma_start3A_299 : memref<128xi32, #tpu.memory_space<hbm>>) target(%dma_start3A_298 : memref<128xi32, #tpu.memory_space<vmem>>) target_semaphore(%dma_start3A_295 : memref<!tpu.dma_semaphore, #tpu.memory_space<semaphore_mem>>)
      %add3A_300 = arith.constant 1 : i32
      %add3A_301 = arith.addi %mul3A_204, %add3A_300 : i32
      %mul3A_302 = arith.constant 128 : i32
      %mul3A_303 = arith.muli %add3A_301, %mul3A_302 : i32
      %add3A_304 = arith.addi %mul3A_4, %mul3A_303 : i32
      %rem3A_305 = arith.constant 4 : i32
      %rem3A_306 = arith.remsi %add3A_301, %rem3A_305 : i32
      %rem3A_307 = arith.constant 4 : i32
      %rem3A_308 = arith.remsi %add3A_301, %rem3A_307 : i32
      %dma_wait3A_309 = arith.constant 0 : i32
      %dma_wait3A_310 = tpu.memref_slice %arg10[%rem3A_306, %dma_wait3A_309] : memref<4x128xi32, #tpu.memory_space<vmem>> -> memref<1x128xi32, #tpu.memory_space<vmem>>
      %dma_wait3A_311 = tpu.memref_squeeze %dma_wait3A_310 : memref<1x128xi32, #tpu.memory_space<vmem>> -> memref<128xi32, #tpu.memory_space<vmem>>
      %dma_wait3A_312 = tpu.memref_slice %arg5[%add3A_304] : memref<327680xi32, #tpu.memory_space<hbm>> -> memref<128xi32, #tpu.memory_space<hbm>>
      %dma_wait3A_313 = tpu.memref_slice %arg17[%rem3A_308] : memref<4x!tpu.dma_semaphore, #tpu.memory_space<semaphore_mem>> -> memref<1x!tpu.dma_semaphore, #tpu.memory_space<semaphore_mem>>
      %dma_wait3A_314 = tpu.memref_squeeze %dma_wait3A_313 : memref<1x!tpu.dma_semaphore, #tpu.memory_space<semaphore_mem>> -> memref<!tpu.dma_semaphore, #tpu.memory_space<semaphore_mem>>
      %dma_wait3A_315 = arith.constant 0 : i32
      %dma_wait3A_316 = tpu.memref_slice %arg10[%rem3A_306, %dma_wait3A_315] : memref<4x128xi32, #tpu.memory_space<vmem>> -> memref<1x128xi32, #tpu.memory_space<vmem>>
      %dma_wait3A_317 = tpu.memref_squeeze %dma_wait3A_316 : memref<1x128xi32, #tpu.memory_space<vmem>> -> memref<128xi32, #tpu.memory_space<vmem>>
      %dma_wait3A_318 = tpu.memref_slice %arg5[%add3A_304] : memref<327680xi32, #tpu.memory_space<hbm>> -> memref<128xi32, #tpu.memory_space<hbm>>
      tpu.wait_dma2 semaphore(%dma_wait3A_314 : memref<!tpu.dma_semaphore, #tpu.memory_space<semaphore_mem>>) src(%dma_wait3A_318 : memref<128xi32, #tpu.memory_space<hbm>>) dst(%dma_wait3A_317 : memref<128xi32, #tpu.memory_space<vmem>>)
      %add3A_319 = arith.constant 1 : i32
      %add3A_320 = arith.addi %mul3A_204, %add3A_319 : i32
      %rem3A_321 = arith.constant 4 : i32
      %rem3A_322 = arith.remsi %add3A_320, %rem3A_321 : i32
      %dma_start3A_323 = arith.constant 0 : i32
      %dma_start3A_324 = tpu.memref_slice %arg10[%rem3A_322, %dma_start3A_323] : memref<4x128xi32, #tpu.memory_space<vmem>> -> memref<1x128xi32, #tpu.memory_space<vmem>>
      %dma_start3A_325 = tpu.memref_squeeze %dma_start3A_324 : memref<1x128xi32, #tpu.memory_space<vmem>> -> memref<128xi32, #tpu.memory_space<vmem>>
      %dma_start3A_326 = arith.constant 0 : i32
      %dma_start3A_327 = arith.constant 0 : i32
      %dma_start3A_328 = tpu.memref_slice %arg2[%dma_start3A_326, %dma_start3A_327] : memref<10240x128xf32, #tpu.memory_space<hbm>> -> memref<10240x128xf32, #tpu.memory_space<hbm>>
      tpu.enqueue_indirect_dma source(%dma_start3A_328 : memref<10240x128xf32, #tpu.memory_space<hbm>>) target(%arg12 : memref<128x128xf32, #tpu.memory_space<vmem>>) offsets(%dma_start3A_325 : memref<128xi32, #tpu.memory_space<vmem>>) semaphore(%arg14 : memref<!tpu.dma_semaphore, #tpu.memory_space<semaphore_mem>>)
      %rem3A_329 = arith.constant 4 : i32
      %rem3A_330 = arith.remsi %mul3A_204, %rem3A_329 : i32
      %dma_wait3A_331 = arith.constant 0 : i32
      %dma_wait3A_332 = tpu.memref_slice %arg10[%rem3A_330, %dma_wait3A_331] : memref<4x128xi32, #tpu.memory_space<vmem>> -> memref<1x128xi32, #tpu.memory_space<vmem>>
      %dma_wait3A_333 = tpu.memref_squeeze %dma_wait3A_332 : memref<1x128xi32, #tpu.memory_space<vmem>> -> memref<128xi32, #tpu.memory_space<vmem>>
      %dma_wait3A_334 = arith.constant 0 : i32
      %dma_wait3A_335 = arith.constant 0 : i32
      %dma_wait3A_336 = tpu.memref_slice %arg2[%dma_wait3A_334, %dma_wait3A_335] : memref<10240x128xf32, #tpu.memory_space<hbm>> -> memref<10240x128xf32, #tpu.memory_space<hbm>>
      tpu.wait_indirect_dma semaphore(%arg13 : memref<!tpu.dma_semaphore, #tpu.memory_space<semaphore_mem>>) src(%dma_wait3A_336 : memref<10240x128xf32, #tpu.memory_space<hbm>>) dst(%arg11 : memref<128x128xf32, #tpu.memory_space<vmem>>)
      %dma_start3A_337 = arith.constant 0 : i32
      %dma_start3A_338 = tpu.memref_slice %arg9[%mul3A_204, %dma_start3A_337] : memref<80x128xi32, #tpu.memory_space<vmem>> -> memref<1x128xi32, #tpu.memory_space<vmem>>
      %dma_start3A_339 = tpu.memref_squeeze %dma_start3A_338 : memref<1x128xi32, #tpu.memory_space<vmem>> -> memref<128xi32, #tpu.memory_space<vmem>>
      %dma_start3A_340 = arith.constant 0 : i32
      %dma_start3A_341 = arith.constant 0 : i32
      %dma_start3A_342 = tpu.memref_slice %arg8[%dma_start3A_340, %dma_start3A_341] : memref<10240x128xf32, #tpu.memory_space<vmem_shared>> -> memref<10240x128xf32, #tpu.memory_space<vmem_shared>>
      tpu.enqueue_indirect_dma source(%arg11 : memref<128x128xf32, #tpu.memory_space<vmem>>) target(%dma_start3A_342 : memref<10240x128xf32, #tpu.memory_space<vmem_shared>>) offsets(%dma_start3A_339 : memref<128xi32, #tpu.memory_space<vmem>>) semaphore(%arg15 : memref<!tpu.dma_semaphore, #tpu.memory_space<semaphore_mem>>) {add = true}
    }
    %scan3A_84 = arith.constant 38 : i32
    %dma_wait3A_85 = arith.constant 76 : i32
    %dma_wait3A_86 = arith.constant 0 : i32
    %dma_wait3A_87 = tpu.memref_slice %arg9[%dma_wait3A_85, %dma_wait3A_86] : memref<80x128xi32, #tpu.memory_space<vmem>> -> memref<1x128xi32, #tpu.memory_space<vmem>>
    %dma_wait3A_88 = tpu.memref_squeeze %dma_wait3A_87 : memref<1x128xi32, #tpu.memory_space<vmem>> -> memref<128xi32, #tpu.memory_space<vmem>>
    %dma_wait3A_89 = arith.constant 0 : i32
    %dma_wait3A_90 = arith.constant 0 : i32
    %dma_wait3A_91 = tpu.memref_slice %arg8[%dma_wait3A_89, %dma_wait3A_90] : memref<10240x128xf32, #tpu.memory_space<vmem_shared>> -> memref<10240x128xf32, #tpu.memory_space<vmem_shared>>
    tpu.wait_indirect_dma semaphore(%arg15 : memref<!tpu.dma_semaphore, #tpu.memory_space<semaphore_mem>>) src(%arg11 : memref<128x128xf32, #tpu.memory_space<vmem>>) dst(%dma_wait3A_91 : memref<10240x128xf32, #tpu.memory_space<vmem_shared>>)
    %add3A_92 = arith.constant 9984 : i32
    %add3A_93 = arith.addi %mul3A_4, %add3A_92 : i32
    %dma_wait3A_94 = arith.constant 2 : i32
    %dma_wait3A_95 = arith.constant 2 : i32
    %dma_wait3A_96 = arith.constant 0 : i32
    %dma_wait3A_97 = tpu.memref_slice %arg10[%dma_wait3A_94, %dma_wait3A_96] : memref<4x128xi32, #tpu.memory_space<vmem>> -> memref<1x128xi32, #tpu.memory_space<vmem>>
    %dma_wait3A_98 = tpu.memref_squeeze %dma_wait3A_97 : memref<1x128xi32, #tpu.memory_space<vmem>> -> memref<128xi32, #tpu.memory_space<vmem>>
    %dma_wait3A_99 = tpu.memref_slice %arg5[%add3A_93] : memref<327680xi32, #tpu.memory_space<hbm>> -> memref<128xi32, #tpu.memory_space<hbm>>
    %dma_wait3A_100 = tpu.memref_slice %arg17[%dma_wait3A_95] : memref<4x!tpu.dma_semaphore, #tpu.memory_space<semaphore_mem>> -> memref<1x!tpu.dma_semaphore, #tpu.memory_space<semaphore_mem>>
    %dma_wait3A_101 = tpu.memref_squeeze %dma_wait3A_100 : memref<1x!tpu.dma_semaphore, #tpu.memory_space<semaphore_mem>> -> memref<!tpu.dma_semaphore, #tpu.memory_space<semaphore_mem>>
    %dma_wait3A_102 = arith.constant 0 : i32
    %dma_wait3A_103 = tpu.memref_slice %arg10[%dma_wait3A_94, %dma_wait3A_102] : memref<4x128xi32, #tpu.memory_space<vmem>> -> memref<1x128xi32, #tpu.memory_space<vmem>>
    %dma_wait3A_104 = tpu.memref_squeeze %dma_wait3A_103 : memref<1x128xi32, #tpu.memory_space<vmem>> -> memref<128xi32, #tpu.memory_space<vmem>>
    %dma_wait3A_105 = tpu.memref_slice %arg5[%add3A_93] : memref<327680xi32, #tpu.memory_space<hbm>> -> memref<128xi32, #tpu.memory_space<hbm>>
    tpu.wait_dma2 semaphore(%dma_wait3A_101 : memref<!tpu.dma_semaphore, #tpu.memory_space<semaphore_mem>>) src(%dma_wait3A_105 : memref<128xi32, #tpu.memory_space<hbm>>) dst(%dma_wait3A_104 : memref<128xi32, #tpu.memory_space<vmem>>)
    %dma_start3A_106 = arith.constant 2 : i32
    %dma_start3A_107 = arith.constant 0 : i32
    %dma_start3A_108 = tpu.memref_slice %arg10[%dma_start3A_106, %dma_start3A_107] : memref<4x128xi32, #tpu.memory_space<vmem>> -> memref<1x128xi32, #tpu.memory_space<vmem>>
    %dma_start3A_109 = tpu.memref_squeeze %dma_start3A_108 : memref<1x128xi32, #tpu.memory_space<vmem>> -> memref<128xi32, #tpu.memory_space<vmem>>
    %dma_start3A_110 = arith.constant 0 : i32
    %dma_start3A_111 = arith.constant 0 : i32
    %dma_start3A_112 = tpu.memref_slice %arg2[%dma_start3A_110, %dma_start3A_111] : memref<10240x128xf32, #tpu.memory_space<hbm>> -> memref<10240x128xf32, #tpu.memory_space<hbm>>
    tpu.enqueue_indirect_dma source(%dma_start3A_112 : memref<10240x128xf32, #tpu.memory_space<hbm>>) target(%arg11 : memref<128x128xf32, #tpu.memory_space<vmem>>) offsets(%dma_start3A_109 : memref<128xi32, #tpu.memory_space<vmem>>) semaphore(%arg13 : memref<!tpu.dma_semaphore, #tpu.memory_space<semaphore_mem>>)
    %dma_wait3A_113 = arith.constant 1 : i32
    %dma_wait3A_114 = arith.constant 0 : i32
    %dma_wait3A_115 = tpu.memref_slice %arg10[%dma_wait3A_113, %dma_wait3A_114] : memref<4x128xi32, #tpu.memory_space<vmem>> -> memref<1x128xi32, #tpu.memory_space<vmem>>
    %dma_wait3A_116 = tpu.memref_squeeze %dma_wait3A_115 : memref<1x128xi32, #tpu.memory_space<vmem>> -> memref<128xi32, #tpu.memory_space<vmem>>
    %dma_wait3A_117 = arith.constant 0 : i32
    %dma_wait3A_118 = arith.constant 0 : i32
    %dma_wait3A_119 = tpu.memref_slice %arg2[%dma_wait3A_117, %dma_wait3A_118] : memref<10240x128xf32, #tpu.memory_space<hbm>> -> memref<10240x128xf32, #tpu.memory_space<hbm>>
    tpu.wait_indirect_dma semaphore(%arg14 : memref<!tpu.dma_semaphore, #tpu.memory_space<semaphore_mem>>) src(%dma_wait3A_119 : memref<10240x128xf32, #tpu.memory_space<hbm>>) dst(%arg12 : memref<128x128xf32, #tpu.memory_space<vmem>>)
    %dma_start3A_120 = arith.constant 77 : i32
    %dma_start3A_121 = arith.constant 0 : i32
    %dma_start3A_122 = tpu.memref_slice %arg9[%dma_start3A_120, %dma_start3A_121] : memref<80x128xi32, #tpu.memory_space<vmem>> -> memref<1x128xi32, #tpu.memory_space<vmem>>
    %dma_start3A_123 = tpu.memref_squeeze %dma_start3A_122 : memref<1x128xi32, #tpu.memory_space<vmem>> -> memref<128xi32, #tpu.memory_space<vmem>>
    %dma_start3A_124 = arith.constant 0 : i32
    %dma_start3A_125 = arith.constant 0 : i32
    %dma_start3A_126 = tpu.memref_slice %arg8[%dma_start3A_124, %dma_start3A_125] : memref<10240x128xf32, #tpu.memory_space<vmem_shared>> -> memref<10240x128xf32, #tpu.memory_space<vmem_shared>>
    tpu.enqueue_indirect_dma source(%arg12 : memref<128x128xf32, #tpu.memory_space<vmem>>) target(%dma_start3A_126 : memref<10240x128xf32, #tpu.memory_space<vmem_shared>>) offsets(%dma_start3A_123 : memref<128xi32, #tpu.memory_space<vmem>>) semaphore(%arg16 : memref<!tpu.dma_semaphore, #tpu.memory_space<semaphore_mem>>) {add = true}
    %dma_wait3A_127 = arith.constant 77 : i32
    %dma_wait3A_128 = arith.constant 0 : i32
    %dma_wait3A_129 = tpu.memref_slice %arg9[%dma_wait3A_127, %dma_wait3A_128] : memref<80x128xi32, #tpu.memory_space<vmem>> -> memref<1x128xi32, #tpu.memory_space<vmem>>
    %dma_wait3A_130 = tpu.memref_squeeze %dma_wait3A_129 : memref<1x128xi32, #tpu.memory_space<vmem>> -> memref<128xi32, #tpu.memory_space<vmem>>
    %dma_wait3A_131 = arith.constant 0 : i32
    %dma_wait3A_132 = arith.constant 0 : i32
    %dma_wait3A_133 = tpu.memref_slice %arg8[%dma_wait3A_131, %dma_wait3A_132] : memref<10240x128xf32, #tpu.memory_space<vmem_shared>> -> memref<10240x128xf32, #tpu.memory_space<vmem_shared>>
    tpu.wait_indirect_dma semaphore(%arg16 : memref<!tpu.dma_semaphore, #tpu.memory_space<semaphore_mem>>) src(%arg12 : memref<128x128xf32, #tpu.memory_space<vmem>>) dst(%dma_wait3A_133 : memref<10240x128xf32, #tpu.memory_space<vmem_shared>>)
    %add3A_134 = arith.constant 10112 : i32
    %add3A_135 = arith.addi %mul3A_4, %add3A_134 : i32
    %dma_wait3A_136 = arith.constant 3 : i32
    %dma_wait3A_137 = arith.constant 3 : i32
    %dma_wait3A_138 = arith.constant 0 : i32
    %dma_wait3A_139 = tpu.memref_slice %arg10[%dma_wait3A_136, %dma_wait3A_138] : memref<4x128xi32, #tpu.memory_space<vmem>> -> memref<1x128xi32, #tpu.memory_space<vmem>>
    %dma_wait3A_140 = tpu.memref_squeeze %dma_wait3A_139 : memref<1x128xi32, #tpu.memory_space<vmem>> -> memref<128xi32, #tpu.memory_space<vmem>>
    %dma_wait3A_141 = tpu.memref_slice %arg5[%add3A_135] : memref<327680xi32, #tpu.memory_space<hbm>> -> memref<128xi32, #tpu.memory_space<hbm>>
    %dma_wait3A_142 = tpu.memref_slice %arg17[%dma_wait3A_137] : memref<4x!tpu.dma_semaphore, #tpu.memory_space<semaphore_mem>> -> memref<1x!tpu.dma_semaphore, #tpu.memory_space<semaphore_mem>>
    %dma_wait3A_143 = tpu.memref_squeeze %dma_wait3A_142 : memref<1x!tpu.dma_semaphore, #tpu.memory_space<semaphore_mem>> -> memref<!tpu.dma_semaphore, #tpu.memory_space<semaphore_mem>>
    %dma_wait3A_144 = arith.constant 0 : i32
    %dma_wait3A_145 = tpu.memref_slice %arg10[%dma_wait3A_136, %dma_wait3A_144] : memref<4x128xi32, #tpu.memory_space<vmem>> -> memref<1x128xi32, #tpu.memory_space<vmem>>
    %dma_wait3A_146 = tpu.memref_squeeze %dma_wait3A_145 : memref<1x128xi32, #tpu.memory_space<vmem>> -> memref<128xi32, #tpu.memory_space<vmem>>
    %dma_wait3A_147 = tpu.memref_slice %arg5[%add3A_135] : memref<327680xi32, #tpu.memory_space<hbm>> -> memref<128xi32, #tpu.memory_space<hbm>>
    tpu.wait_dma2 semaphore(%dma_wait3A_143 : memref<!tpu.dma_semaphore, #tpu.memory_space<semaphore_mem>>) src(%dma_wait3A_147 : memref<128xi32, #tpu.memory_space<hbm>>) dst(%dma_wait3A_146 : memref<128xi32, #tpu.memory_space<vmem>>)
    %dma_start3A_148 = arith.constant 3 : i32
    %dma_start3A_149 = arith.constant 0 : i32
    %dma_start3A_150 = tpu.memref_slice %arg10[%dma_start3A_148, %dma_start3A_149] : memref<4x128xi32, #tpu.memory_space<vmem>> -> memref<1x128xi32, #tpu.memory_space<vmem>>
    %dma_start3A_151 = tpu.memref_squeeze %dma_start3A_150 : memref<1x128xi32, #tpu.memory_space<vmem>> -> memref<128xi32, #tpu.memory_space<vmem>>
    %dma_start3A_152 = arith.constant 0 : i32
    %dma_start3A_153 = arith.constant 0 : i32
    %dma_start3A_154 = tpu.memref_slice %arg2[%dma_start3A_152, %dma_start3A_153] : memref<10240x128xf32, #tpu.memory_space<hbm>> -> memref<10240x128xf32, #tpu.memory_space<hbm>>
    tpu.enqueue_indirect_dma source(%dma_start3A_154 : memref<10240x128xf32, #tpu.memory_space<hbm>>) target(%arg12 : memref<128x128xf32, #tpu.memory_space<vmem>>) offsets(%dma_start3A_151 : memref<128xi32, #tpu.memory_space<vmem>>) semaphore(%arg14 : memref<!tpu.dma_semaphore, #tpu.memory_space<semaphore_mem>>)
    %dma_wait3A_155 = arith.constant 2 : i32
    %dma_wait3A_156 = arith.constant 0 : i32
    %dma_wait3A_157 = tpu.memref_slice %arg10[%dma_wait3A_155, %dma_wait3A_156] : memref<4x128xi32, #tpu.memory_space<vmem>> -> memref<1x128xi32, #tpu.memory_space<vmem>>
    %dma_wait3A_158 = tpu.memref_squeeze %dma_wait3A_157 : memref<1x128xi32, #tpu.memory_space<vmem>> -> memref<128xi32, #tpu.memory_space<vmem>>
    %dma_wait3A_159 = arith.constant 0 : i32
    %dma_wait3A_160 = arith.constant 0 : i32
    %dma_wait3A_161 = tpu.memref_slice %arg2[%dma_wait3A_159, %dma_wait3A_160] : memref<10240x128xf32, #tpu.memory_space<hbm>> -> memref<10240x128xf32, #tpu.memory_space<hbm>>
    tpu.wait_indirect_dma semaphore(%arg13 : memref<!tpu.dma_semaphore, #tpu.memory_space<semaphore_mem>>) src(%dma_wait3A_161 : memref<10240x128xf32, #tpu.memory_space<hbm>>) dst(%arg11 : memref<128x128xf32, #tpu.memory_space<vmem>>)
    %dma_start3A_162 = arith.constant 78 : i32
    %dma_start3A_163 = arith.constant 0 : i32
    %dma_start3A_164 = tpu.memref_slice %arg9[%dma_start3A_162, %dma_start3A_163] : memref<80x128xi32, #tpu.memory_space<vmem>> -> memref<1x128xi32, #tpu.memory_space<vmem>>
    %dma_start3A_165 = tpu.memref_squeeze %dma_start3A_164 : memref<1x128xi32, #tpu.memory_space<vmem>> -> memref<128xi32, #tpu.memory_space<vmem>>
    %dma_start3A_166 = arith.constant 0 : i32
    %dma_start3A_167 = arith.constant 0 : i32
    %dma_start3A_168 = tpu.memref_slice %arg8[%dma_start3A_166, %dma_start3A_167] : memref<10240x128xf32, #tpu.memory_space<vmem_shared>> -> memref<10240x128xf32, #tpu.memory_space<vmem_shared>>
    tpu.enqueue_indirect_dma source(%arg11 : memref<128x128xf32, #tpu.memory_space<vmem>>) target(%dma_start3A_168 : memref<10240x128xf32, #tpu.memory_space<vmem_shared>>) offsets(%dma_start3A_165 : memref<128xi32, #tpu.memory_space<vmem>>) semaphore(%arg15 : memref<!tpu.dma_semaphore, #tpu.memory_space<semaphore_mem>>) {add = true}
    %dma_wait3A_169 = arith.constant 3 : i32
    %dma_wait3A_170 = arith.constant 0 : i32
    %dma_wait3A_171 = tpu.memref_slice %arg10[%dma_wait3A_169, %dma_wait3A_170] : memref<4x128xi32, #tpu.memory_space<vmem>> -> memref<1x128xi32, #tpu.memory_space<vmem>>
    %dma_wait3A_172 = tpu.memref_squeeze %dma_wait3A_171 : memref<1x128xi32, #tpu.memory_space<vmem>> -> memref<128xi32, #tpu.memory_space<vmem>>
    %dma_wait3A_173 = arith.constant 0 : i32
    %dma_wait3A_174 = arith.constant 0 : i32
    %dma_wait3A_175 = tpu.memref_slice %arg2[%dma_wait3A_173, %dma_wait3A_174] : memref<10240x128xf32, #tpu.memory_space<hbm>> -> memref<10240x128xf32, #tpu.memory_space<hbm>>
    tpu.wait_indirect_dma semaphore(%arg14 : memref<!tpu.dma_semaphore, #tpu.memory_space<semaphore_mem>>) src(%dma_wait3A_175 : memref<10240x128xf32, #tpu.memory_space<hbm>>) dst(%arg12 : memref<128x128xf32, #tpu.memory_space<vmem>>)
    %dma_start3A_176 = arith.constant 79 : i32
    %dma_start3A_177 = arith.constant 0 : i32
    %dma_start3A_178 = tpu.memref_slice %arg9[%dma_start3A_176, %dma_start3A_177] : memref<80x128xi32, #tpu.memory_space<vmem>> -> memref<1x128xi32, #tpu.memory_space<vmem>>
    %dma_start3A_179 = tpu.memref_squeeze %dma_start3A_178 : memref<1x128xi32, #tpu.memory_space<vmem>> -> memref<128xi32, #tpu.memory_space<vmem>>
    %dma_start3A_180 = arith.constant 0 : i32
    %dma_start3A_181 = arith.constant 0 : i32
    %dma_start3A_182 = tpu.memref_slice %arg8[%dma_start3A_180, %dma_start3A_181] : memref<10240x128xf32, #tpu.memory_space<vmem_shared>> -> memref<10240x128xf32, #tpu.memory_space<vmem_shared>>
    tpu.enqueue_indirect_dma source(%arg12 : memref<128x128xf32, #tpu.memory_space<vmem>>) target(%dma_start3A_182 : memref<10240x128xf32, #tpu.memory_space<vmem_shared>>) offsets(%dma_start3A_179 : memref<128xi32, #tpu.memory_space<vmem>>) semaphore(%arg16 : memref<!tpu.dma_semaphore, #tpu.memory_space<semaphore_mem>>) {add = true}
    %dma_wait3A_183 = arith.constant 78 : i32
    %dma_wait3A_184 = arith.constant 0 : i32
    %dma_wait3A_185 = tpu.memref_slice %arg9[%dma_wait3A_183, %dma_wait3A_184] : memref<80x128xi32, #tpu.memory_space<vmem>> -> memref<1x128xi32, #tpu.memory_space<vmem>>
    %dma_wait3A_186 = tpu.memref_squeeze %dma_wait3A_185 : memref<1x128xi32, #tpu.memory_space<vmem>> -> memref<128xi32, #tpu.memory_space<vmem>>
    %dma_wait3A_187 = arith.constant 0 : i32
    %dma_wait3A_188 = arith.constant 0 : i32
    %dma_wait3A_189 = tpu.memref_slice %arg8[%dma_wait3A_187, %dma_wait3A_188] : memref<10240x128xf32, #tpu.memory_space<vmem_shared>> -> memref<10240x128xf32, #tpu.memory_space<vmem_shared>>
    tpu.wait_indirect_dma semaphore(%arg15 : memref<!tpu.dma_semaphore, #tpu.memory_space<semaphore_mem>>) src(%arg11 : memref<128x128xf32, #tpu.memory_space<vmem>>) dst(%dma_wait3A_189 : memref<10240x128xf32, #tpu.memory_space<vmem_shared>>)
    %dma_wait3A_190 = arith.constant 79 : i32
    %dma_wait3A_191 = arith.constant 0 : i32
    %dma_wait3A_192 = tpu.memref_slice %arg9[%dma_wait3A_190, %dma_wait3A_191] : memref<80x128xi32, #tpu.memory_space<vmem>> -> memref<1x128xi32, #tpu.memory_space<vmem>>
    %dma_wait3A_193 = tpu.memref_squeeze %dma_wait3A_192 : memref<1x128xi32, #tpu.memory_space<vmem>> -> memref<128xi32, #tpu.memory_space<vmem>>
    %dma_wait3A_194 = arith.constant 0 : i32
    %dma_wait3A_195 = arith.constant 0 : i32
    %dma_wait3A_196 = tpu.memref_slice %arg8[%dma_wait3A_194, %dma_wait3A_195] : memref<10240x128xf32, #tpu.memory_space<vmem_shared>> -> memref<10240x128xf32, #tpu.memory_space<vmem_shared>>
    tpu.wait_indirect_dma semaphore(%arg16 : memref<!tpu.dma_semaphore, #tpu.memory_space<semaphore_mem>>) src(%arg12 : memref<128x128xf32, #tpu.memory_space<vmem>>) dst(%dma_wait3A_196 : memref<10240x128xf32, #tpu.memory_space<vmem_shared>>)
    %barrier3A_197 = arith.constant 0 : index
    tpu.barrier barrier_id(%barrier3A_197)
    "tpu.region"() ({
      %run_scoped3A_198 = tpu.sem_alloc : memref<!tpu.dma_semaphore, #tpu.memory_space<semaphore_mem>>
      %dma_start3A_199 = arith.constant 0 : i32
      %dma_start3A_200 = arith.constant 0 : i32
      %dma_start3A_201 = tpu.memref_slice %arg7[%arg0, %dma_start3A_199, %dma_start3A_200] : memref<2x10240x128xf32, #tpu.memory_space<hbm>> -> memref<1x10240x128xf32, #tpu.memory_space<hbm>>
      %dma_start3A_202 = tpu.memref_squeeze %dma_start3A_201 : memref<1x10240x128xf32, #tpu.memory_space<hbm>> -> memref<10240x128xf32, #tpu.memory_space<hbm>>
      %dma_start3A_203 = arith.constant 0 : i32
      %dma_start3A_204 = tpu.memref_slice %dma_start3A_202[%mul3A_2, %dma_start3A_203] : memref<10240x128xf32, #tpu.memory_space<hbm>> -> memref<640x128xf32, #tpu.memory_space<hbm>>
      %dma_start3A_205 = arith.constant 0 : i32
      %dma_start3A_206 = tpu.memref_slice %arg8[%mul3A_2, %dma_start3A_205] : memref<10240x128xf32, #tpu.memory_space<vmem_shared>> -> memref<640x128xf32, #tpu.memory_space<vmem_shared>>
      tpu.enqueue_dma source(%dma_start3A_206 : memref<640x128xf32, #tpu.memory_space<vmem_shared>>) target(%dma_start3A_204 : memref<640x128xf32, #tpu.memory_space<hbm>>) target_semaphore(%run_scoped3A_198 : memref<!tpu.dma_semaphore, #tpu.memory_space<semaphore_mem>>)
      %dma_wait3A_207 = arith.constant 0 : i32
      %dma_wait3A_208 = arith.constant 0 : i32
      %dma_wait3A_209 = tpu.memref_slice %arg7[%arg0, %dma_wait3A_207, %dma_wait3A_208] : memref<2x10240x128xf32, #tpu.memory_space<hbm>> -> memref<1x10240x128xf32, #tpu.memory_space<hbm>>
      %dma_wait3A_210 = tpu.memref_squeeze %dma_wait3A_209 : memref<1x10240x128xf32, #tpu.memory_space<hbm>> -> memref<10240x128xf32, #tpu.memory_space<hbm>>
      %dma_wait3A_211 = arith.constant 0 : i32
      %dma_wait3A_212 = tpu.memref_slice %dma_wait3A_210[%mul3A_2, %dma_wait3A_211] : memref<10240x128xf32, #tpu.memory_space<hbm>> -> memref<640x128xf32, #tpu.memory_space<hbm>>
      %dma_wait3A_213 = arith.constant 0 : i32
      %dma_wait3A_214 = tpu.memref_slice %arg8[%mul3A_2, %dma_wait3A_213] : memref<10240x128xf32, #tpu.memory_space<vmem_shared>> -> memref<640x128xf32, #tpu.memory_space<vmem_shared>>
      tpu.wait_dma2 semaphore(%run_scoped3A_198 : memref<!tpu.dma_semaphore, #tpu.memory_space<semaphore_mem>>) src(%dma_wait3A_214 : memref<640x128xf32, #tpu.memory_space<vmem_shared>>) dst(%dma_wait3A_212 : memref<640x128xf32, #tpu.memory_space<hbm>>)
      tpu.yield
    }) : () -> ()
    return
  }
}

#map = affine_map<(d0, d1) -> (0, 0)>
#map1 = affine_map<(d0, d1) -> (0)>
#map2 = affine_map<(d0, d1) -> (0, 0, 0)>
module attributes {stable_mosaic.version = 14 : i64} {
  func.func @gcn_edge_agg(%arg0: i32, %arg1: i32, %arg2: memref<10240x128xf32, #tpu.memory_space<hbm>>, %arg3: memref<10240x128xf32, #tpu.memory_space<hbm>>, %arg4: memref<10240x128xf32, #tpu.memory_space<hbm>>, %arg5: memref<327680xi32, #tpu.memory_space<hbm>>, %arg6: memref<32x80x128xi32, #tpu.memory_space<hbm>>, %arg7: memref<2x10240x128xf32, #tpu.memory_space<hbm>>, %arg8: memref<10240x128xf32, #tpu.memory_space<vmem_shared>>, %arg9: memref<80x128xi32, #tpu.memory_space<vmem>>, %arg10: memref<4x128xi32, #tpu.memory_space<vmem>>, %arg11: memref<128x128xf32, #tpu.memory_space<vmem>>, %arg12: memref<128x128xf32, #tpu.memory_space<vmem>>, %arg13: memref<!tpu.dma_semaphore, #tpu.memory_space<semaphore_mem>>, %arg14: memref<!tpu.dma_semaphore, #tpu.memory_space<semaphore_mem>>, %arg15: memref<!tpu.dma_semaphore, #tpu.memory_space<semaphore_mem>>, %arg16: memref<!tpu.dma_semaphore, #tpu.memory_space<semaphore_mem>>, %arg17: memref<4x!tpu.dma_semaphore, #tpu.memory_space<semaphore_mem>>) attributes {dimension_semantics = [#tpu.dimension_semantics<core_parallel>, #tpu.dimension_semantics<subcore_parallel>], iteration_bounds = array<i64: 2, 16>, scalar_prefetch = 0 : i64, scratch_operands = 10 : i64, tpu.core_type = #tpu.core_type<sc_vector_subcore>, window_params = [{transform_indices = #map}, {transform_indices = #map}, {transform_indices = #map}, {transform_indices = #map1}, {transform_indices = #map2}, {transform_indices = #map2}]} {
    %mul3A = arith.constant 16 : i32
    %mul3A_0 = arith.muli %arg0, %mul3A : i32
    %add3A = arith.addi %mul3A_0, %arg1 : i32
    %mul3A_1 = arith.constant 640 : i32
    %mul3A_2 = arith.muli %arg1, %mul3A_1 : i32
    %mul3A_3 = arith.constant 10240 : i32
    %mul3A_4 = arith.muli %add3A, %mul3A_3 : i32
    %eq3A = arith.constant 0 : i32
    %eq3A_5 = arith.cmpi eq, %arg0, %eq3A : i32
    %convert_element_type3A = arith.extui %eq3A_5 : i1 to i32
    %cond3A = arith.constant 0 : i32
    %cond3A_6 = arith.cmpi ne, %convert_element_type3A, %cond3A : i32
    scf.if %cond3A_6 {
      %dma_start3A_198 = arith.constant 0 : i32
      %dma_start3A_199 = tpu.memref_slice %arg8[%mul3A_2, %dma_start3A_198] : memref<10240x128xf32, #tpu.memory_space<vmem_shared>> -> memref<640x128xf32, #tpu.memory_space<vmem_shared>>
      %dma_start3A_200 = arith.constant 0 : i32
      %dma_start3A_201 = tpu.memref_slice %arg3[%mul3A_2, %dma_start3A_200] : memref<10240x128xf32, #tpu.memory_space<hbm>> -> memref<640x128xf32, #tpu.memory_space<hbm>>
      tpu.enqueue_dma source(%dma_start3A_201 : memref<640x128xf32, #tpu.memory_space<hbm>>) target(%dma_start3A_199 : memref<640x128xf32, #tpu.memory_space<vmem_shared>>) target_semaphore(%arg15 : memref<!tpu.dma_semaphore, #tpu.memory_space<semaphore_mem>>)
    } else {
    }
    %eq3A_7 = arith.constant 1 : i32
    %eq3A_8 = arith.cmpi eq, %arg0, %eq3A_7 : i32
    %convert_element_type3A_9 = arith.extui %eq3A_8 : i1 to i32
    %cond3A_10 = arith.constant 0 : i32
    %cond3A_11 = arith.cmpi ne, %convert_element_type3A_9, %cond3A_10 : i32
    scf.if %cond3A_11 {
      %dma_start3A_198 = arith.constant 0 : i32
      %dma_start3A_199 = tpu.memref_slice %arg8[%mul3A_2, %dma_start3A_198] : memref<10240x128xf32, #tpu.memory_space<vmem_shared>> -> memref<640x128xf32, #tpu.memory_space<vmem_shared>>
      %dma_start3A_200 = arith.constant 0 : i32
      %dma_start3A_201 = tpu.memref_slice %arg4[%mul3A_2, %dma_start3A_200] : memref<10240x128xf32, #tpu.memory_space<hbm>> -> memref<640x128xf32, #tpu.memory_space<hbm>>
      tpu.enqueue_dma source(%dma_start3A_201 : memref<640x128xf32, #tpu.memory_space<hbm>>) target(%dma_start3A_199 : memref<640x128xf32, #tpu.memory_space<vmem_shared>>) target_semaphore(%arg15 : memref<!tpu.dma_semaphore, #tpu.memory_space<semaphore_mem>>)
    } else {
    }
    "tpu.region"() ({
      %run_scoped3A_198 = tpu.sem_alloc : memref<!tpu.dma_semaphore, #tpu.memory_space<semaphore_mem>>
      %dma_start3A_199 = arith.constant 0 : i32
      %dma_start3A_200 = arith.constant 0 : i32
      %dma_start3A_201 = tpu.memref_slice %arg6[%add3A, %dma_start3A_199, %dma_start3A_200] : memref<32x80x128xi32, #tpu.memory_space<hbm>> -> memref<1x80x128xi32, #tpu.memory_space<hbm>>
      %dma_start3A_202 = tpu.memref_squeeze %dma_start3A_201 : memref<1x80x128xi32, #tpu.memory_space<hbm>> -> memref<80x128xi32, #tpu.memory_space<hbm>>
      %dma_start3A_203 = arith.constant 0 : i32
      %dma_start3A_204 = arith.constant 0 : i32
      %dma_start3A_205 = tpu.memref_slice %arg6[%add3A, %dma_start3A_203, %dma_start3A_204] : memref<32x80x128xi32, #tpu.memory_space<hbm>> -> memref<1x80x128xi32, #tpu.memory_space<hbm>>
      %dma_start3A_206 = tpu.memref_squeeze %dma_start3A_205 : memref<1x80x128xi32, #tpu.memory_space<hbm>> -> memref<80x128xi32, #tpu.memory_space<hbm>>
      tpu.enqueue_dma source(%dma_start3A_206 : memref<80x128xi32, #tpu.memory_space<hbm>>) target(%arg9 : memref<80x128xi32, #tpu.memory_space<vmem>>) target_semaphore(%run_scoped3A_198 : memref<!tpu.dma_semaphore, #tpu.memory_space<semaphore_mem>>)
      %dma_wait3A_207 = arith.constant 0 : i32
      %dma_wait3A_208 = arith.constant 0 : i32
      %dma_wait3A_209 = tpu.memref_slice %arg6[%add3A, %dma_wait3A_207, %dma_wait3A_208] : memref<32x80x128xi32, #tpu.memory_space<hbm>> -> memref<1x80x128xi32, #tpu.memory_space<hbm>>
      %dma_wait3A_210 = tpu.memref_squeeze %dma_wait3A_209 : memref<1x80x128xi32, #tpu.memory_space<hbm>> -> memref<80x128xi32, #tpu.memory_space<hbm>>
      %dma_wait3A_211 = arith.constant 0 : i32
      %dma_wait3A_212 = arith.constant 0 : i32
      %dma_wait3A_213 = tpu.memref_slice %arg6[%add3A, %dma_wait3A_211, %dma_wait3A_212] : memref<32x80x128xi32, #tpu.memory_space<hbm>> -> memref<1x80x128xi32, #tpu.memory_space<hbm>>
      %dma_wait3A_214 = tpu.memref_squeeze %dma_wait3A_213 : memref<1x80x128xi32, #tpu.memory_space<hbm>> -> memref<80x128xi32, #tpu.memory_space<hbm>>
      tpu.wait_dma2 semaphore(%run_scoped3A_198 : memref<!tpu.dma_semaphore, #tpu.memory_space<semaphore_mem>>) src(%dma_wait3A_214 : memref<80x128xi32, #tpu.memory_space<hbm>>) dst(%arg9 : memref<80x128xi32, #tpu.memory_space<vmem>>)
      tpu.yield
    }) : () -> ()
    %add3A_12 = arith.constant 0 : i32
    %add3A_13 = arith.addi %mul3A_4, %add3A_12 : i32
    %run_scoped3A = arith.constant 0 : i32
    "tpu.region"() ({
      %run_scoped3A_198 = tpu.sem_alloc : memref<!tpu.dma_semaphore, #tpu.memory_space<semaphore_mem>>
      %dma_start3A_199 = arith.constant 0 : i32
      %dma_start3A_200 = tpu.memref_slice %arg10[%run_scoped3A, %dma_start3A_199] : memref<4x128xi32, #tpu.memory_space<vmem>> -> memref<1x128xi32, #tpu.memory_space<vmem>>
      %dma_start3A_201 = tpu.memref_squeeze %dma_start3A_200 : memref<1x128xi32, #tpu.memory_space<vmem>> -> memref<128xi32, #tpu.memory_space<vmem>>
      %dma_start3A_202 = tpu.memref_slice %arg5[%add3A_13] : memref<327680xi32, #tpu.memory_space<hbm>> -> memref<128xi32, #tpu.memory_space<hbm>>
      %dma_start3A_203 = arith.constant 0 : i32
      %dma_start3A_204 = tpu.memref_slice %arg10[%run_scoped3A, %dma_start3A_203] : memref<4x128xi32, #tpu.memory_space<vmem>> -> memref<1x128xi32, #tpu.memory_space<vmem>>
      %dma_start3A_205 = tpu.memref_squeeze %dma_start3A_204 : memref<1x128xi32, #tpu.memory_space<vmem>> -> memref<128xi32, #tpu.memory_space<vmem>>
      %dma_start3A_206 = tpu.memref_slice %arg5[%add3A_13] : memref<327680xi32, #tpu.memory_space<hbm>> -> memref<128xi32, #tpu.memory_space<hbm>>
      tpu.enqueue_dma source(%dma_start3A_206 : memref<128xi32, #tpu.memory_space<hbm>>) target(%dma_start3A_205 : memref<128xi32, #tpu.memory_space<vmem>>) target_semaphore(%run_scoped3A_198 : memref<!tpu.dma_semaphore, #tpu.memory_space<semaphore_mem>>)
      %dma_wait3A_207 = arith.constant 0 : i32
      %dma_wait3A_208 = tpu.memref_slice %arg10[%run_scoped3A, %dma_wait3A_207] : memref<4x128xi32, #tpu.memory_space<vmem>> -> memref<1x128xi32, #tpu.memory_space<vmem>>
      %dma_wait3A_209 = tpu.memref_squeeze %dma_wait3A_208 : memref<1x128xi32, #tpu.memory_space<vmem>> -> memref<128xi32, #tpu.memory_space<vmem>>
      %dma_wait3A_210 = tpu.memref_slice %arg5[%add3A_13] : memref<327680xi32, #tpu.memory_space<hbm>> -> memref<128xi32, #tpu.memory_space<hbm>>
      %dma_wait3A_211 = arith.constant 0 : i32
      %dma_wait3A_212 = tpu.memref_slice %arg10[%run_scoped3A, %dma_wait3A_211] : memref<4x128xi32, #tpu.memory_space<vmem>> -> memref<1x128xi32, #tpu.memory_space<vmem>>
      %dma_wait3A_213 = tpu.memref_squeeze %dma_wait3A_212 : memref<1x128xi32, #tpu.memory_space<vmem>> -> memref<128xi32, #tpu.memory_space<vmem>>
      %dma_wait3A_214 = tpu.memref_slice %arg5[%add3A_13] : memref<327680xi32, #tpu.memory_space<hbm>> -> memref<128xi32, #tpu.memory_space<hbm>>
      tpu.wait_dma2 semaphore(%run_scoped3A_198 : memref<!tpu.dma_semaphore, #tpu.memory_space<semaphore_mem>>) src(%dma_wait3A_214 : memref<128xi32, #tpu.memory_space<hbm>>) dst(%dma_wait3A_213 : memref<128xi32, #tpu.memory_space<vmem>>)
      tpu.yield
    }) : () -> ()
    %add3A_14 = arith.constant 128 : i32
    %add3A_15 = arith.addi %mul3A_4, %add3A_14 : i32
    %run_scoped3A_16 = arith.constant 1 : i32
    "tpu.region"() ({
      %run_scoped3A_198 = tpu.sem_alloc : memref<!tpu.dma_semaphore, #tpu.memory_space<semaphore_mem>>
      %dma_start3A_199 = arith.constant 0 : i32
      %dma_start3A_200 = tpu.memref_slice %arg10[%run_scoped3A_16, %dma_start3A_199] : memref<4x128xi32, #tpu.memory_space<vmem>> -> memref<1x128xi32, #tpu.memory_space<vmem>>
      %dma_start3A_201 = tpu.memref_squeeze %dma_start3A_200 : memref<1x128xi32, #tpu.memory_space<vmem>> -> memref<128xi32, #tpu.memory_space<vmem>>
      %dma_start3A_202 = tpu.memref_slice %arg5[%add3A_15] : memref<327680xi32, #tpu.memory_space<hbm>> -> memref<128xi32, #tpu.memory_space<hbm>>
      %dma_start3A_203 = arith.constant 0 : i32
      %dma_start3A_204 = tpu.memref_slice %arg10[%run_scoped3A_16, %dma_start3A_203] : memref<4x128xi32, #tpu.memory_space<vmem>> -> memref<1x128xi32, #tpu.memory_space<vmem>>
      %dma_start3A_205 = tpu.memref_squeeze %dma_start3A_204 : memref<1x128xi32, #tpu.memory_space<vmem>> -> memref<128xi32, #tpu.memory_space<vmem>>
      %dma_start3A_206 = tpu.memref_slice %arg5[%add3A_15] : memref<327680xi32, #tpu.memory_space<hbm>> -> memref<128xi32, #tpu.memory_space<hbm>>
      tpu.enqueue_dma source(%dma_start3A_206 : memref<128xi32, #tpu.memory_space<hbm>>) target(%dma_start3A_205 : memref<128xi32, #tpu.memory_space<vmem>>) target_semaphore(%run_scoped3A_198 : memref<!tpu.dma_semaphore, #tpu.memory_space<semaphore_mem>>)
      %dma_wait3A_207 = arith.constant 0 : i32
      %dma_wait3A_208 = tpu.memref_slice %arg10[%run_scoped3A_16, %dma_wait3A_207] : memref<4x128xi32, #tpu.memory_space<vmem>> -> memref<1x128xi32, #tpu.memory_space<vmem>>
      %dma_wait3A_209 = tpu.memref_squeeze %dma_wait3A_208 : memref<1x128xi32, #tpu.memory_space<vmem>> -> memref<128xi32, #tpu.memory_space<vmem>>
      %dma_wait3A_210 = tpu.memref_slice %arg5[%add3A_15] : memref<327680xi32, #tpu.memory_space<hbm>> -> memref<128xi32, #tpu.memory_space<hbm>>
      %dma_wait3A_211 = arith.constant 0 : i32
      %dma_wait3A_212 = tpu.memref_slice %arg10[%run_scoped3A_16, %dma_wait3A_211] : memref<4x128xi32, #tpu.memory_space<vmem>> -> memref<1x128xi32, #tpu.memory_space<vmem>>
      %dma_wait3A_213 = tpu.memref_squeeze %dma_wait3A_212 : memref<1x128xi32, #tpu.memory_space<vmem>> -> memref<128xi32, #tpu.memory_space<vmem>>
      %dma_wait3A_214 = tpu.memref_slice %arg5[%add3A_15] : memref<327680xi32, #tpu.memory_space<hbm>> -> memref<128xi32, #tpu.memory_space<hbm>>
      tpu.wait_dma2 semaphore(%run_scoped3A_198 : memref<!tpu.dma_semaphore, #tpu.memory_space<semaphore_mem>>) src(%dma_wait3A_214 : memref<128xi32, #tpu.memory_space<hbm>>) dst(%dma_wait3A_213 : memref<128xi32, #tpu.memory_space<vmem>>)
      tpu.yield
    }) : () -> ()
    %dma_start3A = arith.constant 0 : i32
    %dma_start3A_17 = arith.constant 0 : i32
    %dma_start3A_18 = tpu.memref_slice %arg10[%dma_start3A, %dma_start3A_17] : memref<4x128xi32, #tpu.memory_space<vmem>> -> memref<1x128xi32, #tpu.memory_space<vmem>>
    %dma_start3A_19 = tpu.memref_squeeze %dma_start3A_18 : memref<1x128xi32, #tpu.memory_space<vmem>> -> memref<128xi32, #tpu.memory_space<vmem>>
    %dma_start3A_20 = arith.constant 0 : i32
    %dma_start3A_21 = arith.constant 0 : i32
    %dma_start3A_22 = tpu.memref_slice %arg2[%dma_start3A_20, %dma_start3A_21] : memref<10240x128xf32, #tpu.memory_space<hbm>> -> memref<10240x128xf32, #tpu.memory_space<hbm>>
    tpu.enqueue_indirect_dma source(%dma_start3A_22 : memref<10240x128xf32, #tpu.memory_space<hbm>>) target(%arg11 : memref<128x128xf32, #tpu.memory_space<vmem>>) offsets(%dma_start3A_19 : memref<128xi32, #tpu.memory_space<vmem>>) semaphore(%arg13 : memref<!tpu.dma_semaphore, #tpu.memory_space<semaphore_mem>>)
    %dma_start3A_23 = arith.constant 1 : i32
    %dma_start3A_24 = arith.constant 0 : i32
    %dma_start3A_25 = tpu.memref_slice %arg10[%dma_start3A_23, %dma_start3A_24] : memref<4x128xi32, #tpu.memory_space<vmem>> -> memref<1x128xi32, #tpu.memory_space<vmem>>
    %dma_start3A_26 = tpu.memref_squeeze %dma_start3A_25 : memref<1x128xi32, #tpu.memory_space<vmem>> -> memref<128xi32, #tpu.memory_space<vmem>>
    %dma_start3A_27 = arith.constant 0 : i32
    %dma_start3A_28 = arith.constant 0 : i32
    %dma_start3A_29 = tpu.memref_slice %arg2[%dma_start3A_27, %dma_start3A_28] : memref<10240x128xf32, #tpu.memory_space<hbm>> -> memref<10240x128xf32, #tpu.memory_space<hbm>>
    tpu.enqueue_indirect_dma source(%dma_start3A_29 : memref<10240x128xf32, #tpu.memory_space<hbm>>) target(%arg12 : memref<128x128xf32, #tpu.memory_space<vmem>>) offsets(%dma_start3A_26 : memref<128xi32, #tpu.memory_space<vmem>>) semaphore(%arg14 : memref<!tpu.dma_semaphore, #tpu.memory_space<semaphore_mem>>)
    %add3A_30 = arith.constant 256 : i32
    %add3A_31 = arith.addi %mul3A_4, %add3A_30 : i32
    %dma_start3A_32 = arith.constant 2 : i32
    %dma_start3A_33 = arith.constant 2 : i32
    %dma_start3A_34 = arith.constant 0 : i32
    %dma_start3A_35 = tpu.memref_slice %arg10[%dma_start3A_32, %dma_start3A_34] : memref<4x128xi32, #tpu.memory_space<vmem>> -> memref<1x128xi32, #tpu.memory_space<vmem>>
    %dma_start3A_36 = tpu.memref_squeeze %dma_start3A_35 : memref<1x128xi32, #tpu.memory_space<vmem>> -> memref<128xi32, #tpu.memory_space<vmem>>
    %dma_start3A_37 = tpu.memref_slice %arg5[%add3A_31] : memref<327680xi32, #tpu.memory_space<hbm>> -> memref<128xi32, #tpu.memory_space<hbm>>
    %dma_start3A_38 = tpu.memref_slice %arg17[%dma_start3A_33] : memref<4x!tpu.dma_semaphore, #tpu.memory_space<semaphore_mem>> -> memref<1x!tpu.dma_semaphore, #tpu.memory_space<semaphore_mem>>
    %dma_start3A_39 = tpu.memref_squeeze %dma_start3A_38 : memref<1x!tpu.dma_semaphore, #tpu.memory_space<semaphore_mem>> -> memref<!tpu.dma_semaphore, #tpu.memory_space<semaphore_mem>>
    %dma_start3A_40 = arith.constant 0 : i32
    %dma_start3A_41 = tpu.memref_slice %arg10[%dma_start3A_32, %dma_start3A_40] : memref<4x128xi32, #tpu.memory_space<vmem>> -> memref<1x128xi32, #tpu.memory_space<vmem>>
    %dma_start3A_42 = tpu.memref_squeeze %dma_start3A_41 : memref<1x128xi32, #tpu.memory_space<vmem>> -> memref<128xi32, #tpu.memory_space<vmem>>
    %dma_start3A_43 = tpu.memref_slice %arg5[%add3A_31] : memref<327680xi32, #tpu.memory_space<hbm>> -> memref<128xi32, #tpu.memory_space<hbm>>
    tpu.enqueue_dma source(%dma_start3A_43 : memref<128xi32, #tpu.memory_space<hbm>>) target(%dma_start3A_42 : memref<128xi32, #tpu.memory_space<vmem>>) target_semaphore(%dma_start3A_39 : memref<!tpu.dma_semaphore, #tpu.memory_space<semaphore_mem>>)
    %add3A_44 = arith.constant 384 : i32
    %add3A_45 = arith.addi %mul3A_4, %add3A_44 : i32
    %dma_start3A_46 = arith.constant 3 : i32
    %dma_start3A_47 = arith.constant 3 : i32
    %dma_start3A_48 = arith.constant 0 : i32
    %dma_start3A_49 = tpu.memref_slice %arg10[%dma_start3A_46, %dma_start3A_48] : memref<4x128xi32, #tpu.memory_space<vmem>> -> memref<1x128xi32, #tpu.memory_space<vmem>>
    %dma_start3A_50 = tpu.memref_squeeze %dma_start3A_49 : memref<1x128xi32, #tpu.memory_space<vmem>> -> memref<128xi32, #tpu.memory_space<vmem>>
    %dma_start3A_51 = tpu.memref_slice %arg5[%add3A_45] : memref<327680xi32, #tpu.memory_space<hbm>> -> memref<128xi32, #tpu.memory_space<hbm>>
    %dma_start3A_52 = tpu.memref_slice %arg17[%dma_start3A_47] : memref<4x!tpu.dma_semaphore, #tpu.memory_space<semaphore_mem>> -> memref<1x!tpu.dma_semaphore, #tpu.memory_space<semaphore_mem>>
    %dma_start3A_53 = tpu.memref_squeeze %dma_start3A_52 : memref<1x!tpu.dma_semaphore, #tpu.memory_space<semaphore_mem>> -> memref<!tpu.dma_semaphore, #tpu.memory_space<semaphore_mem>>
    %dma_start3A_54 = arith.constant 0 : i32
    %dma_start3A_55 = tpu.memref_slice %arg10[%dma_start3A_46, %dma_start3A_54] : memref<4x128xi32, #tpu.memory_space<vmem>> -> memref<1x128xi32, #tpu.memory_space<vmem>>
    %dma_start3A_56 = tpu.memref_squeeze %dma_start3A_55 : memref<1x128xi32, #tpu.memory_space<vmem>> -> memref<128xi32, #tpu.memory_space<vmem>>
    %dma_start3A_57 = tpu.memref_slice %arg5[%add3A_45] : memref<327680xi32, #tpu.memory_space<hbm>> -> memref<128xi32, #tpu.memory_space<hbm>>
    tpu.enqueue_dma source(%dma_start3A_57 : memref<128xi32, #tpu.memory_space<hbm>>) target(%dma_start3A_56 : memref<128xi32, #tpu.memory_space<vmem>>) target_semaphore(%dma_start3A_53 : memref<!tpu.dma_semaphore, #tpu.memory_space<semaphore_mem>>)
    %eq3A_58 = arith.constant 0 : i32
    %eq3A_59 = arith.cmpi eq, %arg0, %eq3A_58 : i32
    %convert_element_type3A_60 = arith.extui %eq3A_59 : i1 to i32
    %cond3A_61 = arith.constant 0 : i32
    %cond3A_62 = arith.cmpi ne, %convert_element_type3A_60, %cond3A_61 : i32
    scf.if %cond3A_62 {
      %dma_wait3A_198 = arith.constant 0 : i32
      %dma_wait3A_199 = tpu.memref_slice %arg8[%mul3A_2, %dma_wait3A_198] : memref<10240x128xf32, #tpu.memory_space<vmem_shared>> -> memref<640x128xf32, #tpu.memory_space<vmem_shared>>
      %dma_wait3A_200 = arith.constant 0 : i32
      %dma_wait3A_201 = tpu.memref_slice %arg3[%mul3A_2, %dma_wait3A_200] : memref<10240x128xf32, #tpu.memory_space<hbm>> -> memref<640x128xf32, #tpu.memory_space<hbm>>
      tpu.wait_dma2 semaphore(%arg15 : memref<!tpu.dma_semaphore, #tpu.memory_space<semaphore_mem>>) src(%dma_wait3A_201 : memref<640x128xf32, #tpu.memory_space<hbm>>) dst(%dma_wait3A_199 : memref<640x128xf32, #tpu.memory_space<vmem_shared>>)
    } else {
    }
    %eq3A_63 = arith.constant 1 : i32
    %eq3A_64 = arith.cmpi eq, %arg0, %eq3A_63 : i32
    %convert_element_type3A_65 = arith.extui %eq3A_64 : i1 to i32
    %cond3A_66 = arith.constant 0 : i32
    %cond3A_67 = arith.cmpi ne, %convert_element_type3A_65, %cond3A_66 : i32
    scf.if %cond3A_67 {
      %dma_wait3A_198 = arith.constant 0 : i32
      %dma_wait3A_199 = tpu.memref_slice %arg8[%mul3A_2, %dma_wait3A_198] : memref<10240x128xf32, #tpu.memory_space<vmem_shared>> -> memref<640x128xf32, #tpu.memory_space<vmem_shared>>
      %dma_wait3A_200 = arith.constant 0 : i32
      %dma_wait3A_201 = tpu.memref_slice %arg4[%mul3A_2, %dma_wait3A_200] : memref<10240x128xf32, #tpu.memory_space<hbm>> -> memref<640x128xf32, #tpu.memory_space<hbm>>
      tpu.wait_dma2 semaphore(%arg15 : memref<!tpu.dma_semaphore, #tpu.memory_space<semaphore_mem>>) src(%dma_wait3A_201 : memref<640x128xf32, #tpu.memory_space<hbm>>) dst(%dma_wait3A_199 : memref<640x128xf32, #tpu.memory_space<vmem_shared>>)
    } else {
    }
    %barrier3A = arith.constant 0 : index
    tpu.barrier barrier_id(%barrier3A)
    %dma_wait3A = arith.constant 0 : i32
    %dma_wait3A_68 = arith.constant 0 : i32
    %dma_wait3A_69 = tpu.memref_slice %arg10[%dma_wait3A, %dma_wait3A_68] : memref<4x128xi32, #tpu.memory_space<vmem>> -> memref<1x128xi32, #tpu.memory_space<vmem>>
    %dma_wait3A_70 = tpu.memref_squeeze %dma_wait3A_69 : memref<1x128xi32, #tpu.memory_space<vmem>> -> memref<128xi32, #tpu.memory_space<vmem>>
    %dma_wait3A_71 = arith.constant 0 : i32
    %dma_wait3A_72 = arith.constant 0 : i32
    %dma_wait3A_73 = tpu.memref_slice %arg2[%dma_wait3A_71, %dma_wait3A_72] : memref<10240x128xf32, #tpu.memory_space<hbm>> -> memref<10240x128xf32, #tpu.memory_space<hbm>>
    tpu.wait_indirect_dma semaphore(%arg13 : memref<!tpu.dma_semaphore, #tpu.memory_space<semaphore_mem>>) src(%dma_wait3A_73 : memref<10240x128xf32, #tpu.memory_space<hbm>>) dst(%arg11 : memref<128x128xf32, #tpu.memory_space<vmem>>)
    %dma_start3A_74 = arith.constant 0 : i32
    %dma_start3A_75 = arith.constant 0 : i32
    %dma_start3A_76 = tpu.memref_slice %arg9[%dma_start3A_74, %dma_start3A_75] : memref<80x128xi32, #tpu.memory_space<vmem>> -> memref<1x128xi32, #tpu.memory_space<vmem>>
    %dma_start3A_77 = tpu.memref_squeeze %dma_start3A_76 : memref<1x128xi32, #tpu.memory_space<vmem>> -> memref<128xi32, #tpu.memory_space<vmem>>
    %dma_start3A_78 = arith.constant 0 : i32
    %dma_start3A_79 = arith.constant 0 : i32
    %dma_start3A_80 = tpu.memref_slice %arg8[%dma_start3A_78, %dma_start3A_79] : memref<10240x128xf32, #tpu.memory_space<vmem_shared>> -> memref<10240x128xf32, #tpu.memory_space<vmem_shared>>
    tpu.enqueue_indirect_dma source(%arg11 : memref<128x128xf32, #tpu.memory_space<vmem>>) target(%dma_start3A_80 : memref<10240x128xf32, #tpu.memory_space<vmem_shared>>) offsets(%dma_start3A_77 : memref<128xi32, #tpu.memory_space<vmem>>) semaphore(%arg15 : memref<!tpu.dma_semaphore, #tpu.memory_space<semaphore_mem>>) {add = true}
    %scan3A = arith.constant 0 : i32
    %scan3A_81 = arith.constant 38 : i32
    %scan3A_82 = arith.addi %scan3A, %scan3A_81 : i32
    %scan3A_83 = arith.constant 1 : i32
    scf.for %scan3A_198 = %scan3A to %scan3A_82 step %scan3A_83  : i32 {
      %mul3A_199 = arith.constant 1 : i32
      %mul3A_200 = arith.muli %scan3A_198, %mul3A_199 : i32
      %add3A_201 = arith.constant 1 : i32
      %add3A_202 = arith.addi %add3A_201, %mul3A_200 : i32
      %mul3A_203 = arith.constant 2 : i32
      %mul3A_204 = arith.muli %mul3A_203, %add3A_202 : i32
      %sub3A = arith.constant 2 : i32
      %sub3A_205 = arith.subi %mul3A_204, %sub3A : i32
      %dma_wait3A_206 = arith.constant 0 : i32
      %dma_wait3A_207 = tpu.memref_slice %arg9[%sub3A_205, %dma_wait3A_206] : memref<80x128xi32, #tpu.memory_space<vmem>> -> memref<1x128xi32, #tpu.memory_space<vmem>>
      %dma_wait3A_208 = tpu.memref_squeeze %dma_wait3A_207 : memref<1x128xi32, #tpu.memory_space<vmem>> -> memref<128xi32, #tpu.memory_space<vmem>>
      %dma_wait3A_209 = arith.constant 0 : i32
      %dma_wait3A_210 = arith.constant 0 : i32
      %dma_wait3A_211 = tpu.memref_slice %arg8[%dma_wait3A_209, %dma_wait3A_210] : memref<10240x128xf32, #tpu.memory_space<vmem_shared>> -> memref<10240x128xf32, #tpu.memory_space<vmem_shared>>
      tpu.wait_indirect_dma semaphore(%arg15 : memref<!tpu.dma_semaphore, #tpu.memory_space<semaphore_mem>>) src(%arg11 : memref<128x128xf32, #tpu.memory_space<vmem>>) dst(%dma_wait3A_211 : memref<10240x128xf32, #tpu.memory_space<vmem_shared>>)
      %add3A_212 = arith.constant 2 : i32
      %add3A_213 = arith.addi %mul3A_204, %add3A_212 : i32
      %mul3A_214 = arith.constant 128 : i32
      %mul3A_215 = arith.muli %add3A_213, %mul3A_214 : i32
      %add3A_216 = arith.addi %mul3A_4, %mul3A_215 : i32
      %rem3A = arith.constant 4 : i32
      %rem3A_217 = arith.remsi %add3A_213, %rem3A : i32
      %rem3A_218 = arith.constant 4 : i32
      %rem3A_219 = arith.remsi %add3A_213, %rem3A_218 : i32
      %dma_start3A_220 = arith.constant 0 : i32
      %dma_start3A_221 = tpu.memref_slice %arg10[%rem3A_217, %dma_start3A_220] : memref<4x128xi32, #tpu.memory_space<vmem>> -> memref<1x128xi32, #tpu.memory_space<vmem>>
      %dma_start3A_222 = tpu.memref_squeeze %dma_start3A_221 : memref<1x128xi32, #tpu.memory_space<vmem>> -> memref<128xi32, #tpu.memory_space<vmem>>
      %dma_start3A_223 = tpu.memref_slice %arg5[%add3A_216] : memref<327680xi32, #tpu.memory_space<hbm>> -> memref<128xi32, #tpu.memory_space<hbm>>
      %dma_start3A_224 = tpu.memref_slice %arg17[%rem3A_219] : memref<4x!tpu.dma_semaphore, #tpu.memory_space<semaphore_mem>> -> memref<1x!tpu.dma_semaphore, #tpu.memory_space<semaphore_mem>>
      %dma_start3A_225 = tpu.memref_squeeze %dma_start3A_224 : memref<1x!tpu.dma_semaphore, #tpu.memory_space<semaphore_mem>> -> memref<!tpu.dma_semaphore, #tpu.memory_space<semaphore_mem>>
      %dma_start3A_226 = arith.constant 0 : i32
      %dma_start3A_227 = tpu.memref_slice %arg10[%rem3A_217, %dma_start3A_226] : memref<4x128xi32, #tpu.memory_space<vmem>> -> memref<1x128xi32, #tpu.memory_space<vmem>>
      %dma_start3A_228 = tpu.memref_squeeze %dma_start3A_227 : memref<1x128xi32, #tpu.memory_space<vmem>> -> memref<128xi32, #tpu.memory_space<vmem>>
      %dma_start3A_229 = tpu.memref_slice %arg5[%add3A_216] : memref<327680xi32, #tpu.memory_space<hbm>> -> memref<128xi32, #tpu.memory_space<hbm>>
      tpu.enqueue_dma source(%dma_start3A_229 : memref<128xi32, #tpu.memory_space<hbm>>) target(%dma_start3A_228 : memref<128xi32, #tpu.memory_space<vmem>>) target_semaphore(%dma_start3A_225 : memref<!tpu.dma_semaphore, #tpu.memory_space<semaphore_mem>>)
      %mul3A_230 = arith.constant 128 : i32
      %mul3A_231 = arith.muli %mul3A_204, %mul3A_230 : i32
      %add3A_232 = arith.addi %mul3A_4, %mul3A_231 : i32
      %rem3A_233 = arith.constant 4 : i32
      %rem3A_234 = arith.remsi %mul3A_204, %rem3A_233 : i32
      %rem3A_235 = arith.constant 4 : i32
      %rem3A_236 = arith.remsi %mul3A_204, %rem3A_235 : i32
      %dma_wait3A_237 = arith.constant 0 : i32
      %dma_wait3A_238 = tpu.memref_slice %arg10[%rem3A_234, %dma_wait3A_237] : memref<4x128xi32, #tpu.memory_space<vmem>> -> memref<1x128xi32, #tpu.memory_space<vmem>>
      %dma_wait3A_239 = tpu.memref_squeeze %dma_wait3A_238 : memref<1x128xi32, #tpu.memory_space<vmem>> -> memref<128xi32, #tpu.memory_space<vmem>>
      %dma_wait3A_240 = tpu.memref_slice %arg5[%add3A_232] : memref<327680xi32, #tpu.memory_space<hbm>> -> memref<128xi32, #tpu.memory_space<hbm>>
      %dma_wait3A_241 = tpu.memref_slice %arg17[%rem3A_236] : memref<4x!tpu.dma_semaphore, #tpu.memory_space<semaphore_mem>> -> memref<1x!tpu.dma_semaphore, #tpu.memory_space<semaphore_mem>>
      %dma_wait3A_242 = tpu.memref_squeeze %dma_wait3A_241 : memref<1x!tpu.dma_semaphore, #tpu.memory_space<semaphore_mem>> -> memref<!tpu.dma_semaphore, #tpu.memory_space<semaphore_mem>>
      %dma_wait3A_243 = arith.constant 0 : i32
      %dma_wait3A_244 = tpu.memref_slice %arg10[%rem3A_234, %dma_wait3A_243] : memref<4x128xi32, #tpu.memory_space<vmem>> -> memref<1x128xi32, #tpu.memory_space<vmem>>
      %dma_wait3A_245 = tpu.memref_squeeze %dma_wait3A_244 : memref<1x128xi32, #tpu.memory_space<vmem>> -> memref<128xi32, #tpu.memory_space<vmem>>
      %dma_wait3A_246 = tpu.memref_slice %arg5[%add3A_232] : memref<327680xi32, #tpu.memory_space<hbm>> -> memref<128xi32, #tpu.memory_space<hbm>>
      tpu.wait_dma2 semaphore(%dma_wait3A_242 : memref<!tpu.dma_semaphore, #tpu.memory_space<semaphore_mem>>) src(%dma_wait3A_246 : memref<128xi32, #tpu.memory_space<hbm>>) dst(%dma_wait3A_245 : memref<128xi32, #tpu.memory_space<vmem>>)
      %rem3A_247 = arith.constant 4 : i32
      %rem3A_248 = arith.remsi %mul3A_204, %rem3A_247 : i32
      %dma_start3A_249 = arith.constant 0 : i32
      %dma_start3A_250 = tpu.memref_slice %arg10[%rem3A_248, %dma_start3A_249] : memref<4x128xi32, #tpu.memory_space<vmem>> -> memref<1x128xi32, #tpu.memory_space<vmem>>
      %dma_start3A_251 = tpu.memref_squeeze %dma_start3A_250 : memref<1x128xi32, #tpu.memory_space<vmem>> -> memref<128xi32, #tpu.memory_space<vmem>>
      %dma_start3A_252 = arith.constant 0 : i32
      %dma_start3A_253 = arith.constant 0 : i32
      %dma_start3A_254 = tpu.memref_slice %arg2[%dma_start3A_252, %dma_start3A_253] : memref<10240x128xf32, #tpu.memory_space<hbm>> -> memref<10240x128xf32, #tpu.memory_space<hbm>>
      tpu.enqueue_indirect_dma source(%dma_start3A_254 : memref<10240x128xf32, #tpu.memory_space<hbm>>) target(%arg11 : memref<128x128xf32, #tpu.memory_space<vmem>>) offsets(%dma_start3A_251 : memref<128xi32, #tpu.memory_space<vmem>>) semaphore(%arg13 : memref<!tpu.dma_semaphore, #tpu.memory_space<semaphore_mem>>)
      %sub3A_255 = arith.constant 1 : i32
      %sub3A_256 = arith.subi %mul3A_204, %sub3A_255 : i32
      %rem3A_257 = arith.constant 4 : i32
      %rem3A_258 = arith.remsi %sub3A_256, %rem3A_257 : i32
      %dma_wait3A_259 = arith.constant 0 : i32
      %dma_wait3A_260 = tpu.memref_slice %arg10[%rem3A_258, %dma_wait3A_259] : memref<4x128xi32, #tpu.memory_space<vmem>> -> memref<1x128xi32, #tpu.memory_space<vmem>>
      %dma_wait3A_261 = tpu.memref_squeeze %dma_wait3A_260 : memref<1x128xi32, #tpu.memory_space<vmem>> -> memref<128xi32, #tpu.memory_space<vmem>>
      %dma_wait3A_262 = arith.constant 0 : i32
      %dma_wait3A_263 = arith.constant 0 : i32
      %dma_wait3A_264 = tpu.memref_slice %arg2[%dma_wait3A_262, %dma_wait3A_263] : memref<10240x128xf32, #tpu.memory_space<hbm>> -> memref<10240x128xf32, #tpu.memory_space<hbm>>
      tpu.wait_indirect_dma semaphore(%arg14 : memref<!tpu.dma_semaphore, #tpu.memory_space<semaphore_mem>>) src(%dma_wait3A_264 : memref<10240x128xf32, #tpu.memory_space<hbm>>) dst(%arg12 : memref<128x128xf32, #tpu.memory_space<vmem>>)
      %sub3A_265 = arith.constant 1 : i32
      %sub3A_266 = arith.subi %mul3A_204, %sub3A_265 : i32
      %dma_start3A_267 = arith.constant 0 : i32
      %dma_start3A_268 = tpu.memref_slice %arg9[%sub3A_266, %dma_start3A_267] : memref<80x128xi32, #tpu.memory_space<vmem>> -> memref<1x128xi32, #tpu.memory_space<vmem>>
      %dma_start3A_269 = tpu.memref_squeeze %dma_start3A_268 : memref<1x128xi32, #tpu.memory_space<vmem>> -> memref<128xi32, #tpu.memory_space<vmem>>
      %dma_start3A_270 = arith.constant 0 : i32
      %dma_start3A_271 = arith.constant 0 : i32
      %dma_start3A_272 = tpu.memref_slice %arg8[%dma_start3A_270, %dma_start3A_271] : memref<10240x128xf32, #tpu.memory_space<vmem_shared>> -> memref<10240x128xf32, #tpu.memory_space<vmem_shared>>
      tpu.enqueue_indirect_dma source(%arg12 : memref<128x128xf32, #tpu.memory_space<vmem>>) target(%dma_start3A_272 : memref<10240x128xf32, #tpu.memory_space<vmem_shared>>) offsets(%dma_start3A_269 : memref<128xi32, #tpu.memory_space<vmem>>) semaphore(%arg16 : memref<!tpu.dma_semaphore, #tpu.memory_space<semaphore_mem>>) {add = true}
      %sub3A_273 = arith.constant 1 : i32
      %sub3A_274 = arith.subi %mul3A_204, %sub3A_273 : i32
      %dma_wait3A_275 = arith.constant 0 : i32
      %dma_wait3A_276 = tpu.memref_slice %arg9[%sub3A_274, %dma_wait3A_275] : memref<80x128xi32, #tpu.memory_space<vmem>> -> memref<1x128xi32, #tpu.memory_space<vmem>>
      %dma_wait3A_277 = tpu.memref_squeeze %dma_wait3A_276 : memref<1x128xi32, #tpu.memory_space<vmem>> -> memref<128xi32, #tpu.memory_space<vmem>>
      %dma_wait3A_278 = arith.constant 0 : i32
      %dma_wait3A_279 = arith.constant 0 : i32
      %dma_wait3A_280 = tpu.memref_slice %arg8[%dma_wait3A_278, %dma_wait3A_279] : memref<10240x128xf32, #tpu.memory_space<vmem_shared>> -> memref<10240x128xf32, #tpu.memory_space<vmem_shared>>
      tpu.wait_indirect_dma semaphore(%arg16 : memref<!tpu.dma_semaphore, #tpu.memory_space<semaphore_mem>>) src(%arg12 : memref<128x128xf32, #tpu.memory_space<vmem>>) dst(%dma_wait3A_280 : memref<10240x128xf32, #tpu.memory_space<vmem_shared>>)
      %add3A_281 = arith.constant 3 : i32
      %add3A_282 = arith.addi %mul3A_204, %add3A_281 : i32
      %mul3A_283 = arith.constant 128 : i32
      %mul3A_284 = arith.muli %add3A_282, %mul3A_283 : i32
      %add3A_285 = arith.addi %mul3A_4, %mul3A_284 : i32
      %rem3A_286 = arith.constant 4 : i32
      %rem3A_287 = arith.remsi %add3A_282, %rem3A_286 : i32
      %rem3A_288 = arith.constant 4 : i32
      %rem3A_289 = arith.remsi %add3A_282, %rem3A_288 : i32
      %dma_start3A_290 = arith.constant 0 : i32
      %dma_start3A_291 = tpu.memref_slice %arg10[%rem3A_287, %dma_start3A_290] : memref<4x128xi32, #tpu.memory_space<vmem>> -> memref<1x128xi32, #tpu.memory_space<vmem>>
      %dma_start3A_292 = tpu.memref_squeeze %dma_start3A_291 : memref<1x128xi32, #tpu.memory_space<vmem>> -> memref<128xi32, #tpu.memory_space<vmem>>
      %dma_start3A_293 = tpu.memref_slice %arg5[%add3A_285] : memref<327680xi32, #tpu.memory_space<hbm>> -> memref<128xi32, #tpu.memory_space<hbm>>
      %dma_start3A_294 = tpu.memref_slice %arg17[%rem3A_289] : memref<4x!tpu.dma_semaphore, #tpu.memory_space<semaphore_mem>> -> memref<1x!tpu.dma_semaphore, #tpu.memory_space<semaphore_mem>>
      %dma_start3A_295 = tpu.memref_squeeze %dma_start3A_294 : memref<1x!tpu.dma_semaphore, #tpu.memory_space<semaphore_mem>> -> memref<!tpu.dma_semaphore, #tpu.memory_space<semaphore_mem>>
      %dma_start3A_296 = arith.constant 0 : i32
      %dma_start3A_297 = tpu.memref_slice %arg10[%rem3A_287, %dma_start3A_296] : memref<4x128xi32, #tpu.memory_space<vmem>> -> memref<1x128xi32, #tpu.memory_space<vmem>>
      %dma_start3A_298 = tpu.memref_squeeze %dma_start3A_297 : memref<1x128xi32, #tpu.memory_space<vmem>> -> memref<128xi32, #tpu.memory_space<vmem>>
      %dma_start3A_299 = tpu.memref_slice %arg5[%add3A_285] : memref<327680xi32, #tpu.memory_space<hbm>> -> memref<128xi32, #tpu.memory_space<hbm>>
      tpu.enqueue_dma source(%dma_start3A_299 : memref<128xi32, #tpu.memory_space<hbm>>) target(%dma_start3A_298 : memref<128xi32, #tpu.memory_space<vmem>>) target_semaphore(%dma_start3A_295 : memref<!tpu.dma_semaphore, #tpu.memory_space<semaphore_mem>>)
      %add3A_300 = arith.constant 1 : i32
      %add3A_301 = arith.addi %mul3A_204, %add3A_300 : i32
      %mul3A_302 = arith.constant 128 : i32
      %mul3A_303 = arith.muli %add3A_301, %mul3A_302 : i32
      %add3A_304 = arith.addi %mul3A_4, %mul3A_303 : i32
      %rem3A_305 = arith.constant 4 : i32
      %rem3A_306 = arith.remsi %add3A_301, %rem3A_305 : i32
      %rem3A_307 = arith.constant 4 : i32
      %rem3A_308 = arith.remsi %add3A_301, %rem3A_307 : i32
      %dma_wait3A_309 = arith.constant 0 : i32
      %dma_wait3A_310 = tpu.memref_slice %arg10[%rem3A_306, %dma_wait3A_309] : memref<4x128xi32, #tpu.memory_space<vmem>> -> memref<1x128xi32, #tpu.memory_space<vmem>>
      %dma_wait3A_311 = tpu.memref_squeeze %dma_wait3A_310 : memref<1x128xi32, #tpu.memory_space<vmem>> -> memref<128xi32, #tpu.memory_space<vmem>>
      %dma_wait3A_312 = tpu.memref_slice %arg5[%add3A_304] : memref<327680xi32, #tpu.memory_space<hbm>> -> memref<128xi32, #tpu.memory_space<hbm>>
      %dma_wait3A_313 = tpu.memref_slice %arg17[%rem3A_308] : memref<4x!tpu.dma_semaphore, #tpu.memory_space<semaphore_mem>> -> memref<1x!tpu.dma_semaphore, #tpu.memory_space<semaphore_mem>>
      %dma_wait3A_314 = tpu.memref_squeeze %dma_wait3A_313 : memref<1x!tpu.dma_semaphore, #tpu.memory_space<semaphore_mem>> -> memref<!tpu.dma_semaphore, #tpu.memory_space<semaphore_mem>>
      %dma_wait3A_315 = arith.constant 0 : i32
      %dma_wait3A_316 = tpu.memref_slice %arg10[%rem3A_306, %dma_wait3A_315] : memref<4x128xi32, #tpu.memory_space<vmem>> -> memref<1x128xi32, #tpu.memory_space<vmem>>
      %dma_wait3A_317 = tpu.memref_squeeze %dma_wait3A_316 : memref<1x128xi32, #tpu.memory_space<vmem>> -> memref<128xi32, #tpu.memory_space<vmem>>
      %dma_wait3A_318 = tpu.memref_slice %arg5[%add3A_304] : memref<327680xi32, #tpu.memory_space<hbm>> -> memref<128xi32, #tpu.memory_space<hbm>>
      tpu.wait_dma2 semaphore(%dma_wait3A_314 : memref<!tpu.dma_semaphore, #tpu.memory_space<semaphore_mem>>) src(%dma_wait3A_318 : memref<128xi32, #tpu.memory_space<hbm>>) dst(%dma_wait3A_317 : memref<128xi32, #tpu.memory_space<vmem>>)
      %add3A_319 = arith.constant 1 : i32
      %add3A_320 = arith.addi %mul3A_204, %add3A_319 : i32
      %rem3A_321 = arith.constant 4 : i32
      %rem3A_322 = arith.remsi %add3A_320, %rem3A_321 : i32
      %dma_start3A_323 = arith.constant 0 : i32
      %dma_start3A_324 = tpu.memref_slice %arg10[%rem3A_322, %dma_start3A_323] : memref<4x128xi32, #tpu.memory_space<vmem>> -> memref<1x128xi32, #tpu.memory_space<vmem>>
      %dma_start3A_325 = tpu.memref_squeeze %dma_start3A_324 : memref<1x128xi32, #tpu.memory_space<vmem>> -> memref<128xi32, #tpu.memory_space<vmem>>
      %dma_start3A_326 = arith.constant 0 : i32
      %dma_start3A_327 = arith.constant 0 : i32
      %dma_start3A_328 = tpu.memref_slice %arg2[%dma_start3A_326, %dma_start3A_327] : memref<10240x128xf32, #tpu.memory_space<hbm>> -> memref<10240x128xf32, #tpu.memory_space<hbm>>
      tpu.enqueue_indirect_dma source(%dma_start3A_328 : memref<10240x128xf32, #tpu.memory_space<hbm>>) target(%arg12 : memref<128x128xf32, #tpu.memory_space<vmem>>) offsets(%dma_start3A_325 : memref<128xi32, #tpu.memory_space<vmem>>) semaphore(%arg14 : memref<!tpu.dma_semaphore, #tpu.memory_space<semaphore_mem>>)
      %rem3A_329 = arith.constant 4 : i32
      %rem3A_330 = arith.remsi %mul3A_204, %rem3A_329 : i32
      %dma_wait3A_331 = arith.constant 0 : i32
      %dma_wait3A_332 = tpu.memref_slice %arg10[%rem3A_330, %dma_wait3A_331] : memref<4x128xi32, #tpu.memory_space<vmem>> -> memref<1x128xi32, #tpu.memory_space<vmem>>
      %dma_wait3A_333 = tpu.memref_squeeze %dma_wait3A_332 : memref<1x128xi32, #tpu.memory_space<vmem>> -> memref<128xi32, #tpu.memory_space<vmem>>
      %dma_wait3A_334 = arith.constant 0 : i32
      %dma_wait3A_335 = arith.constant 0 : i32
      %dma_wait3A_336 = tpu.memref_slice %arg2[%dma_wait3A_334, %dma_wait3A_335] : memref<10240x128xf32, #tpu.memory_space<hbm>> -> memref<10240x128xf32, #tpu.memory_space<hbm>>
      tpu.wait_indirect_dma semaphore(%arg13 : memref<!tpu.dma_semaphore, #tpu.memory_space<semaphore_mem>>) src(%dma_wait3A_336 : memref<10240x128xf32, #tpu.memory_space<hbm>>) dst(%arg11 : memref<128x128xf32, #tpu.memory_space<vmem>>)
      %dma_start3A_337 = arith.constant 0 : i32
      %dma_start3A_338 = tpu.memref_slice %arg9[%mul3A_204, %dma_start3A_337] : memref<80x128xi32, #tpu.memory_space<vmem>> -> memref<1x128xi32, #tpu.memory_space<vmem>>
      %dma_start3A_339 = tpu.memref_squeeze %dma_start3A_338 : memref<1x128xi32, #tpu.memory_space<vmem>> -> memref<128xi32, #tpu.memory_space<vmem>>
      %dma_start3A_340 = arith.constant 0 : i32
      %dma_start3A_341 = arith.constant 0 : i32
      %dma_start3A_342 = tpu.memref_slice %arg8[%dma_start3A_340, %dma_start3A_341] : memref<10240x128xf32, #tpu.memory_space<vmem_shared>> -> memref<10240x128xf32, #tpu.memory_space<vmem_shared>>
      tpu.enqueue_indirect_dma source(%arg11 : memref<128x128xf32, #tpu.memory_space<vmem>>) target(%dma_start3A_342 : memref<10240x128xf32, #tpu.memory_space<vmem_shared>>) offsets(%dma_start3A_339 : memref<128xi32, #tpu.memory_space<vmem>>) semaphore(%arg15 : memref<!tpu.dma_semaphore, #tpu.memory_space<semaphore_mem>>) {add = true}
    }
    %scan3A_84 = arith.constant 38 : i32
    %dma_wait3A_85 = arith.constant 76 : i32
    %dma_wait3A_86 = arith.constant 0 : i32
    %dma_wait3A_87 = tpu.memref_slice %arg9[%dma_wait3A_85, %dma_wait3A_86] : memref<80x128xi32, #tpu.memory_space<vmem>> -> memref<1x128xi32, #tpu.memory_space<vmem>>
    %dma_wait3A_88 = tpu.memref_squeeze %dma_wait3A_87 : memref<1x128xi32, #tpu.memory_space<vmem>> -> memref<128xi32, #tpu.memory_space<vmem>>
    %dma_wait3A_89 = arith.constant 0 : i32
    %dma_wait3A_90 = arith.constant 0 : i32
    %dma_wait3A_91 = tpu.memref_slice %arg8[%dma_wait3A_89, %dma_wait3A_90] : memref<10240x128xf32, #tpu.memory_space<vmem_shared>> -> memref<10240x128xf32, #tpu.memory_space<vmem_shared>>
    tpu.wait_indirect_dma semaphore(%arg15 : memref<!tpu.dma_semaphore, #tpu.memory_space<semaphore_mem>>) src(%arg11 : memref<128x128xf32, #tpu.memory_space<vmem>>) dst(%dma_wait3A_91 : memref<10240x128xf32, #tpu.memory_space<vmem_shared>>)
    %add3A_92 = arith.constant 9984 : i32
    %add3A_93 = arith.addi %mul3A_4, %add3A_92 : i32
    %dma_wait3A_94 = arith.constant 2 : i32
    %dma_wait3A_95 = arith.constant 2 : i32
    %dma_wait3A_96 = arith.constant 0 : i32
    %dma_wait3A_97 = tpu.memref_slice %arg10[%dma_wait3A_94, %dma_wait3A_96] : memref<4x128xi32, #tpu.memory_space<vmem>> -> memref<1x128xi32, #tpu.memory_space<vmem>>
    %dma_wait3A_98 = tpu.memref_squeeze %dma_wait3A_97 : memref<1x128xi32, #tpu.memory_space<vmem>> -> memref<128xi32, #tpu.memory_space<vmem>>
    %dma_wait3A_99 = tpu.memref_slice %arg5[%add3A_93] : memref<327680xi32, #tpu.memory_space<hbm>> -> memref<128xi32, #tpu.memory_space<hbm>>
    %dma_wait3A_100 = tpu.memref_slice %arg17[%dma_wait3A_95] : memref<4x!tpu.dma_semaphore, #tpu.memory_space<semaphore_mem>> -> memref<1x!tpu.dma_semaphore, #tpu.memory_space<semaphore_mem>>
    %dma_wait3A_101 = tpu.memref_squeeze %dma_wait3A_100 : memref<1x!tpu.dma_semaphore, #tpu.memory_space<semaphore_mem>> -> memref<!tpu.dma_semaphore, #tpu.memory_space<semaphore_mem>>
    %dma_wait3A_102 = arith.constant 0 : i32
    %dma_wait3A_103 = tpu.memref_slice %arg10[%dma_wait3A_94, %dma_wait3A_102] : memref<4x128xi32, #tpu.memory_space<vmem>> -> memref<1x128xi32, #tpu.memory_space<vmem>>
    %dma_wait3A_104 = tpu.memref_squeeze %dma_wait3A_103 : memref<1x128xi32, #tpu.memory_space<vmem>> -> memref<128xi32, #tpu.memory_space<vmem>>
    %dma_wait3A_105 = tpu.memref_slice %arg5[%add3A_93] : memref<327680xi32, #tpu.memory_space<hbm>> -> memref<128xi32, #tpu.memory_space<hbm>>
    tpu.wait_dma2 semaphore(%dma_wait3A_101 : memref<!tpu.dma_semaphore, #tpu.memory_space<semaphore_mem>>) src(%dma_wait3A_105 : memref<128xi32, #tpu.memory_space<hbm>>) dst(%dma_wait3A_104 : memref<128xi32, #tpu.memory_space<vmem>>)
    %dma_start3A_106 = arith.constant 2 : i32
    %dma_start3A_107 = arith.constant 0 : i32
    %dma_start3A_108 = tpu.memref_slice %arg10[%dma_start3A_106, %dma_start3A_107] : memref<4x128xi32, #tpu.memory_space<vmem>> -> memref<1x128xi32, #tpu.memory_space<vmem>>
    %dma_start3A_109 = tpu.memref_squeeze %dma_start3A_108 : memref<1x128xi32, #tpu.memory_space<vmem>> -> memref<128xi32, #tpu.memory_space<vmem>>
    %dma_start3A_110 = arith.constant 0 : i32
    %dma_start3A_111 = arith.constant 0 : i32
    %dma_start3A_112 = tpu.memref_slice %arg2[%dma_start3A_110, %dma_start3A_111] : memref<10240x128xf32, #tpu.memory_space<hbm>> -> memref<10240x128xf32, #tpu.memory_space<hbm>>
    tpu.enqueue_indirect_dma source(%dma_start3A_112 : memref<10240x128xf32, #tpu.memory_space<hbm>>) target(%arg11 : memref<128x128xf32, #tpu.memory_space<vmem>>) offsets(%dma_start3A_109 : memref<128xi32, #tpu.memory_space<vmem>>) semaphore(%arg13 : memref<!tpu.dma_semaphore, #tpu.memory_space<semaphore_mem>>)
    %dma_wait3A_113 = arith.constant 1 : i32
    %dma_wait3A_114 = arith.constant 0 : i32
    %dma_wait3A_115 = tpu.memref_slice %arg10[%dma_wait3A_113, %dma_wait3A_114] : memref<4x128xi32, #tpu.memory_space<vmem>> -> memref<1x128xi32, #tpu.memory_space<vmem>>
    %dma_wait3A_116 = tpu.memref_squeeze %dma_wait3A_115 : memref<1x128xi32, #tpu.memory_space<vmem>> -> memref<128xi32, #tpu.memory_space<vmem>>
    %dma_wait3A_117 = arith.constant 0 : i32
    %dma_wait3A_118 = arith.constant 0 : i32
    %dma_wait3A_119 = tpu.memref_slice %arg2[%dma_wait3A_117, %dma_wait3A_118] : memref<10240x128xf32, #tpu.memory_space<hbm>> -> memref<10240x128xf32, #tpu.memory_space<hbm>>
    tpu.wait_indirect_dma semaphore(%arg14 : memref<!tpu.dma_semaphore, #tpu.memory_space<semaphore_mem>>) src(%dma_wait3A_119 : memref<10240x128xf32, #tpu.memory_space<hbm>>) dst(%arg12 : memref<128x128xf32, #tpu.memory_space<vmem>>)
    %dma_start3A_120 = arith.constant 77 : i32
    %dma_start3A_121 = arith.constant 0 : i32
    %dma_start3A_122 = tpu.memref_slice %arg9[%dma_start3A_120, %dma_start3A_121] : memref<80x128xi32, #tpu.memory_space<vmem>> -> memref<1x128xi32, #tpu.memory_space<vmem>>
    %dma_start3A_123 = tpu.memref_squeeze %dma_start3A_122 : memref<1x128xi32, #tpu.memory_space<vmem>> -> memref<128xi32, #tpu.memory_space<vmem>>
    %dma_start3A_124 = arith.constant 0 : i32
    %dma_start3A_125 = arith.constant 0 : i32
    %dma_start3A_126 = tpu.memref_slice %arg8[%dma_start3A_124, %dma_start3A_125] : memref<10240x128xf32, #tpu.memory_space<vmem_shared>> -> memref<10240x128xf32, #tpu.memory_space<vmem_shared>>
    tpu.enqueue_indirect_dma source(%arg12 : memref<128x128xf32, #tpu.memory_space<vmem>>) target(%dma_start3A_126 : memref<10240x128xf32, #tpu.memory_space<vmem_shared>>) offsets(%dma_start3A_123 : memref<128xi32, #tpu.memory_space<vmem>>) semaphore(%arg16 : memref<!tpu.dma_semaphore, #tpu.memory_space<semaphore_mem>>) {add = true}
    %dma_wait3A_127 = arith.constant 77 : i32
    %dma_wait3A_128 = arith.constant 0 : i32
    %dma_wait3A_129 = tpu.memref_slice %arg9[%dma_wait3A_127, %dma_wait3A_128] : memref<80x128xi32, #tpu.memory_space<vmem>> -> memref<1x128xi32, #tpu.memory_space<vmem>>
    %dma_wait3A_130 = tpu.memref_squeeze %dma_wait3A_129 : memref<1x128xi32, #tpu.memory_space<vmem>> -> memref<128xi32, #tpu.memory_space<vmem>>
    %dma_wait3A_131 = arith.constant 0 : i32
    %dma_wait3A_132 = arith.constant 0 : i32
    %dma_wait3A_133 = tpu.memref_slice %arg8[%dma_wait3A_131, %dma_wait3A_132] : memref<10240x128xf32, #tpu.memory_space<vmem_shared>> -> memref<10240x128xf32, #tpu.memory_space<vmem_shared>>
    tpu.wait_indirect_dma semaphore(%arg16 : memref<!tpu.dma_semaphore, #tpu.memory_space<semaphore_mem>>) src(%arg12 : memref<128x128xf32, #tpu.memory_space<vmem>>) dst(%dma_wait3A_133 : memref<10240x128xf32, #tpu.memory_space<vmem_shared>>)
    %add3A_134 = arith.constant 10112 : i32
    %add3A_135 = arith.addi %mul3A_4, %add3A_134 : i32
    %dma_wait3A_136 = arith.constant 3 : i32
    %dma_wait3A_137 = arith.constant 3 : i32
    %dma_wait3A_138 = arith.constant 0 : i32
    %dma_wait3A_139 = tpu.memref_slice %arg10[%dma_wait3A_136, %dma_wait3A_138] : memref<4x128xi32, #tpu.memory_space<vmem>> -> memref<1x128xi32, #tpu.memory_space<vmem>>
    %dma_wait3A_140 = tpu.memref_squeeze %dma_wait3A_139 : memref<1x128xi32, #tpu.memory_space<vmem>> -> memref<128xi32, #tpu.memory_space<vmem>>
    %dma_wait3A_141 = tpu.memref_slice %arg5[%add3A_135] : memref<327680xi32, #tpu.memory_space<hbm>> -> memref<128xi32, #tpu.memory_space<hbm>>
    %dma_wait3A_142 = tpu.memref_slice %arg17[%dma_wait3A_137] : memref<4x!tpu.dma_semaphore, #tpu.memory_space<semaphore_mem>> -> memref<1x!tpu.dma_semaphore, #tpu.memory_space<semaphore_mem>>
    %dma_wait3A_143 = tpu.memref_squeeze %dma_wait3A_142 : memref<1x!tpu.dma_semaphore, #tpu.memory_space<semaphore_mem>> -> memref<!tpu.dma_semaphore, #tpu.memory_space<semaphore_mem>>
    %dma_wait3A_144 = arith.constant 0 : i32
    %dma_wait3A_145 = tpu.memref_slice %arg10[%dma_wait3A_136, %dma_wait3A_144] : memref<4x128xi32, #tpu.memory_space<vmem>> -> memref<1x128xi32, #tpu.memory_space<vmem>>
    %dma_wait3A_146 = tpu.memref_squeeze %dma_wait3A_145 : memref<1x128xi32, #tpu.memory_space<vmem>> -> memref<128xi32, #tpu.memory_space<vmem>>
    %dma_wait3A_147 = tpu.memref_slice %arg5[%add3A_135] : memref<327680xi32, #tpu.memory_space<hbm>> -> memref<128xi32, #tpu.memory_space<hbm>>
    tpu.wait_dma2 semaphore(%dma_wait3A_143 : memref<!tpu.dma_semaphore, #tpu.memory_space<semaphore_mem>>) src(%dma_wait3A_147 : memref<128xi32, #tpu.memory_space<hbm>>) dst(%dma_wait3A_146 : memref<128xi32, #tpu.memory_space<vmem>>)
    %dma_start3A_148 = arith.constant 3 : i32
    %dma_start3A_149 = arith.constant 0 : i32
    %dma_start3A_150 = tpu.memref_slice %arg10[%dma_start3A_148, %dma_start3A_149] : memref<4x128xi32, #tpu.memory_space<vmem>> -> memref<1x128xi32, #tpu.memory_space<vmem>>
    %dma_start3A_151 = tpu.memref_squeeze %dma_start3A_150 : memref<1x128xi32, #tpu.memory_space<vmem>> -> memref<128xi32, #tpu.memory_space<vmem>>
    %dma_start3A_152 = arith.constant 0 : i32
    %dma_start3A_153 = arith.constant 0 : i32
    %dma_start3A_154 = tpu.memref_slice %arg2[%dma_start3A_152, %dma_start3A_153] : memref<10240x128xf32, #tpu.memory_space<hbm>> -> memref<10240x128xf32, #tpu.memory_space<hbm>>
    tpu.enqueue_indirect_dma source(%dma_start3A_154 : memref<10240x128xf32, #tpu.memory_space<hbm>>) target(%arg12 : memref<128x128xf32, #tpu.memory_space<vmem>>) offsets(%dma_start3A_151 : memref<128xi32, #tpu.memory_space<vmem>>) semaphore(%arg14 : memref<!tpu.dma_semaphore, #tpu.memory_space<semaphore_mem>>)
    %dma_wait3A_155 = arith.constant 2 : i32
    %dma_wait3A_156 = arith.constant 0 : i32
    %dma_wait3A_157 = tpu.memref_slice %arg10[%dma_wait3A_155, %dma_wait3A_156] : memref<4x128xi32, #tpu.memory_space<vmem>> -> memref<1x128xi32, #tpu.memory_space<vmem>>
    %dma_wait3A_158 = tpu.memref_squeeze %dma_wait3A_157 : memref<1x128xi32, #tpu.memory_space<vmem>> -> memref<128xi32, #tpu.memory_space<vmem>>
    %dma_wait3A_159 = arith.constant 0 : i32
    %dma_wait3A_160 = arith.constant 0 : i32
    %dma_wait3A_161 = tpu.memref_slice %arg2[%dma_wait3A_159, %dma_wait3A_160] : memref<10240x128xf32, #tpu.memory_space<hbm>> -> memref<10240x128xf32, #tpu.memory_space<hbm>>
    tpu.wait_indirect_dma semaphore(%arg13 : memref<!tpu.dma_semaphore, #tpu.memory_space<semaphore_mem>>) src(%dma_wait3A_161 : memref<10240x128xf32, #tpu.memory_space<hbm>>) dst(%arg11 : memref<128x128xf32, #tpu.memory_space<vmem>>)
    %dma_start3A_162 = arith.constant 78 : i32
    %dma_start3A_163 = arith.constant 0 : i32
    %dma_start3A_164 = tpu.memref_slice %arg9[%dma_start3A_162, %dma_start3A_163] : memref<80x128xi32, #tpu.memory_space<vmem>> -> memref<1x128xi32, #tpu.memory_space<vmem>>
    %dma_start3A_165 = tpu.memref_squeeze %dma_start3A_164 : memref<1x128xi32, #tpu.memory_space<vmem>> -> memref<128xi32, #tpu.memory_space<vmem>>
    %dma_start3A_166 = arith.constant 0 : i32
    %dma_start3A_167 = arith.constant 0 : i32
    %dma_start3A_168 = tpu.memref_slice %arg8[%dma_start3A_166, %dma_start3A_167] : memref<10240x128xf32, #tpu.memory_space<vmem_shared>> -> memref<10240x128xf32, #tpu.memory_space<vmem_shared>>
    tpu.enqueue_indirect_dma source(%arg11 : memref<128x128xf32, #tpu.memory_space<vmem>>) target(%dma_start3A_168 : memref<10240x128xf32, #tpu.memory_space<vmem_shared>>) offsets(%dma_start3A_165 : memref<128xi32, #tpu.memory_space<vmem>>) semaphore(%arg15 : memref<!tpu.dma_semaphore, #tpu.memory_space<semaphore_mem>>) {add = true}
    %dma_wait3A_169 = arith.constant 3 : i32
    %dma_wait3A_170 = arith.constant 0 : i32
    %dma_wait3A_171 = tpu.memref_slice %arg10[%dma_wait3A_169, %dma_wait3A_170] : memref<4x128xi32, #tpu.memory_space<vmem>> -> memref<1x128xi32, #tpu.memory_space<vmem>>
    %dma_wait3A_172 = tpu.memref_squeeze %dma_wait3A_171 : memref<1x128xi32, #tpu.memory_space<vmem>> -> memref<128xi32, #tpu.memory_space<vmem>>
    %dma_wait3A_173 = arith.constant 0 : i32
    %dma_wait3A_174 = arith.constant 0 : i32
    %dma_wait3A_175 = tpu.memref_slice %arg2[%dma_wait3A_173, %dma_wait3A_174] : memref<10240x128xf32, #tpu.memory_space<hbm>> -> memref<10240x128xf32, #tpu.memory_space<hbm>>
    tpu.wait_indirect_dma semaphore(%arg14 : memref<!tpu.dma_semaphore, #tpu.memory_space<semaphore_mem>>) src(%dma_wait3A_175 : memref<10240x128xf32, #tpu.memory_space<hbm>>) dst(%arg12 : memref<128x128xf32, #tpu.memory_space<vmem>>)
    %dma_start3A_176 = arith.constant 79 : i32
    %dma_start3A_177 = arith.constant 0 : i32
    %dma_start3A_178 = tpu.memref_slice %arg9[%dma_start3A_176, %dma_start3A_177] : memref<80x128xi32, #tpu.memory_space<vmem>> -> memref<1x128xi32, #tpu.memory_space<vmem>>
    %dma_start3A_179 = tpu.memref_squeeze %dma_start3A_178 : memref<1x128xi32, #tpu.memory_space<vmem>> -> memref<128xi32, #tpu.memory_space<vmem>>
    %dma_start3A_180 = arith.constant 0 : i32
    %dma_start3A_181 = arith.constant 0 : i32
    %dma_start3A_182 = tpu.memref_slice %arg8[%dma_start3A_180, %dma_start3A_181] : memref<10240x128xf32, #tpu.memory_space<vmem_shared>> -> memref<10240x128xf32, #tpu.memory_space<vmem_shared>>
    tpu.enqueue_indirect_dma source(%arg12 : memref<128x128xf32, #tpu.memory_space<vmem>>) target(%dma_start3A_182 : memref<10240x128xf32, #tpu.memory_space<vmem_shared>>) offsets(%dma_start3A_179 : memref<128xi32, #tpu.memory_space<vmem>>) semaphore(%arg16 : memref<!tpu.dma_semaphore, #tpu.memory_space<semaphore_mem>>) {add = true}
    %dma_wait3A_183 = arith.constant 78 : i32
    %dma_wait3A_184 = arith.constant 0 : i32
    %dma_wait3A_185 = tpu.memref_slice %arg9[%dma_wait3A_183, %dma_wait3A_184] : memref<80x128xi32, #tpu.memory_space<vmem>> -> memref<1x128xi32, #tpu.memory_space<vmem>>
    %dma_wait3A_186 = tpu.memref_squeeze %dma_wait3A_185 : memref<1x128xi32, #tpu.memory_space<vmem>> -> memref<128xi32, #tpu.memory_space<vmem>>
    %dma_wait3A_187 = arith.constant 0 : i32
    %dma_wait3A_188 = arith.constant 0 : i32
    %dma_wait3A_189 = tpu.memref_slice %arg8[%dma_wait3A_187, %dma_wait3A_188] : memref<10240x128xf32, #tpu.memory_space<vmem_shared>> -> memref<10240x128xf32, #tpu.memory_space<vmem_shared>>
    tpu.wait_indirect_dma semaphore(%arg15 : memref<!tpu.dma_semaphore, #tpu.memory_space<semaphore_mem>>) src(%arg11 : memref<128x128xf32, #tpu.memory_space<vmem>>) dst(%dma_wait3A_189 : memref<10240x128xf32, #tpu.memory_space<vmem_shared>>)
    %dma_wait3A_190 = arith.constant 79 : i32
    %dma_wait3A_191 = arith.constant 0 : i32
    %dma_wait3A_192 = tpu.memref_slice %arg9[%dma_wait3A_190, %dma_wait3A_191] : memref<80x128xi32, #tpu.memory_space<vmem>> -> memref<1x128xi32, #tpu.memory_space<vmem>>
    %dma_wait3A_193 = tpu.memref_squeeze %dma_wait3A_192 : memref<1x128xi32, #tpu.memory_space<vmem>> -> memref<128xi32, #tpu.memory_space<vmem>>
    %dma_wait3A_194 = arith.constant 0 : i32
    %dma_wait3A_195 = arith.constant 0 : i32
    %dma_wait3A_196 = tpu.memref_slice %arg8[%dma_wait3A_194, %dma_wait3A_195] : memref<10240x128xf32, #tpu.memory_space<vmem_shared>> -> memref<10240x128xf32, #tpu.memory_space<vmem_shared>>
    tpu.wait_indirect_dma semaphore(%arg16 : memref<!tpu.dma_semaphore, #tpu.memory_space<semaphore_mem>>) src(%arg12 : memref<128x128xf32, #tpu.memory_space<vmem>>) dst(%dma_wait3A_196 : memref<10240x128xf32, #tpu.memory_space<vmem_shared>>)
    %barrier3A_197 = arith.constant 0 : index
    tpu.barrier barrier_id(%barrier3A_197)
    "tpu.region"() ({
      %run_scoped3A_198 = tpu.sem_alloc : memref<!tpu.dma_semaphore, #tpu.memory_space<semaphore_mem>>
      %dma_start3A_199 = arith.constant 0 : i32
      %dma_start3A_200 = arith.constant 0 : i32
      %dma_start3A_201 = tpu.memref_slice %arg7[%arg0, %dma_start3A_199, %dma_start3A_200] : memref<2x10240x128xf32, #tpu.memory_space<hbm>> -> memref<1x10240x128xf32, #tpu.memory_space<hbm>>
      %dma_start3A_202 = tpu.memref_squeeze %dma_start3A_201 : memref<1x10240x128xf32, #tpu.memory_space<hbm>> -> memref<10240x128xf32, #tpu.memory_space<hbm>>
      %dma_start3A_203 = arith.constant 0 : i32
      %dma_start3A_204 = tpu.memref_slice %dma_start3A_202[%mul3A_2, %dma_start3A_203] : memref<10240x128xf32, #tpu.memory_space<hbm>> -> memref<640x128xf32, #tpu.memory_space<hbm>>
      %dma_start3A_205 = arith.constant 0 : i32
      %dma_start3A_206 = tpu.memref_slice %arg8[%mul3A_2, %dma_start3A_205] : memref<10240x128xf32, #tpu.memory_space<vmem_shared>> -> memref<640x128xf32, #tpu.memory_space<vmem_shared>>
      tpu.enqueue_dma source(%dma_start3A_206 : memref<640x128xf32, #tpu.memory_space<vmem_shared>>) target(%dma_start3A_204 : memref<640x128xf32, #tpu.memory_space<hbm>>) target_semaphore(%run_scoped3A_198 : memref<!tpu.dma_semaphore, #tpu.memory_space<semaphore_mem>>)
      %dma_wait3A_207 = arith.constant 0 : i32
      %dma_wait3A_208 = arith.constant 0 : i32
      %dma_wait3A_209 = tpu.memref_slice %arg7[%arg0, %dma_wait3A_207, %dma_wait3A_208] : memref<2x10240x128xf32, #tpu.memory_space<hbm>> -> memref<1x10240x128xf32, #tpu.memory_space<hbm>>
      %dma_wait3A_210 = tpu.memref_squeeze %dma_wait3A_209 : memref<1x10240x128xf32, #tpu.memory_space<hbm>> -> memref<10240x128xf32, #tpu.memory_space<hbm>>
      %dma_wait3A_211 = arith.constant 0 : i32
      %dma_wait3A_212 = tpu.memref_slice %dma_wait3A_210[%mul3A_2, %dma_wait3A_211] : memref<10240x128xf32, #tpu.memory_space<hbm>> -> memref<640x128xf32, #tpu.memory_space<hbm>>
      %dma_wait3A_213 = arith.constant 0 : i32
      %dma_wait3A_214 = tpu.memref_slice %arg8[%mul3A_2, %dma_wait3A_213] : memref<10240x128xf32, #tpu.memory_space<vmem_shared>> -> memref<640x128xf32, #tpu.memory_space<vmem_shared>>
      tpu.wait_dma2 semaphore(%run_scoped3A_198 : memref<!tpu.dma_semaphore, #tpu.memory_space<semaphore_mem>>) src(%dma_wait3A_214 : memref<640x128xf32, #tpu.memory_space<vmem_shared>>) dst(%dma_wait3A_212 : memref<640x128xf32, #tpu.memory_space<hbm>>)
      tpu.yield
    }) : () -> ()
    return
  }
}

module attributes {stable_mosaic.version = 14 : i64} {
  func.func @_p1a_body(%arg0: memref<10240x128xf32, #tpu.memory_space<vmem>>, %arg1: memref<128x128xf32, #tpu.memory_space<vmem>>, %arg2: memref<10240x128xf32, #tpu.memory_space<vmem>>) attributes {dimension_semantics = [], scalar_prefetch = 0 : i64, scratch_operands = 0 : i64, tpu.core_type = #tpu.core_type<tc>} {
    %get3A = arith.constant 0 : index
    %get3A_0 = arith.constant 0 : index
    %get3A_1 = vector.load %arg0[%get3A, %get3A_0] : memref<10240x128xf32, #tpu.memory_space<vmem>>, vector<10240x128xf32>
    %get3A_2 = arith.constant 0 : index
    %get3A_3 = arith.constant 0 : index
    %get3A_4 = vector.load %arg1[%get3A_2, %get3A_3] : memref<128x128xf32, #tpu.memory_space<vmem>>, vector<128x128xf32>
    %dot_general3A = arith.constant dense<0.000000e+00> : vector<10240x128xf32>
    %dot_general3A_5 = tpu.matmul %get3A_1, %get3A_4, %dot_general3A {dimension_numbers = #tpu.dot_dimension_numbers<[1], [1], [0], [0], [0, 0, 1, 0], [], []>, transpose_lhs_hint = false} : vector<10240x128xf32>, vector<128x128xf32>, vector<10240x128xf32> -> vector<10240x128xf32>
    %swap3A = arith.constant 0 : index
    %swap3A_6 = arith.constant 0 : index
    %swap3A_7 = vector.load %arg2[%swap3A, %swap3A_6] : memref<10240x128xf32, #tpu.memory_space<vmem>>, vector<10240x128xf32>
    tpu.vector_store %arg2[%swap3A, %swap3A_6], %dot_general3A_5 {strides = array<i32>} : memref<10240x128xf32, #tpu.memory_space<vmem>>, vector<10240x128xf32>,
    return
  }
}

module attributes {stable_mosaic.version = 14 : i64} {
  func.func @_p1_body(%arg0: memref<32x10240xf32, #tpu.memory_space<vmem>>, %arg1: memref<10240x128xf32, #tpu.memory_space<vmem>>, %arg2: memref<10240x128xf32, #tpu.memory_space<vmem>>, %arg3: memref<10240x1xf32, #tpu.memory_space<vmem>>) attributes {dimension_semantics = [], scalar_prefetch = 0 : i64, scratch_operands = 0 : i64, tpu.core_type = #tpu.core_type<tc>} {
    %broadcast_in_dim3A = arith.constant 1.000000e+00 : f32
    %broadcast_in_dim3A_0 = vector.broadcast %broadcast_in_dim3A : f32 to vector<32x1xf32>
    %get3A = arith.constant 0 : index
    %get3A_1 = arith.constant 0 : index
    %get3A_2 = vector.load %arg0[%get3A, %get3A_1] : memref<32x10240xf32, #tpu.memory_space<vmem>>, vector<32x10240xf32>
    %dot_general3A = arith.constant dense<0.000000e+00> : vector<10240x1xf32>
    %dot_general3A_3 = tpu.matmul %get3A_2, %broadcast_in_dim3A_0, %dot_general3A {dimension_numbers = #tpu.dot_dimension_numbers<[0], [0], [1], [1], [0, 1, 1, 1], [], []>, transpose_lhs_hint = false} : vector<32x10240xf32>, vector<32x1xf32>, vector<10240x1xf32> -> vector<10240x1xf32>
    %add3A = arith.constant 1.000000e+00 : f32
    %add3A_4 = vector.broadcast %add3A : f32 to vector<10240x1xf32>
    %add3A_5 = arith.addf %add3A_4, %dot_general3A_3 : vector<10240x1xf32>
    %rsqrt3A = math.rsqrt %add3A_5 : vector<10240x1xf32>
    %get3A_6 = arith.constant 0 : index
    %get3A_7 = arith.constant 0 : index
    %get3A_8 = vector.load %arg1[%get3A_6, %get3A_7] : memref<10240x128xf32, #tpu.memory_space<vmem>>, vector<10240x128xf32>
    %mul3A = vector.broadcast %rsqrt3A : vector<10240x1xf32> to vector<10240x128xf32>
    %mul3A_9 = arith.mulf %mul3A, %get3A_8 : vector<10240x128xf32>
    %swap3A = arith.constant 0 : index
    %swap3A_10 = arith.constant 0 : index
    %swap3A_11 = vector.load %arg2[%swap3A, %swap3A_10] : memref<10240x128xf32, #tpu.memory_space<vmem>>, vector<10240x128xf32>
    tpu.vector_store %arg2[%swap3A, %swap3A_10], %mul3A_9 {strides = array<i32>} : memref<10240x128xf32, #tpu.memory_space<vmem>>, vector<10240x128xf32>,
    %swap3A_12 = arith.constant 0 : index
    %swap3A_13 = arith.constant 0 : index
    %swap3A_14 = vector.load %arg3[%swap3A_12, %swap3A_13] : memref<10240x1xf32, #tpu.memory_space<vmem>>, vector<10240x1xf32>
    tpu.vector_store %arg3[%swap3A_12, %swap3A_13], %rsqrt3A {strides = array<i32>} : memref<10240x1xf32, #tpu.memory_space<vmem>>, vector<10240x1xf32>,
    return
  }
}

module attributes {stable_mosaic.version = 14 : i64} {
  func.func @_p2_body(%arg0: memref<2x10240x128xf32, #tpu.memory_space<vmem>>, %arg1: memref<10240x1xf32, #tpu.memory_space<vmem>>, %arg2: memref<1x128xf32, #tpu.memory_space<vmem>>, %arg3: memref<128x128xf32, #tpu.memory_space<vmem>>, %arg4: memref<10240x128xf32, #tpu.memory_space<vmem>>) attributes {dimension_semantics = [], scalar_prefetch = 0 : i64, scratch_operands = 0 : i64, tpu.core_type = #tpu.core_type<tc>} {
    %get3A = arith.constant 0 : index
    %get3A_0 = arith.constant 0 : index
    %get3A_1 = vector.load %arg1[%get3A, %get3A_0] : memref<10240x1xf32, #tpu.memory_space<vmem>>, vector<10240x1xf32>
    %get3A_2 = arith.constant 0 : index
    %get3A_3 = arith.constant 0 : index
    %get3A_4 = arith.constant 0 : index
    %get3A_5 = vector.load %arg0[%get3A_2, %get3A_3, %get3A_4] : memref<2x10240x128xf32, #tpu.memory_space<vmem>>, vector<1x10240x128xf32>
    %get3A_6 = vector.shape_cast %get3A_5 : vector<1x10240x128xf32> to vector<10240x128xf32>
    %get3A_7 = arith.constant 1 : index
    %get3A_8 = arith.constant 0 : index
    %get3A_9 = arith.constant 0 : index
    %get3A_10 = vector.load %arg0[%get3A_7, %get3A_8, %get3A_9] : memref<2x10240x128xf32, #tpu.memory_space<vmem>>, vector<1x10240x128xf32>
    %get3A_11 = vector.shape_cast %get3A_10 : vector<1x10240x128xf32> to vector<10240x128xf32>
    %add3A = arith.addf %get3A_6, %get3A_11 : vector<10240x128xf32>
    %mul3A = vector.broadcast %get3A_1 : vector<10240x1xf32> to vector<10240x128xf32>
    %mul3A_12 = arith.mulf %mul3A, %add3A : vector<10240x128xf32>
    %get3A_13 = arith.constant 0 : index
    %get3A_14 = arith.constant 0 : index
    %get3A_15 = vector.load %arg2[%get3A_13, %get3A_14] : memref<1x128xf32, #tpu.memory_space<vmem>>, vector<1x128xf32>
    %add3A_16 = vector.broadcast %get3A_15 : vector<1x128xf32> to vector<10240x128xf32>
    %add3A_17 = arith.addf %mul3A_12, %add3A_16 : vector<10240x128xf32>
    %max3A = arith.constant 0.000000e+00 : f32
    %max3A_18 = vector.broadcast %max3A : f32 to vector<10240x128xf32>
    %max3A_19 = arith.maximumf %add3A_17, %max3A_18 : vector<10240x128xf32>
    %get3A_20 = arith.constant 0 : index
    %get3A_21 = arith.constant 0 : index
    %get3A_22 = vector.load %arg3[%get3A_20, %get3A_21] : memref<128x128xf32, #tpu.memory_space<vmem>>, vector<128x128xf32>
    %dot_general3A = arith.constant dense<0.000000e+00> : vector<10240x128xf32>
    %dot_general3A_23 = tpu.matmul %max3A_19, %get3A_22, %dot_general3A {dimension_numbers = #tpu.dot_dimension_numbers<[1], [1], [0], [0], [0, 0, 1, 0], [], []>, transpose_lhs_hint = false} : vector<10240x128xf32>, vector<128x128xf32>, vector<10240x128xf32> -> vector<10240x128xf32>
    %get3A_24 = arith.constant 0 : index
    %get3A_25 = arith.constant 0 : index
    %get3A_26 = vector.load %arg1[%get3A_24, %get3A_25] : memref<10240x1xf32, #tpu.memory_space<vmem>>, vector<10240x1xf32>
    %mul3A_27 = vector.broadcast %get3A_26 : vector<10240x1xf32> to vector<10240x128xf32>
    %mul3A_28 = arith.mulf %mul3A_27, %dot_general3A_23 : vector<10240x128xf32>
    %swap3A = arith.constant 0 : index
    %swap3A_29 = arith.constant 0 : index
    %swap3A_30 = vector.load %arg4[%swap3A, %swap3A_29] : memref<10240x128xf32, #tpu.memory_space<vmem>>, vector<10240x128xf32>
    tpu.vector_store %arg4[%swap3A, %swap3A_29], %mul3A_28 {strides = array<i32>} : memref<10240x128xf32, #tpu.memory_space<vmem>>, vector<10240x128xf32>,
    return
  }
}

module attributes {stable_mosaic.version = 14 : i64} {
  func.func @_p3_body(%arg0: memref<2x10240x128xf32, #tpu.memory_space<vmem>>, %arg1: memref<10240x1xf32, #tpu.memory_space<vmem>>, %arg2: memref<1x128xf32, #tpu.memory_space<vmem>>, %arg3: memref<10240x128xf32, #tpu.memory_space<vmem>>, %arg4: memref<10240x128xf32, #tpu.memory_space<vmem>>) attributes {dimension_semantics = [], scalar_prefetch = 0 : i64, scratch_operands = 0 : i64, tpu.core_type = #tpu.core_type<tc>} {
    %get3A = arith.constant 0 : index
    %get3A_0 = arith.constant 0 : index
    %get3A_1 = vector.load %arg1[%get3A, %get3A_0] : memref<10240x1xf32, #tpu.memory_space<vmem>>, vector<10240x1xf32>
    %get3A_2 = arith.constant 0 : index
    %get3A_3 = arith.constant 0 : index
    %get3A_4 = arith.constant 0 : index
    %get3A_5 = vector.load %arg0[%get3A_2, %get3A_3, %get3A_4] : memref<2x10240x128xf32, #tpu.memory_space<vmem>>, vector<1x10240x128xf32>
    %get3A_6 = vector.shape_cast %get3A_5 : vector<1x10240x128xf32> to vector<10240x128xf32>
    %get3A_7 = arith.constant 1 : index
    %get3A_8 = arith.constant 0 : index
    %get3A_9 = arith.constant 0 : index
    %get3A_10 = vector.load %arg0[%get3A_7, %get3A_8, %get3A_9] : memref<2x10240x128xf32, #tpu.memory_space<vmem>>, vector<1x10240x128xf32>
    %get3A_11 = vector.shape_cast %get3A_10 : vector<1x10240x128xf32> to vector<10240x128xf32>
    %add3A = arith.addf %get3A_6, %get3A_11 : vector<10240x128xf32>
    %mul3A = vector.broadcast %get3A_1 : vector<10240x1xf32> to vector<10240x128xf32>
    %mul3A_12 = arith.mulf %mul3A, %add3A : vector<10240x128xf32>
    %get3A_13 = arith.constant 0 : index
    %get3A_14 = arith.constant 0 : index
    %get3A_15 = vector.load %arg2[%get3A_13, %get3A_14] : memref<1x128xf32, #tpu.memory_space<vmem>>, vector<1x128xf32>
    %add3A_16 = vector.broadcast %get3A_15 : vector<1x128xf32> to vector<10240x128xf32>
    %add3A_17 = arith.addf %mul3A_12, %add3A_16 : vector<10240x128xf32>
    %get3A_18 = arith.constant 0 : index
    %get3A_19 = arith.constant 0 : index
    %get3A_20 = vector.load %arg3[%get3A_18, %get3A_19] : memref<10240x128xf32, #tpu.memory_space<vmem>>, vector<10240x128xf32>
    %add3A_21 = arith.addf %add3A_17, %get3A_20 : vector<10240x128xf32>
    %swap3A = arith.constant 0 : index
    %swap3A_22 = arith.constant 0 : index
    %swap3A_23 = vector.load %arg4[%swap3A, %swap3A_22] : memref<10240x128xf32, #tpu.memory_space<vmem>>, vector<10240x128xf32>
    tpu.vector_store %arg4[%swap3A, %swap3A_22], %add3A_21 {strides = array<i32>} : memref<10240x128xf32, #tpu.memory_space<vmem>>, vector<10240x128xf32>,
    return
  }
}

</mosaic_0001>

<sc_bundles>
// kernel: gcn_degree.3.cloned.1.call-start
scs
__scs_entry_jumppad:
0x0: {  	(pc) =	sbr.rel $0x88, $3  }
0x1: {  	(tag) =	ssettag $0x0;
	lr =	simm.s32 $0x1  }
0x2: {  	[smem:$0x3F9B] =	sst lr;
	_ =	strace $0xD0000000  }
0x3: {  	_ = 	snop  }
0x4: {  	_ = 	snop  }
0x5: {  	_ = 	snop  }
0x6: {  	_ = 	snop  }
0x7: {  	_ = 	snop  }
__scs_overlays_trampoline_lowered:
0x8: {  	[smem:$0x3FAA] =	sst s0  }
0x9: {  	[smem:$0x3FAB] =	sst s1  }
0xa: {  	[smem:$0x3FAC] =	sst s2  }
0xb: {  	[smem:$0x3FAD] =	sst s3  }
0xc: {  	[smem:$0x3FAE] =	sst s4  }
0xd: {  	[smem:$0x3FAF] =	sst s5  }
0xe: {  	[smem:$0x3FB0] =	sst s6  }
0xf: {  	[smem:$0x3FB1] =	sst s7  }
0x10: {  	[smem:$0x3FB2] =	sst s8  }
0x11: {  	[smem:$0x3FB3] =	sst s9;
	s0 =	simm.s32 @!p0 $0x0  }
0x12: {  	s1 =	sld [smem:$0x3F99];
	s0 =	simm.s32 @p0 $0x1  }
0x13: {  	[smem:$0x3FB4] =	sst s0;
	s0 =	simm.s32 @!p1 $0x0  }
0x14: {  	s2 =	sld [smem:$0x3F98];
	s0 =	simm.s32 @p1 $0x1  }
0x15: {  	[smem:$0x3FB5] =	sst s0;
	s0 =	simm.s32 @!p2 $0x0  }
0x16: {  	s3 =	sld [smem:$0x3FDB];
	s0 =	simm.s32 @p2 $0x1  }
0x17: {  	s4 =	simm.s32 $0x1BF5;
	[smem:$0x3FB7] =	sst s0  }
0x18: {  	s0 =	sld [smem:$0x3F9A];
	_ =	swait.ge [sflag:s4], $0x0  }
0x19: {  	s7 =	sld [smem:$0x3F9B]  }
0x1a: {  	s8 =	sadd.s32 $0xFFFFE003, lr  }
0x1b: {  	s9 =	sadd.s32 $0xFFFFFEF7, lr;
	s5 =	simm.s32 $0xFFFFFFFF;
	p2 =	slt.u32 s8, $0xFFFFF086  }
0x1c: {  	p1 =	slt.u32 s9, $0xF7A;
	s5 =	simm.s32 @!p2 $0x0  }
0x1d: {  	s5 =	simm.s32 @p1 $0x1;
	p0 =	seq.s32 s7, s2  }
0x1e: {  	s7 =	smul.u32 @!p0 $0xF7A, s2;
	p2 =	seq.s32 @!p0 s5, $0x0  }
0x1f: {  	s9 =	smul.u32 $0xF7A, s1;
	s8 =	simm.s32 @!p0 $0x1BF5;
	p2 =	por !p2, p0  }
0x20: {  	[sflag:s8] =	ssyncset.s32 @!p0 $0xFFFFF086;
	s6 =	sadd.s32 @!p0 s3, s7;
	s7 =	simm.s32 @!p0 $0x108  }
0x21: {  	s3 =	sadd.s32 s3, s9;
	s6 =	sadd.s32 @!p0 $0x88, s6;
	s7 =	simm.s32 @p2 $0x1082  }
0x22: {  	[simem:s7], [sflag:s8] =	dma.local @!p0 [hbm:s6], $0xF7A  }
0x23: {  	s9 =	sor.u32 $0xD0000000, s2;
	s6 =	simm.s32 $0x108;
	_ =	swait.ge @!p0 [sflag:s8], $0x0  }
0x24: {  	s3 =	sadd.s32 $0x88, s3;
	s6 =	simm.s32 @!p1 $0x1082;
	[sflag:s4] =	ssyncset.s32 $0xFFFFF086  }
0x25: {  	[simem:s6], [sflag:s4] =	dma.local [hbm:s3], $0xF7A  }
0x26: {  	[smem:$0x3F9B] =	sst s1;
	(tag) =	ssettag s2;
	_ =	strace s9  }
0x27: {  	s1 =	sld [smem:$0x3FAB]  }
0x28: {  	s2 =	sld [smem:$0x3FAC]  }
0x29: {  	s4 =	sld [smem:$0x3FAE]  }
0x2a: {  	p0 =	seq.s32 s5, $0x0;
	s5 =	sld [smem:$0x3FAF]  }
0x2b: {  	s6 =	sld [smem:$0x3FB0]  }
0x2c: {  	s7 =	sld [smem:$0x3FB1]  }
0x2d: {  	s3 =	simm.s32 $0x108;
	s8 =	sld [smem:$0x3FB2]  }
0x2e: {  	s3 =	simm.s32 @!p0 $0x1082;
	s9 =	sld [smem:$0x3FB3]  }
0x2f: {  	lr =	sadd.s32 s0, s3;
	s0 =	sld [smem:$0x3FAA]  }
0x30: {  	s3 =	sld [smem:$0x3FAD]  }
0x31: {  	[smem:$0x3FB6] =	sst s10  }
0x32: {  	s10 =	sld [smem:$0x3FB4];
	_ =	sdelay $0x3  }
0x33: {  	p0 =	seq.s32 s10, $0x1;
	s10 =	sld [smem:$0x3FB6];
	_ =	sdelay $0x3  }
0x34: {  	[smem:$0x3FB6] =	sst s10  }
0x35: {  	s10 =	sld [smem:$0x3FB5];
	_ =	sdelay $0x3  }
0x36: {  	p1 =	seq.s32 s10, $0x1;
	s10 =	sld [smem:$0x3FB6];
	_ =	sdelay $0x3  }
0x37: {  	[smem:$0x3FB6] =	sst s10  }
0x38: {  	s10 =	sld [smem:$0x3FB7]  }
0x39: {  	_ = 	snop;
	(pc) =	sbr.ind lr, $3  }
0x3a: {  	_ = 	snop  }
0x3b: {  	_ = 	snop  }
0x3c: {  	p2 =	seq.s32 s10, $0x1;
	s10 =	sld [smem:$0x3FB6]  }
0x3d: {  	_ =	shalt  }
0x3e: {  	_ =	shalt  }
0x3f: {  	_ =	shalt  }
0x40: {  	_ =	shalt  }
0x41: {  	_ =	shalt  }
0x42: {  	_ =	shalt  }
0x43: {  	_ =	shalt  }
0x44: {  	_ =	shalt  }
0x45: {  	_ =	shalt  }
0x46: {  	_ =	shalt  }
0x47: {  	_ =	shalt  }
0x48: {  	_ =	shalt  }
0x49: {  	_ =	shalt  }
0x4a: {  	_ =	shalt  }
0x4b: {  	_ =	shalt  }
0x4c: {  	_ =	shalt  }
0x4d: {  	_ =	shalt  }
0x4e: {  	_ =	shalt  }
0x4f: {  	_ =	shalt  }
0x50: {  	_ =	shalt  }
0x51: {  	_ =	shalt  }
0x52: {  	_ =	shalt  }
0x53: {  	_ =	shalt  }
0x54: {  	_ =	shalt  }
0x55: {  	_ =	shalt  }
0x56: {  	_ =	shalt  }
0x57: {  	_ =	shalt  }
0x58: {  	_ =	shalt  }
0x59: {  	_ =	shalt  }
0x5a: {  	_ =	shalt  }
0x5b: {  	_ =	shalt  }
0x5c: {  	_ =	shalt  }
0x5d: {  	_ =	shalt  }
0x5e: {  	_ =	shalt  }
0x5f: {  	_ =	shalt  }
0x60: {  	_ =	shalt  }
0x61: {  	_ =	shalt  }
0x62: {  	_ =	shalt  }
0x63: {  	_ =	shalt  }
0x64: {  	_ =	shalt  }
0x65: {  	_ =	shalt  }
0x66: {  	_ =	shalt  }
0x67: {  	_ =	shalt  }
0x68: {  	_ =	shalt  }
0x69: {  	_ =	shalt  }
0x6a: {  	_ =	shalt  }
0x6b: {  	_ =	shalt  }
0x6c: {  	_ =	shalt  }
0x6d: {  	_ =	shalt  }
0x6e: {  	_ =	shalt  }
0x6f: {  	_ =	shalt  }
0x70: {  	_ =	shalt  }
0x71: {  	_ =	shalt  }
0x72: {  	_ =	shalt  }
0x73: {  	_ =	shalt  }
0x74: {  	_ =	shalt  }
0x75: {  	_ =	shalt  }
0x76: {  	_ =	shalt  }
0x77: {  	_ =	shalt  }
0x78: {  	_ =	shalt  }
0x79: {  	_ =	shalt  }
0x7a: {  	_ =	shalt  }
0x7b: {  	_ =	shalt  }
0x7c: {  	_ =	shalt  }
0x7d: {  	_ =	shalt  }
0x7e: {  	_ =	shalt  }
0x7f: {  	_ =	shalt  }
0x80: {  	_ =	shalt  }
0x81: {  	_ =	shalt  }
0x82: {  	_ =	shalt  }
0x83: {  	_ =	shalt  }
0x84: {  	_ =	shalt  }
0x85: {  	_ =	shalt  }
0x86: {  	_ =	shalt  }
0x87: {  	_ =	shalt  }
.Lfunc_end0:
.L_simem_size_0:
called_computation_lowered:
.L_overlay_start_0:
0x88: {  	s2 =	sld [smem:$0x3FD9]  }
0x89: {  	s3 =	sld [smem:$0x3FFE];
	_ =	sdelay $0x1  }
0x8a: {  	s1 =	srdreg.scid  }
0x8b: {  	s0 =	sand.u32 $0x1, s1  }
0x8c: {  	s16 =	sshll.u32 s0, $0xA;
	s2 =	sadd.s32 s3, s2  }
0x8d: {  	s2 =	sadd.s32 s2, s16  }
0x8e: {  	[smem:$0x3FC2] =	sst s2  }
0x8f: {  	_ = 	snop  }
0x90: {  	(tm) =	ssettm $0x1  }
0x91: {  	s17 =	sld [smem:$0x3FFB];
	_ =	sdelay $0x3  }
0x92: {  	_ =	strace s17  }
0x93: {  	s2 =	sld [smem:$0x3FFC];
	_ =	sdelay $0x3  }
0x94: {  	_ =	strace s2  }
0x95: {  	s2 =	sld [smem:$0x3FFD];
	_ =	sdelay $0x3  }
0x96: {  	_ =	strace s2  }
0x97: {  	_ =	strace $0x8FFFFFFF  }
0x98: {  	s18 =	sld [smem:$0x3FDB];
	_ =	sdelay $0x1  }
0x99: {  	s19 =	simm.s32 $_scs_section_size  }
0x9a: {  	s4 =	simm.s32 $_size__tile_overlayer_lowered;
	s5 =	simm.s32 $_tile_overlayer_lowered  }
0x9b: {  	s22 =	simm.s32 $0x1BFF;
	s21 =	sshll.u32 s5, $0x1;
	s2 =	sadd.s32 s19, s18  }
0x9c: {  	s6 =	simm.s32 $0x0;
	s20 =	sshll.u32 s4, $0x1;
	s4 =	sadd.s32 s21, s2  }
0x9d: {  	[timem:s6], [sflag:s22] =	dma.local [hbm:s4], s20  }
0x9e: {  	_ =	swait.ge [sflag:s22], s20  }
0x9f: {  	s3 =	ssub.s32 $0x0, s20;
	[sflag:s22] =	ssyncset.done $0x0  }
0xa0: {  	[sflag:s22] =	ssyncadd.s32 s3;
	_ =	sdelay $0x1  }
0xa1: {  	s23 =	simm.s32 $0x1B8B  }
0xa2: {  	_ =	swait.ge [sflag:s23], $0x1  }
0xa3: {  	[sflag:s23] =	ssyncset.done $0x0  }
0xa4: {  	s25 =	simm.s32 $0x1B8E;
	s24 =	sld [smem:$0x3FFE];
	[sflag:s23] =	ssyncadd.s32 $0xFFFFFFFF  }
0xa5: {  	s26 =	simm.s32 $execute0_lowered;
	[smem:$0x3FD2] =	sst s25  }
0xa6: {  	s4 =	sshll.u32 s26, $0x1;
	_ =	strace $0x80000046;
	[dreg:$0x1] =	wrdreg $0xFFFFFFFF  }
0xa7: {  	s28 =	simm.s32 $_size_execute0_lowered;
	s2 =	sadd.s32 s2, s4;
	[dreg:$0x0] =	wrdreg $0x0  }
0xa8: {  	s4 =	sshll.u32 s28, $0x1;
	[dreg:$0x2] =	wrdreg s2  }
0xa9: {  	[dreg:$0x3] =	wrdreg s4  }
0xaa: {  	[dreg:$0x4] =	wrdreg $0xC0  }
0xab: {  	_ =	task [dreg:s6], $0x5FFFF  }
0xac: {  	[dreg:$0x1] =	wrdreg $0xFFFFFFFF  }
0xad: {  	[dreg:$0x0] =	wrdreg $0x60  }
0xae: {  	[dreg:$0x2] =	wrdreg s24  }
0xaf: {  	[dreg:$0x3] =	wrdreg $0x9  }
0xb0: {  	_ =	task.clear_ibuf [dreg:s6], $0x4FFFF;
	_ =	strace $0x90000046  }
0xb1: {  	s29 =	simm.s32 $0x9;
	_ =	strace $0x80000048  }
0xb2: {  	_ =	swait.ge [sflag:s29], $0x1  }
0xb3: {  	[sflag:s29] =	ssyncadd.s32 $0xFFFFFFFF  }
0xb4: {  	_ =	strace $0x90000048  }
0xb5: {  	_ =	sfence  }
0xb6: {  	s30 =	sld [smem:$0x0];
	_ =	sdelay $0x2  }
0xb7: {  	s31 =	sshll.u32 s1, $0xD;
	s1 =	sshrl.u32 s1, $0x2  }
0xb8: {  	s3 =	sand.u32 $0x4000, s31;
	s1 =	sadd.s32 s1, s30  }
0xb9: {  	s0 =	sor.u32 s3, s0;
	s1 =	sshll.u32 s1, $0x11  }
0xba: {  	s0 =	sor.u32 s1, s0  }
0xbb: {  	s0 =	sadd.s32 $0x8F2B, s0  }
0xbc: {  	[sflag:s0] =	ssyncadd.remote.s32 $0x1  }
0xbd: {  	_ =	sfence.sel $0xFFFF  }
0xbe: {  	[dreg:$0x0] =	wrdreg $0xFFFFFFFF;
	(pc) =	sbr.abs _section_cstart, $3  }
0xbf: {  	[dreg:$0x1] =	wrdreg $0xFFFFFFFF  }
0xc0: {  	_ =	task.clear_ibuf [dreg:s6], $0x2FFFF;
	_ =	strace $0x9FFFFFFF  }
0xc1: {  	(tm) =	ssettm $0x7FFFFFFF  }
tec
execute0_lowered:
.L_overlay_start_1:
0x0: {  	(tag) =	ssettag $0x1  }
0x1: {  	s0 =	srdreg.scid;
	s4 =	rddreg [dreg:$0x0]  }
0x2: {  	s2 =	simm.s32 $0x0;
	s10 =	simm.s32 $0x2800;
	s11 =	simm.s32 $0x1  }
0x3: {  	s12 =	simm.s32 $0x80;
	s13 =	simm.s32 $0x400;
	s3 =	sand.u32 $0x1, s0  }
0x4: {  	s14 =	simm.s32 $0x0;
	s0 =	stileid.u32;
	s1 =	sshll.u32 s3, $0x4  }
0x5: {  	[smem:$0x7FF] =	sst s2;
	s7 =	sshll.u32 s0, $0x7;
	s5 =	sor.u32 s0, s1  }
0x6: {  	s3 =	ssub.s32 $0x2, s3;
	s6 =	sshrl.u32 s5, $0x3;
	s5 =	smul.u32 $0x2710, s5  }
0x7: {  	s1 =	rddreg [dreg:$0x1];
	s7 =	sand.u32 $0x380, s7;
	s6 =	smul.u32 $0x14000, s6  }
0x8: {  	_ =	strace $0x80000047;
	s30 =	sshrl.u32 s3, $0x1;
	s5 =	sshrl.u32 s5, $0x3  }
0x9: {  	s31 =	ssub.s32 s3, s30;
	s6 =	sor.u32 s7, s6;
	s9 =	sadd.s32 s5, s4  }
0xa: {  	s6 =	sshrl.u32 s6, $0x3;
	s5 =	sadd.s32 $0x2200, s9;
	s7 =	sadd.s32 $0x23F4, s9  }
0xb: {  	s8 =	sadd.s32 $0x24EE, s9;
	s4 =	sadd.s32 s6, s4;
	s6 =	sadd.s32 $0x22FA, s9  }
0xc: {  	v0 =	vimm.f32 $0.0e+00;
	v1 =	vimm.f32 $1.000000000e+00;
	s9 =	sadd.s32 $0x25E8, s9;
	s3 =	sadd.s32 $0xC000, s4;
	s4 =	smax.u32 s31, $0x1  }
.LBB2_1:
0xd: {  	s15 =	simm.s32 $0x40;
	s16 =	simm.s32 $0x0  }
.LBB2_2:
0xe: {  	p0 =	sne.s32 s15, $0x9FC0;
	[tilespmem:s16+$0x0] =	vst v0;
	s16 =	smov.u32 s15;
	s15 =	sadd.s32 $0x40, s15  }
.Ltmp0:
0xf: {  	(pc) =	sbr.rel @p0 .LBB2_2-.Ltmp0, $2  }
0x10: {  	_ =	sdelay $0x2  }
0x11: {  	s16 =	sshra.s32 s16, $0x2  }
0x12: {  	[tilespmem:s16+$0x0] =	vst v0;
	s15 =	simm.s32 $0x0  }
0x13: {  	[tilespmem:s10], [sflag:$0x1] =	stream.linear.gather [hbm4b:s5+s15], $0x7D0, $0x38;
	[tilespmem:$0x3000] =	vst v63  }
0x14: {  	_ =	swait.ge [sflag:s11], $0x7D0  }
0x15: {  	[sflag:s11] =	ssyncset.done $0x0  }
0x16: {  	s16 =	simm.s32 $0x0;
	s15 =	simm.s32 $0x40;
	[sflag:s11] =	ssyncadd.s32 $0xFFFFF830  }
.LBB2_4:
0x17: {  	p0 =	sne.s32 s15, $0x1F00;
	v2 =	vld [tilespmem:s16+$0x2800];
	_ =	sdelay $0x3  }
.Ltmp1:
0x18: {  	(pc) =	sbr.rel @p0 .LBB2_4-.Ltmp1, $2  }
0x19: {  	_ =	sdelay $0x2  }
0x1a: {  	s16 =	sshra.s32 s15, $0x2;
	s15 =	sadd.s32 $0x40, s15;
	[tilespmem:v2+s2+$0x0] =	vst.idx.add.f32.msk $0xffff, v1  }
0x1b: {  	v2 =	vld [tilespmem:s16+$0x2800];
	_ =	sdelay $0x7  }
0x1c: {  	s15 =	simm.s32 $0x0;
	[tilespmem:v2+s2+$0x0] =	vst.idx.add.f32.msk $0xffff, v1  }
0x1d: {  	[tilespmem:s10], [sflag:$0x1] =	stream.linear.gather [hbm4b:s6+s15], $0x7D0, $0x38;
	[tilespmem:$0x3000] =	vst v63  }
0x1e: {  	_ =	swait.ge [sflag:s11], $0x7D0  }
0x1f: {  	[sflag:s11] =	ssyncset.done $0x0  }
0x20: {  	s16 =	simm.s32 $0x0;
	s15 =	simm.s32 $0x40;
	[sflag:s11] =	ssyncadd.s32 $0xFFFFF830  }
.LBB2_6:
0x21: {  	p0 =	sne.s32 s15, $0x1F00;
	v2 =	vld [tilespmem:s16+$0x2800];
	_ =	sdelay $0x3  }
.Ltmp2:
0x22: {  	(pc) =	sbr.rel @p0 .LBB2_6-.Ltmp2, $2  }
0x23: {  	_ =	sdelay $0x2  }
0x24: {  	s16 =	sshra.s32 s15, $0x2;
	s15 =	sadd.s32 $0x40, s15;
	[tilespmem:v2+s2+$0x0] =	vst.idx.add.f32.msk $0xffff, v1  }
0x25: {  	v2 =	vld [tilespmem:s16+$0x2800];
	_ =	sdelay $0x7  }
0x26: {  	s15 =	simm.s32 $0x0;
	[tilespmem:v2+s2+$0x0] =	vst.idx.add.f32.msk $0xffff, v1  }
0x27: {  	[tilespmem:s10], [sflag:$0x1] =	stream.linear.gather [hbm4b:s7+s15], $0x7D0, $0x38;
	[tilespmem:$0x3000] =	vst v63  }
0x28: {  	_ =	swait.ge [sflag:s11], $0x7D0  }
0x29: {  	[sflag:s11] =	ssyncset.done $0x0  }
0x2a: {  	s16 =	simm.s32 $0x0;
	s15 =	simm.s32 $0x40;
	[sflag:s11] =	ssyncadd.s32 $0xFFFFF830  }
.LBB2_8:
0x2b: {  	p0 =	sne.s32 s15, $0x1F00;
	v2 =	vld [tilespmem:s16+$0x2800];
	_ =	sdelay $0x3  }
.Ltmp3:
0x2c: {  	(pc) =	sbr.rel @p0 .LBB2_8-.Ltmp3, $2  }
0x2d: {  	_ =	sdelay $0x2  }
0x2e: {  	s16 =	sshra.s32 s15, $0x2;
	s15 =	sadd.s32 $0x40, s15;
	[tilespmem:v2+s2+$0x0] =	vst.idx.add.f32.msk $0xffff, v1  }
0x2f: {  	v2 =	vld [tilespmem:s16+$0x2800];
	_ =	sdelay $0x7  }
0x30: {  	s15 =	simm.s32 $0x0;
	[tilespmem:v2+s2+$0x0] =	vst.idx.add.f32.msk $0xffff, v1  }
0x31: {  	[tilespmem:s10], [sflag:$0x1] =	stream.linear.gather [hbm4b:s8+s15], $0x7D0, $0x38;
	[tilespmem:$0x3000] =	vst v63  }
0x32: {  	_ =	swait.ge [sflag:s11], $0x7D0  }
0x33: {  	[sflag:s11] =	ssyncset.done $0x0  }
0x34: {  	s16 =	simm.s32 $0x0;
	s15 =	simm.s32 $0x40;
	[sflag:s11] =	ssyncadd.s32 $0xFFFFF830  }
.LBB2_10:
0x35: {  	p0 =	sne.s32 s15, $0x1F00;
	v2 =	vld [tilespmem:s16+$0x2800];
	_ =	sdelay $0x3  }
.Ltmp4:
0x36: {  	(pc) =	sbr.rel @p0 .LBB2_10-.Ltmp4, $2  }
0x37: {  	_ =	sdelay $0x2  }
0x38: {  	s16 =	sshra.s32 s15, $0x2;
	s15 =	sadd.s32 $0x40, s15;
	[tilespmem:v2+s2+$0x0] =	vst.idx.add.f32.msk $0xffff, v1  }
0x39: {  	v2 =	vld [tilespmem:s16+$0x2800];
	_ =	sdelay $0x7  }
0x3a: {  	s15 =	simm.s32 $0x0;
	[tilespmem:v2+s2+$0x0] =	vst.idx.add.f32.msk $0xffff, v1  }
0x3b: {  	[tilespmem:s10], [sflag:$0x1] =	stream.linear.gather [hbm4b:s9+s15], $0x7D0, $0x38;
	[tilespmem:$0x3000] =	vst v63  }
0x3c: {  	_ =	swait.ge [sflag:s11], $0x7D0  }
0x3d: {  	[sflag:s11] =	ssyncset.done $0x0  }
0x3e: {  	s16 =	simm.s32 $0x0;
	s15 =	simm.s32 $0x40;
	[sflag:s11] =	ssyncadd.s32 $0xFFFFF830  }
.LBB2_12:
0x3f: {  	p0 =	sne.s32 s15, $0x1F00;
	v2 =	vld [tilespmem:s16+$0x2800];
	_ =	sdelay $0x3  }
.Ltmp5:
0x40: {  	(pc) =	sbr.rel @p0 .LBB2_12-.Ltmp5, $2  }
0x41: {  	_ =	sdelay $0x2  }
0x42: {  	s16 =	sshra.s32 s15, $0x2;
	s15 =	sadd.s32 $0x40, s15;
	[tilespmem:v2+s2+$0x0] =	vst.idx.add.f32.msk $0xffff, v1  }
0x43: {  	v2 =	vld [tilespmem:s16+$0x2800];
	_ =	sdelay $0x5  }
0x44: {  	s14 =	sadd.s32 $0x1, s14  }
0x45: {  	p0 =	sne.s32 s14, s4  }
.Ltmp6:
0x46: {  	[tilespmem:v2+s2+$0x0] =	vst.idx.add.f32.msk $0xffff, v1;
	(pc) =	sbr.rel @p0 .LBB2_1-.Ltmp6, $4  }
0x47: {  	[hbm4b:s3+s12] =	stream.strided.scatter [tilespmem:s2], [sflag:$0x1], $0x2800, s13, s12, $0x38;
	[tilespmem:$0x3000] =	vst v63  }
0x48: {  	_ =	swait.ge [sflag:s11], $0x2800  }
0x49: {  	[sflag:s11] =	ssyncset.done $0x0  }
0x4a: {  	[sflag:s11] =	ssyncadd.s32 $0xFFFFD800  }
0x4b: {  	_ =	sfence.sel $0x180000  }
0x4c: {  	[bflag:$0x0] =	sbarrier.arrive $0xFFFF  }
0x4d: {  	p0 =	sne.s32 s0, $0x0;
	_ =	strace $0x90000047  }
0x4e: {  	s0 =	sadd.s32 @!p0 $0x100000, s1;
	[bflag:$0x2] =	sbarrier.arrive $0xFFFF  }
0x4f: {  	[sflag:s0] =	ssyncadd.tile.s32 @!p0 $0x1;
	_ =	shalt  }
.Lfunc_end2:
_tile_overlayer_lowered:
.L_overlay_start_2:
0x50: {  	(tag) =	ssettag $0x2  }
0x51: {  	s0 =	rddreg [dreg:$0x0];
	s2 =	stileid.u32  }
0x52: {  	s1 =	rddreg [dreg:$0x1];
	p0 =	sne.s32 s2, $0x0  }
0x53: {  	s3 =	rddreg [dreg:$0x2];
	[bflag:$0x3] =	sbarrier.arrive $0xFFFF;
	s2 =	simm.s32 @!p0 $0x1C01  }
0x54: {  	[timem:s3], [sflag:s2] =	dma.local @!p0 [hbm:s0], s1  }
0x55: {  	s0 =	simm.s32 @!p0 $0x1  }
0x56: {  	_ =	swait.ge @!p0 [sflag:s0], s1  }
0x57: {  	s1 =	ssub.s32 @!p0 $0x0, s1;
	[sflag:s0] =	ssyncset.done @!p0 $0x0  }
0x58: {  	[sflag:s0] =	ssyncadd.s32 @!p0 s1  }
0x59: {  	[bflag:$0x3] =	sbarrier.arrive $0xFFFF  }
0x5a: {  	_ =	shalt  }

// kernel: gcn_edge_agg.4.cloned.1.call-start
scs
__scs_entry_jumppad:
0x0: {  	(pc) =	sbr.rel $0x88, $3  }
0x1: {  	(tag) =	ssettag $0x0;
	lr =	simm.s32 $0x1  }
0x2: {  	[smem:$0x3F9B] =	sst lr;
	_ =	strace $0xD0000000  }
0x3: {  	_ = 	snop  }
0x4: {  	_ = 	snop  }
0x5: {  	_ = 	snop  }
0x6: {  	_ = 	snop  }
0x7: {  	_ = 	snop  }
__scs_overlays_trampoline_lowered:
0x8: {  	[smem:$0x3FAA] =	sst s0  }
0x9: {  	[smem:$0x3FAB] =	sst s1  }
0xa: {  	[smem:$0x3FAC] =	sst s2  }
0xb: {  	[smem:$0x3FAD] =	sst s3  }
0xc: {  	[smem:$0x3FAE] =	sst s4  }
0xd: {  	[smem:$0x3FAF] =	sst s5  }
0xe: {  	[smem:$0x3FB0] =	sst s6  }
0xf: {  	[smem:$0x3FB1] =	sst s7  }
0x10: {  	[smem:$0x3FB2] =	sst s8  }
0x11: {  	[smem:$0x3FB3] =	sst s9;
	s0 =	simm.s32 @!p0 $0x0  }
0x12: {  	s1 =	sld [smem:$0x3F99];
	s0 =	simm.s32 @p0 $0x1  }
0x13: {  	[smem:$0x3FB4] =	sst s0;
	s0 =	simm.s32 @!p1 $0x0  }
0x14: {  	s2 =	sld [smem:$0x3F98];
	s0 =	simm.s32 @p1 $0x1  }
0x15: {  	[smem:$0x3FB5] =	sst s0;
	s0 =	simm.s32 @!p2 $0x0  }
0x16: {  	s3 =	sld [smem:$0x3FDB];
	s0 =	simm.s32 @p2 $0x1  }
0x17: {  	s4 =	simm.s32 $0x1BF5;
	[smem:$0x3FB7] =	sst s0  }
0x18: {  	s0 =	sld [smem:$0x3F9A];
	_ =	swait.ge [sflag:s4], $0x0  }
0x19: {  	s7 =	sld [smem:$0x3F9B]  }
0x1a: {  	s8 =	sadd.s32 $0xFFFFE003, lr  }
0x1b: {  	s9 =	sadd.s32 $0xFFFFFEF7, lr;
	s5 =	simm.s32 $0xFFFFFFFF;
	p2 =	slt.u32 s8, $0xFFFFF086  }
0x1c: {  	p1 =	slt.u32 s9, $0xF7A;
	s5 =	simm.s32 @!p2 $0x0  }
0x1d: {  	s5 =	simm.s32 @p1 $0x1;
	p0 =	seq.s32 s7, s2  }
0x1e: {  	s7 =	smul.u32 @!p0 $0xF7A, s2;
	p2 =	seq.s32 @!p0 s5, $0x0  }
0x1f: {  	s9 =	smul.u32 $0xF7A, s1;
	s8 =	simm.s32 @!p0 $0x1BF5;
	p2 =	por !p2, p0  }
0x20: {  	[sflag:s8] =	ssyncset.s32 @!p0 $0xFFFFF086;
	s6 =	sadd.s32 @!p0 s3, s7;
	s7 =	simm.s32 @!p0 $0x108  }
0x21: {  	s3 =	sadd.s32 s3, s9;
	s6 =	sadd.s32 @!p0 $0x88, s6;
	s7 =	simm.s32 @p2 $0x1082  }
0x22: {  	[simem:s7], [sflag:s8] =	dma.local @!p0 [hbm:s6], $0xF7A  }
0x23: {  	s9 =	sor.u32 $0xD0000000, s2;
	s6 =	simm.s32 $0x108;
	_ =	swait.ge @!p0 [sflag:s8], $0x0  }
0x24: {  	s3 =	sadd.s32 $0x88, s3;
	s6 =	simm.s32 @!p1 $0x1082;
	[sflag:s4] =	ssyncset.s32 $0xFFFFF086  }
0x25: {  	[simem:s6], [sflag:s4] =	dma.local [hbm:s3], $0xF7A  }
0x26: {  	[smem:$0x3F9B] =	sst s1;
	(tag) =	ssettag s2;
	_ =	strace s9  }
0x27: {  	s1 =	sld [smem:$0x3FAB]  }
0x28: {  	s2 =	sld [smem:$0x3FAC]  }
0x29: {  	s4 =	sld [smem:$0x3FAE]  }
0x2a: {  	p0 =	seq.s32 s5, $0x0;
	s5 =	sld [smem:$0x3FAF]  }
0x2b: {  	s6 =	sld [smem:$0x3FB0]  }
0x2c: {  	s7 =	sld [smem:$0x3FB1]  }
0x2d: {  	s3 =	simm.s32 $0x108;
	s8 =	sld [smem:$0x3FB2]  }
0x2e: {  	s3 =	simm.s32 @!p0 $0x1082;
	s9 =	sld [smem:$0x3FB3]  }
0x2f: {  	lr =	sadd.s32 s0, s3;
	s0 =	sld [smem:$0x3FAA]  }
0x30: {  	s3 =	sld [smem:$0x3FAD]  }
0x31: {  	[smem:$0x3FB6] =	sst s10  }
0x32: {  	s10 =	sld [smem:$0x3FB4];
	_ =	sdelay $0x3  }
0x33: {  	p0 =	seq.s32 s10, $0x1;
	s10 =	sld [smem:$0x3FB6];
	_ =	sdelay $0x3  }
0x34: {  	[smem:$0x3FB6] =	sst s10  }
0x35: {  	s10 =	sld [smem:$0x3FB5];
	_ =	sdelay $0x3  }
0x36: {  	p1 =	seq.s32 s10, $0x1;
	s10 =	sld [smem:$0x3FB6];
	_ =	sdelay $0x3  }
0x37: {  	[smem:$0x3FB6] =	sst s10  }
0x38: {  	s10 =	sld [smem:$0x3FB7]  }
0x39: {  	_ = 	snop;
	(pc) =	sbr.ind lr, $3  }
0x3a: {  	_ = 	snop  }
0x3b: {  	_ = 	snop  }
0x3c: {  	p2 =	seq.s32 s10, $0x1;
	s10 =	sld [smem:$0x3FB6]  }
0x3d: {  	_ =	shalt  }
0x3e: {  	_ =	shalt  }
0x3f: {  	_ =	shalt  }
0x40: {  	_ =	shalt  }
0x41: {  	_ =	shalt  }
0x42: {  	_ =	shalt  }
0x43: {  	_ =	shalt  }
0x44: {  	_ =	shalt  }
0x45: {  	_ =	shalt  }
0x46: {  	_ =	shalt  }
0x47: {  	_ =	shalt  }
0x48: {  	_ =	shalt  }
0x49: {  	_ =	shalt  }
0x4a: {  	_ =	shalt  }
0x4b: {  	_ =	shalt  }
0x4c: {  	_ =	shalt  }
0x4d: {  	_ =	shalt  }
0x4e: {  	_ =	shalt  }
0x4f: {  	_ =	shalt  }
0x50: {  	_ =	shalt  }
0x51: {  	_ =	shalt  }
0x52: {  	_ =	shalt  }
0x53: {  	_ =	shalt  }
0x54: {  	_ =	shalt  }
0x55: {  	_ =	shalt  }
0x56: {  	_ =	shalt  }
0x57: {  	_ =	shalt  }
0x58: {  	_ =	shalt  }
0x59: {  	_ =	shalt  }
0x5a: {  	_ =	shalt  }
0x5b: {  	_ =	shalt  }
0x5c: {  	_ =	shalt  }
0x5d: {  	_ =	shalt  }
0x5e: {  	_ =	shalt  }
0x5f: {  	_ =	shalt  }
0x60: {  	_ =	shalt  }
0x61: {  	_ =	shalt  }
0x62: {  	_ =	shalt  }
0x63: {  	_ =	shalt  }
0x64: {  	_ =	shalt  }
0x65: {  	_ =	shalt  }
0x66: {  	_ =	shalt  }
0x67: {  	_ =	shalt  }
0x68: {  	_ =	shalt  }
0x69: {  	_ =	shalt  }
0x6a: {  	_ =	shalt  }
0x6b: {  	_ =	shalt  }
0x6c: {  	_ =	shalt  }
0x6d: {  	_ =	shalt  }
0x6e: {  	_ =	shalt  }
0x6f: {  	_ =	shalt  }
0x70: {  	_ =	shalt  }
0x71: {  	_ =	shalt  }
0x72: {  	_ =	shalt  }
0x73: {  	_ =	shalt  }
0x74: {  	_ =	shalt  }
0x75: {  	_ =	shalt  }
0x76: {  	_ =	shalt  }
0x77: {  	_ =	shalt  }
0x78: {  	_ =	shalt  }
0x79: {  	_ =	shalt  }
0x7a: {  	_ =	shalt  }
0x7b: {  	_ =	shalt  }
0x7c: {  	_ =	shalt  }
0x7d: {  	_ =	shalt  }
0x7e: {  	_ =	shalt  }
0x7f: {  	_ =	shalt  }
0x80: {  	_ =	shalt  }
0x81: {  	_ =	shalt  }
0x82: {  	_ =	shalt  }
0x83: {  	_ =	shalt  }
0x84: {  	_ =	shalt  }
0x85: {  	_ =	shalt  }
0x86: {  	_ =	shalt  }
0x87: {  	_ =	shalt  }
.Lfunc_end0:
.L_simem_size_0:
called_computation.1_lowered:
.L_overlay_start_0:
0x88: {  	s2 =	sld [smem:$0x3FD9]  }
0x89: {  	s3 =	sld [smem:$0x3FFE];
	_ =	sdelay $0x1  }
0x8a: {  	s1 =	srdreg.scid  }
0x8b: {  	s0 =	sand.u32 $0x1, s1  }
0x8c: {  	s17 =	sshll.u32 s0, $0xA;
	s2 =	sadd.s32 s3, s2  }
0x8d: {  	s2 =	sadd.s32 s2, s17  }
0x8e: {  	[smem:$0x3FC2] =	sst s2  }
0x8f: {  	_ = 	snop  }
0x90: {  	s2 =	sld [smem:$0x3FD0];
	(tm) =	ssettm $0x1  }
0x91: {  	s18 =	sld [smem:$0x3FFB];
	_ =	sdelay $0x3  }
0x92: {  	_ =	strace s18  }
0x93: {  	s3 =	sld [smem:$0x3FFC];
	_ =	sdelay $0x3  }
0x94: {  	_ =	strace s3  }
0x95: {  	s3 =	sld [smem:$0x3FFD];
	_ =	sdelay $0x3  }
0x96: {  	_ =	strace s3  }
0x97: {  	_ =	strace $0x8FFFFFFF  }
0x98: {  	s19 =	sld [smem:$0x3FDB];
	_ =	sdelay $0x1  }
0x99: {  	s4 =	simm.s32 $_scs_section_size  }
0x9a: {  	s5 =	simm.s32 $_size__tile_overlayer_lowered;
	s6 =	simm.s32 $_tile_overlayer_lowered  }
0x9b: {  	s22 =	simm.s32 $0x1BFF;
	s21 =	sshll.u32 s6, $0x1;
	s3 =	sadd.s32 s4, s19  }
0x9c: {  	s7 =	simm.s32 $0x0;
	s20 =	sshll.u32 s5, $0x1;
	s5 =	sadd.s32 s21, s3  }
0x9d: {  	[timem:s7], [sflag:s22] =	dma.local [hbm:s5], s20  }
0x9e: {  	_ =	swait.ge [sflag:s22], s20  }
0x9f: {  	s4 =	ssub.s32 $0x0, s20;
	[sflag:s22] =	ssyncset.done $0x0  }
0xa0: {  	[sflag:s22] =	ssyncadd.s32 s4;
	_ =	sdelay $0x1  }
0xa1: {  	s23 =	simm.s32 $0x1B8B  }
0xa2: {  	_ =	swait.ge [sflag:s23], $0x1  }
0xa3: {  	[sflag:s23] =	ssyncset.done $0x0  }
0xa4: {  	s25 =	simm.s32 $0x1B8E;
	s24 =	sld [smem:$0x3FFE];
	[sflag:s23] =	ssyncadd.s32 $0xFFFFFFFF  }
0xa5: {  	s26 =	simm.s32 $execute0_lowered;
	[smem:$0x3FD2] =	sst s25  }
0xa6: {  	s5 =	sshll.u32 s26, $0x1;
	_ =	strace $0x80000049;
	[dreg:$0x1] =	wrdreg $0xFFFFFFFF  }
0xa7: {  	s28 =	simm.s32 $_size_execute0_lowered;
	s3 =	sadd.s32 s3, s5;
	[dreg:$0x0] =	wrdreg $0x0  }
0xa8: {  	s5 =	sshll.u32 s28, $0x1;
	[dreg:$0x2] =	wrdreg s3  }
0xa9: {  	[dreg:$0x3] =	wrdreg s5  }
0xaa: {  	[dreg:$0x4] =	wrdreg $0xC0  }
0xab: {  	_ =	task [dreg:s7], $0x5FFFF  }
0xac: {  	[dreg:$0x1] =	wrdreg $0xFFFFFFFF  }
0xad: {  	[dreg:$0x0] =	wrdreg $0x60  }
0xae: {  	[dreg:$0x2] =	wrdreg s24  }
0xaf: {  	[dreg:$0x3] =	wrdreg s2  }
0xb0: {  	[dreg:$0x4] =	wrdreg $0x0  }
0xb1: {  	[dreg:$0x5] =	wrdreg $0x9  }
0xb2: {  	_ =	task.clear_ibuf [dreg:s7], $0x6FFFF;
	_ =	strace $0x90000049  }
0xb3: {  	s29 =	simm.s32 $0x9;
	_ =	strace $0x8000004B  }
0xb4: {  	_ =	swait.ge [sflag:s29], $0x1  }
0xb5: {  	[sflag:s29] =	ssyncadd.s32 $0xFFFFFFFF  }
0xb6: {  	_ =	strace $0x9000004B  }
0xb7: {  	_ =	sfence  }
0xb8: {  	s30 =	sld [smem:$0x0];
	_ =	sdelay $0x2  }
0xb9: {  	s31 =	sshll.u32 s1, $0xD;
	s1 =	sshrl.u32 s1, $0x2  }
0xba: {  	s3 =	sand.u32 $0x4000, s31;
	s1 =	sadd.s32 s1, s30  }
0xbb: {  	s0 =	sor.u32 s3, s0;
	s1 =	sshll.u32 s1, $0x11  }
0xbc: {  	s0 =	sor.u32 s1, s0  }
0xbd: {  	s0 =	sadd.s32 $0x8F2B, s0  }
0xbe: {  	[sflag:s0] =	ssyncadd.remote.s32 $0x1  }
0xbf: {  	_ =	sfence.sel $0xFFFF  }
0xc0: {  	[dreg:$0x0] =	wrdreg $0xFFFFFFFF;
	(pc) =	sbr.abs _section_cstart, $3  }
0xc1: {  	[dreg:$0x1] =	wrdreg $0xFFFFFFFF  }
0xc2: {  	_ =	task.clear_ibuf [dreg:s7], $0x2FFFF;
	_ =	strace $0x9FFFFFFF  }
0xc3: {  	(tm) =	ssettm $0x7FFFFFFF  }
tec
execute0_lowered:
.L_overlay_start_1:
0x0: {  	(tag) =	ssettag $0x1  }
0x1: {  	s0 =	rddreg [dreg:$0x0]  }
0x2: {  	s2 =	rddreg [dreg:$0x1]  }
0x3: {  	s1 =	rddreg [dreg:$0x2];
	s3 =	srdreg.scid  }
0x4: {  	s14 =	stileid.u32;
	s18 =	simm.s32 $0x9;
	s28 =	simm.s32 $0x3  }
0x5: {  	s29 =	simm.s32 $0x1;
	s30 =	simm.s32 $0x2;
	s31 =	simm.s32 $0x4  }
0x6: {  	s5 =	sand.u32 $0x1, s3;
	s3 =	simm.s32 $0x0;
	s10 =	smul.u32 $0x50000, s14  }
0x7: {  	s8 =	sadd.s32 $0x48000, s0;
	s11 =	sadd.s32 $0x16000, s0;
	s13 =	smul.u32 $0x2800, s14  }
0x8: {  	s26 =	sshll.u32 s14, $0x6;
	s4 =	sshll.u32 s5, $0x4;
	[smem:$0x7FF] =	sst s3  }
0x9: {  	s6 =	smul.u32 $0x28000, s5;
	s9 =	ssub.s32 $0x2, s5;
	p0 =	seq.s32 s5, $0x0  }
0xa: {  	s7 =	sor.u32 s14, s4;
	_ =	strace $0x8000004A;
	s4 =	sadd.s32 $0x20000, s0  }
0xb: {  	s12 =	sshrl.u32 s9, $0x1;
	s10 =	sshrl.u32 s10, $0x2;
	[dreg:$0xa] =	wrdreg s26  }
0xc: {  	s7 =	smul.u32 $0x2800, s7;
	s0 =	sadd.s32 s6, s0;
	s9 =	ssub.s32 s9, s12  }
0xd: {  	s10 =	sadd.s32 s10, s1;
	s8 =	smov.u32 @p0 s4;
	s23 =	sadd.s32 s13, s6  }
0xe: {  	s0 =	sadd.s32 $0x70000, s0;
	s22 =	smax.u32 s9, $0x1;
	s24 =	sadd.s32 s8, s13  }
0xf: {  	s25 =	sor.u32 $0x200, s23;
	s16 =	sshrl.u32 s10, $0x3;
	[dreg:$0x8] =	wrdreg s22  }
0x10: {  	s7 =	sshrl.u32 s7, $0x3;
	[dreg:$0x9] =	wrdreg s24;
	s6 =	sshrl.u32 s25, $0x3  }
0x11: {  	s22 =	simm.s32 $0x16A00;
	s24 =	sadd.s32 s13, s0;
	s25 =	simm.s32 $0x16900  }
0x12: {  	s0 =	simm.s32 $0x7;
	s5 =	sadd.s32 s11, s7;
	s2 =	sadd.s32 s2, s7  }
0x13: {  	s7 =	sor.u32 $0x1C03, s26;
	s14 =	sadd.s32 s6, s11;
	[dreg:$0x4] =	wrdreg s2  }
0x14: {  	s26 =	simm.s32 $0x16980;
	s19 =	sadd.s32 $0x10, s5;
	[dreg:$0xb] =	wrdreg s7  }
0x15: {  	s6 =	simm.s32 $0x0;
	s20 =	sadd.s32 $0x20, s5;
	[dreg:$0x5] =	wrdreg s19  }
0x16: {  	s21 =	sadd.s32 $0x30, s5;
	s2 =	sor.u32 $0x280, s23;
	[dreg:$0x6] =	wrdreg s20  }
0x17: {  	s23 =	simm.s32 $0x1AA00;
	[dreg:$0x7] =	wrdreg s21;
	s2 =	sshrl.u32 s2, $0x3  }
0x18: {  	s21 =	simm.s32 $0x80;
	s15 =	sadd.s32 s2, s11;
	s2 =	simm.s32 $0x8  }
.LBB2_1:
0x19: {  	s7 =	rddreg [dreg:$0x9]  }
0x1a: {  	s8 =	rddreg [dreg:$0xb]  }
0x1b: {  	[spmem:s16], [sflag:s8] =	dma.local [hbm:s7], $0x2800  }
0x1c: {  	s19 =	simm.s32 $0x14000;
	s7 =	rddreg [dreg:$0x4]  }
0x1d: {  	[tilespmem:s19], [sflag:$0x9] =	stream.linear.gather [hbm4b:s7+s3], $0x2800, $0x38;
	[tilespmem:$0x1EA00] =	vst v63  }
0x1e: {  	_ =	swait.ge [sflag:s18], $0x2800  }
0x1f: {  	[sflag:s18] =	ssyncset.done $0x0  }
0x20: {  	s9 =	simm.s32 $0x16800;
	[sflag:s18] =	ssyncadd.s32 $0xFFFFD800  }
0x21: {  	[tilespmem:s9], [sflag:$0x9] =	stream.linear.gather [hbm4b:s5+s3], $0x80, $0x38;
	[tilespmem:$0x1EA00] =	vst v63  }
0x22: {  	_ =	swait.ge [sflag:s18], $0x80  }
0x23: {  	[sflag:s18] =	ssyncset.done $0x0  }
0x24: {  	s10 =	simm.s32 $0x16880;
	s20 =	rddreg [dreg:$0x5];
	[sflag:s18] =	ssyncadd.s32 $0xFFFFFF80  }
0x25: {  	[tilespmem:s10], [sflag:$0x9] =	stream.linear.gather [hbm4b:s20+s3], $0x80, $0x38;
	[tilespmem:$0x1EA00] =	vst v63  }
0x26: {  	_ =	swait.ge [sflag:s18], $0x80  }
0x27: {  	[sflag:s18] =	ssyncset.done $0x0  }
0x28: {  	[sflag:s18] =	ssyncadd.s32 $0xFFFFFF80  }
0x29: {  	[tilespmem:s22], [sflag:$0x1] =	stream.indirect.gather [hbm4b:s4+s21], $0x80, s9, s21, $0xb8;
	[tilespmem:$0x1EA00] =	vst v63  }
0x2a: {  	_ = 	snop  }
0x2b: {  	[tilespmem:s23], [sflag:$0x2] =	stream.indirect.gather [hbm4b:s4+s21], $0x80, s10, s21, $0xb8;
	[tilespmem:$0x1EA00] =	vst v63  }
0x2c: {  	s10 =	rddreg [dreg:$0x6]  }
0x2d: {  	[tilespmem:s25], [sflag:$0x7] =	stream.linear.gather [hbm4b:s10+s3], $0x80, $0x38;
	[tilespmem:$0x1EA00] =	vst v63  }
0x2e: {  	s11 =	rddreg [dreg:$0x7]  }
0x2f: {  	[tilespmem:s26], [sflag:$0x8] =	stream.linear.gather [hbm4b:s11+s3], $0x80, $0x38;
	[tilespmem:$0x1EA00] =	vst v63  }
0x30: {  	_ =	swait.ge [sflag:s28], $0x2800  }
0x31: {  	[sflag:s28] =	ssyncset.done $0x0  }
0x32: {  	[sflag:s28] =	ssyncadd.s32 $0xFFFFD800  }
0x33: {  	[bflag:$0x0] =	sbarrier.arrive $0xFFFF  }
0x34: {  	_ =	swait.ge [sflag:s29], $0x4000  }
0x35: {  	[sflag:s29] =	ssyncset.done $0x0  }
0x36: {  	s12 =	simm.s32 $0x4;
	s13 =	simm.s32 $0x2;
	[sflag:s29] =	ssyncadd.s32 $0xFFFFC000  }
0x37: {  	[spmem:s1] =	stream.indirect.scatter.add.f32 [tilespmem:s22], [sflag:$0x3], $0x80, s19, s21, $0xb8;
	[tilespmem:$0x1EA00] =	vst v63  }
0x38: {  	s8 =	sand.u32 $0x2, s13;
	s7 =	sand.u32 $0x2, s12;
	_ =	swait.ge [sflag:s28], $0x4000  }
0x39: {  	s17 =	sshll.u32 s7, $0x7;
	s7 =	sor.u32 $0x5, s7;
	[sflag:s28] =	ssyncset.done $0x0  }
0x3a: {  	s9 =	sor.u32 $0x16800, s17;
	s19 =	sor.u32 $0x5, s8;
	[sflag:s28] =	ssyncadd.s32 $0xFFFFC000  }
0x3b: {  	[tilespmem:s9], [sflag:s7] =	stream.linear.gather [hbm4b:s14+s3], $0x80, $0x38;
	[tilespmem:$0x1EA00] =	vst v63  }
0x3c: {  	_ =	swait.ge [sflag:s19], $0x80  }
0x3d: {  	s20 =	sshll.u32 s8, $0x7;
	[sflag:s19] =	ssyncset.done $0x0  }
0x3e: {  	s12 =	sor.u32 $0x16800, s20;
	[sflag:s19] =	ssyncadd.s32 $0xFFFFFF80  }
0x3f: {  	[tilespmem:s22], [sflag:$0x1] =	stream.indirect.gather [hbm4b:s4+s21], $0x80, s12, s21, $0xb8;
	[tilespmem:$0x1EA00] =	vst v63  }
0x40: {  	_ =	swait.ge [sflag:s30], $0x4000  }
0x41: {  	[sflag:s30] =	ssyncset.done $0x0  }
0x42: {  	s13 =	simm.s32 $0x5;
	s17 =	simm.s32 $0x14080;
	[sflag:s30] =	ssyncadd.s32 $0xFFFFC000  }
0x43: {  	[spmem:s1] =	stream.indirect.scatter.add.f32 [tilespmem:s23], [sflag:$0x4], $0x80, s17, s21, $0xb8;
	[tilespmem:$0x1EA00] =	vst v63  }
0x44: {  	s7 =	sand.u32 $0x3, s13;
	_ =	swait.ge [sflag:s31], $0x4000  }
0x45: {  	s8 =	sadd.s32 $0x6, s8;
	s19 =	sshll.u32 s7, $0x7;
	[sflag:s31] =	ssyncset.done $0x0  }
0x46: {  	s7 =	sadd.s32 $0x5, s7;
	s10 =	sor.u32 $0x16800, s19;
	[sflag:s31] =	ssyncadd.s32 $0xFFFFC000  }
0x47: {  	[tilespmem:s10], [sflag:s7] =	stream.linear.gather [hbm4b:s15+s3], $0x80, $0x38;
	[tilespmem:$0x1EA00] =	vst v63  }
0x48: {  	_ =	swait.ge [sflag:s8], $0x80  }
0x49: {  	[sflag:s8] =	ssyncset.done $0x0  }
0x4a: {  	s20 =	sor.u32 $0x16880, s20;
	s11 =	simm.s32 $0x14100;
	[sflag:s8] =	ssyncadd.s32 $0xFFFFFF80  }
0x4b: {  	[tilespmem:s23], [sflag:$0x2] =	stream.indirect.gather [hbm4b:s4+s21], $0x80, s20, s21, $0xb8;
	[tilespmem:$0x1EA00] =	vst v63  }
0x4c: {  	s9 =	sadd.s32 $0x20, s14;
	s10 =	simm.s32 $0x7;
	_ =	swait.ge [sflag:s29], $0x4000  }
0x4d: {  	s7 =	sadd.s32 $0x20, s15;
	s8 =	simm.s32 $0x14200;
	[sflag:s29] =	ssyncset.done $0x0  }
.LBB2_2:
0x4e: {  	s17 =	sadd.s32 $0xFFFFFFFF, s10  }
0x4f: {  	[sflag:s29] =	ssyncadd.s32 $0xFFFFC000;
	s19 =	smov.u32 s10;
	s13 =	sadd.s32 $0x2, s10  }
0x50: {  	[spmem:s1] =	stream.indirect.scatter.add.f32 [tilespmem:s22], [sflag:$0x3], $0x80, s11, s21, $0xb8;
	[tilespmem:$0x1EA00] =	vst v63  }
0x51: {  	s11 =	sadd.s32 $0xFFFFFFFD, s19;
	s17 =	sand.u32 $0x2, s17;
	_ =	swait.ge [sflag:s28], $0x4000  }
0x52: {  	s20 =	sshll.u32 s17, $0x7;
	s17 =	sor.u32 $0x5, s17;
	[sflag:s28] =	ssyncset.done $0x0  }
0x53: {  	s12 =	sand.u32 $0x2, s11;
	s20 =	sor.u32 $0x16800, s20;
	[sflag:s28] =	ssyncadd.s32 $0xFFFFC000  }
0x54: {  	[tilespmem:s20], [sflag:s17] =	stream.linear.gather [hbm4b:s9+s3], $0x80, $0x38;
	[tilespmem:$0x1EA00] =	vst v63  }
0x55: {  	p0 =	sne.s32 s10, $0x4F;
	s17 =	sor.u32 $0x5, s12;
	s20 =	sshll.u32 s12, $0x7  }
0x56: {  	s11 =	smov.u32 s8;
	_ =	swait.ge [sflag:s17], $0x80  }
0x57: {  	s10 =	sor.u32 $0x16800, s20;
	[sflag:s17] =	ssyncset.done $0x0  }
0x58: {  	[sflag:s17] =	ssyncadd.s32 $0xFFFFFF80  }
0x59: {  	[tilespmem:s22], [sflag:$0x1] =	stream.indirect.gather [hbm4b:s4+s21], $0x80, s10, s21, $0xb8;
	[tilespmem:$0x1EA00] =	vst v63  }
0x5a: {  	_ =	swait.ge [sflag:s30], $0x4000  }
0x5b: {  	s10 =	sadd.s32 $0xFFFFFF80, s8;
	[sflag:s30] =	ssyncset.done $0x0  }
0x5c: {  	s17 =	sand.u32 $0x3, s19;
	[sflag:s30] =	ssyncadd.s32 $0xFFFFC000  }
0x5d: {  	[spmem:s1] =	stream.indirect.scatter.add.f32 [tilespmem:s23], [sflag:$0x4], $0x80, s10, s21, $0xb8;
	[tilespmem:$0x1EA00] =	vst v63  }
0x5e: {  	s10 =	sshll.u32 s17, $0x7;
	_ =	swait.ge [sflag:s31], $0x4000  }
0x5f: {  	s17 =	sadd.s32 $0x5, s17;
	s10 =	sor.u32 $0x16800, s10;
	[sflag:s31] =	ssyncset.done $0x0  }
0x60: {  	s12 =	sadd.s32 $0x6, s12;
	[sflag:s31] =	ssyncadd.s32 $0xFFFFC000  }
0x61: {  	[tilespmem:s10], [sflag:s17] =	stream.linear.gather [hbm4b:s7+s3], $0x80, $0x38;
	[tilespmem:$0x1EA00] =	vst v63  }
0x62: {  	_ =	swait.ge [sflag:s12], $0x80  }
.Ltmp0:
0x63: {  	s10 =	sor.u32 $0x16880, s20;
	[sflag:s12] =	ssyncset.done $0x0;
	(pc) =	sbr.rel @p0 .LBB2_2-.Ltmp0, $4  }
0x64: {  	[sflag:s12] =	ssyncadd.s32 $0xFFFFFF80  }
0x65: {  	[tilespmem:s23], [sflag:$0x2] =	stream.indirect.gather [hbm4b:s4+s21], $0x80, s10, s21, $0xb8;
	[tilespmem:$0x1EA00] =	vst v63  }
0x66: {  	s9 =	sadd.s32 $0x20, s9;
	s7 =	sadd.s32 $0x20, s7;
	_ =	swait.ge [sflag:s29], $0x4000  }
0x67: {  	s8 =	sadd.s32 $0x100, s8;
	s10 =	smov.u32 s13;
	[sflag:s29] =	ssyncset.done $0x0  }
0x68: {  	[sflag:s29] =	ssyncadd.s32 $0xFFFFC000  }
0x69: {  	[spmem:s1] =	stream.indirect.scatter.add.f32 [tilespmem:s22], [sflag:$0x3], $0x80, s11, s21, $0xb8;
	[tilespmem:$0x1EA00] =	vst v63  }
0x6a: {  	_ =	swait.ge [sflag:s28], $0x4000  }
0x6b: {  	[sflag:s28] =	ssyncset.done $0x0  }
0x6c: {  	[sflag:s28] =	ssyncadd.s32 $0xFFFFC000  }
0x6d: {  	_ =	swait.ge [sflag:s0], $0x80  }
0x6e: {  	[sflag:s0] =	ssyncset.done $0x0  }
0x6f: {  	[sflag:s0] =	ssyncadd.s32 $0xFFFFFF80  }
0x70: {  	[tilespmem:s22], [sflag:$0x1] =	stream.indirect.gather [hbm4b:s4+s21], $0x80, s25, s21, $0xb8;
	[tilespmem:$0x1EA00] =	vst v63  }
0x71: {  	_ =	swait.ge [sflag:s30], $0x4000  }
0x72: {  	[sflag:s30] =	ssyncset.done $0x0  }
0x73: {  	s7 =	simm.s32 $0x16680;
	[sflag:s30] =	ssyncadd.s32 $0xFFFFC000  }
0x74: {  	[spmem:s1] =	stream.indirect.scatter.add.f32 [tilespmem:s23], [sflag:$0x4], $0x80, s7, s21, $0xb8;
	[tilespmem:$0x1EA00] =	vst v63  }
0x75: {  	_ =	swait.ge [sflag:s31], $0x4000  }
0x76: {  	[sflag:s31] =	ssyncset.done $0x0  }
0x77: {  	[sflag:s31] =	ssyncadd.s32 $0xFFFFC000  }
0x78: {  	_ =	swait.ge [sflag:s2], $0x80  }
0x79: {  	[sflag:s2] =	ssyncset.done $0x0  }
0x7a: {  	[sflag:s2] =	ssyncadd.s32 $0xFFFFFF80  }
0x7b: {  	[tilespmem:s23], [sflag:$0x2] =	stream.indirect.gather [hbm4b:s4+s21], $0x80, s26, s21, $0xb8;
	[tilespmem:$0x1EA00] =	vst v63  }
0x7c: {  	_ =	swait.ge [sflag:s29], $0x4000  }
0x7d: {  	[sflag:s29] =	ssyncset.done $0x0  }
0x7e: {  	s13 =	simm.s32 $0x16700;
	[sflag:s29] =	ssyncadd.s32 $0xFFFFC000  }
0x7f: {  	[spmem:s1] =	stream.indirect.scatter.add.f32 [tilespmem:s22], [sflag:$0x3], $0x80, s13, s21, $0xb8;
	[tilespmem:$0x1EA00] =	vst v63  }
0x80: {  	_ =	swait.ge [sflag:s30], $0x4000  }
0x81: {  	[sflag:s30] =	ssyncset.done $0x0  }
0x82: {  	s17 =	simm.s32 $0x16780;
	[sflag:s30] =	ssyncadd.s32 $0xFFFFC000  }
0x83: {  	[spmem:s1] =	stream.indirect.scatter.add.f32 [tilespmem:s23], [sflag:$0x4], $0x80, s17, s21, $0xb8;
	[tilespmem:$0x1EA00] =	vst v63  }
0x84: {  	_ =	swait.ge [sflag:s28], $0x4000  }
0x85: {  	[sflag:s28] =	ssyncset.done $0x0  }
0x86: {  	[sflag:s28] =	ssyncadd.s32 $0xFFFFC000  }
0x87: {  	_ =	swait.ge [sflag:s31], $0x4000  }
0x88: {  	[sflag:s31] =	ssyncset.done $0x0  }
0x89: {  	[sflag:s31] =	ssyncadd.s32 $0xFFFFC000  }
0x8a: {  	[bflag:$0x0] =	sbarrier.arrive $0xFFFF  }
0x8b: {  	s19 =	rddreg [dreg:$0xa]  }
0x8c: {  	s7 =	sor.u32 $0x1C09, s19  }
0x8d: {  	[hbm:s24], [sflag:s7] =	dma.local [spmem:s16], $0x2800  }
0x8e: {  	_ =	swait.ge [sflag:s18], $0x2800  }
0x8f: {  	s6 =	sadd.s32 $0x1, s6;
	s20 =	rddreg [dreg:$0x8]  }
0x90: {  	p0 =	sne.s32 s6, s20  }
.Ltmp1:
0x91: {  	_ = 	snop;
	(pc) =	sbr.rel @p0 .LBB2_1-.Ltmp1, $3  }
0x92: {  	_ =	sdelay $0x1  }
0x93: {  	[sflag:s18] =	ssyncset.done $0x0  }
0x94: {  	[sflag:s18] =	ssyncadd.s32 $0xFFFFD800  }
0x95: {  	_ =	sfence.sel $0x180000  }
0x96: {  	[bflag:$0x0] =	sbarrier.arrive $0xFFFF  }
0x97: {  	_ =	strace $0x9000004A  }
0x98: {  	s0 =	stileid.u32;
	[bflag:$0x2] =	sbarrier.arrive $0xFFFF  }
0x99: {  	p0 =	sne.s32 s0, $0x0;
	s0 =	rddreg [dreg:$0x3]  }
0x9a: {  	s0 =	sadd.s32 @!p0 $0x100000, s0  }
0x9b: {  	[sflag:s0] =	ssyncadd.tile.s32 @!p0 $0x1;
	_ =	shalt  }
.Lfunc_end2:
_tile_overlayer_lowered:
.L_overlay_start_2:
0x9c: {  	(tag) =	ssettag $0x2  }
0x9d: {  	s0 =	rddreg [dreg:$0x0];
	s2 =	stileid.u32  }
0x9e: {  	s1 =	rddreg [dreg:$0x1];
	p0 =	sne.s32 s2, $0x0  }
0x9f: {  	s3 =	rddreg [dreg:$0x2];
	[bflag:$0x3] =	sbarrier.arrive $0xFFFF;
	s2 =	simm.s32 @!p0 $0x1C09  }
0xa0: {  	[timem:s3], [sflag:s2] =	dma.local @!p0 [hbm:s0], s1  }
0xa1: {  	s0 =	simm.s32 @!p0 $0x9  }
0xa2: {  	_ =	swait.ge @!p0 [sflag:s0], s1  }
0xa3: {  	s1 =	ssub.s32 @!p0 $0x0, s1;
	[sflag:s0] =	ssyncset.done @!p0 $0x0  }
0xa4: {  	[sflag:s0] =	ssyncadd.s32 @!p0 s1  }
0xa5: {  	[bflag:$0x3] =	sbarrier.arrive $0xFFFF  }
0xa6: {  	_ =	shalt  }

// kernel: gcn_edge_agg.7.cloned.1.call-start
scs
__scs_entry_jumppad:
0x0: {  	(pc) =	sbr.rel $0x88, $3  }
0x1: {  	(tag) =	ssettag $0x0;
	lr =	simm.s32 $0x1  }
0x2: {  	[smem:$0x3F9B] =	sst lr;
	_ =	strace $0xD0000000  }
0x3: {  	_ = 	snop  }
0x4: {  	_ = 	snop  }
0x5: {  	_ = 	snop  }
0x6: {  	_ = 	snop  }
0x7: {  	_ = 	snop  }
__scs_overlays_trampoline_lowered:
0x8: {  	[smem:$0x3FAA] =	sst s0  }
0x9: {  	[smem:$0x3FAB] =	sst s1  }
0xa: {  	[smem:$0x3FAC] =	sst s2  }
0xb: {  	[smem:$0x3FAD] =	sst s3  }
0xc: {  	[smem:$0x3FAE] =	sst s4  }
0xd: {  	[smem:$0x3FAF] =	sst s5  }
0xe: {  	[smem:$0x3FB0] =	sst s6  }
0xf: {  	[smem:$0x3FB1] =	sst s7  }
0x10: {  	[smem:$0x3FB2] =	sst s8  }
0x11: {  	[smem:$0x3FB3] =	sst s9;
	s0 =	simm.s32 @!p0 $0x0  }
0x12: {  	s1 =	sld [smem:$0x3F99];
	s0 =	simm.s32 @p0 $0x1  }
0x13: {  	[smem:$0x3FB4] =	sst s0;
	s0 =	simm.s32 @!p1 $0x0  }
0x14: {  	s2 =	sld [smem:$0x3F98];
	s0 =	simm.s32 @p1 $0x1  }
0x15: {  	[smem:$0x3FB5] =	sst s0;
	s0 =	simm.s32 @!p2 $0x0  }
0x16: {  	s3 =	sld [smem:$0x3FDB];
	s0 =	simm.s32 @p2 $0x1  }
0x17: {  	s4 =	simm.s32 $0x1BF5;
	[smem:$0x3FB7] =	sst s0  }
0x18: {  	s0 =	sld [smem:$0x3F9A];
	_ =	swait.ge [sflag:s4], $0x0  }
0x19: {  	s7 =	sld [smem:$0x3F9B]  }
0x1a: {  	s8 =	sadd.s32 $0xFFFFE003, lr  }
0x1b: {  	s9 =	sadd.s32 $0xFFFFFEF7, lr;
	s5 =	simm.s32 $0xFFFFFFFF;
	p2 =	slt.u32 s8, $0xFFFFF086  }
0x1c: {  	p1 =	slt.u32 s9, $0xF7A;
	s5 =	simm.s32 @!p2 $0x0  }
0x1d: {  	s5 =	simm.s32 @p1 $0x1;
	p0 =	seq.s32 s7, s2  }
0x1e: {  	s7 =	smul.u32 @!p0 $0xF7A, s2;
	p2 =	seq.s32 @!p0 s5, $0x0  }
0x1f: {  	s9 =	smul.u32 $0xF7A, s1;
	s8 =	simm.s32 @!p0 $0x1BF5;
	p2 =	por !p2, p0  }
0x20: {  	[sflag:s8] =	ssyncset.s32 @!p0 $0xFFFFF086;
	s6 =	sadd.s32 @!p0 s3, s7;
	s7 =	simm.s32 @!p0 $0x108  }
0x21: {  	s3 =	sadd.s32 s3, s9;
	s6 =	sadd.s32 @!p0 $0x88, s6;
	s7 =	simm.s32 @p2 $0x1082  }
0x22: {  	[simem:s7], [sflag:s8] =	dma.local @!p0 [hbm:s6], $0xF7A  }
0x23: {  	s9 =	sor.u32 $0xD0000000, s2;
	s6 =	simm.s32 $0x108;
	_ =	swait.ge @!p0 [sflag:s8], $0x0  }
0x24: {  	s3 =	sadd.s32 $0x88, s3;
	s6 =	simm.s32 @!p1 $0x1082;
	[sflag:s4] =	ssyncset.s32 $0xFFFFF086  }
0x25: {  	[simem:s6], [sflag:s4] =	dma.local [hbm:s3], $0xF7A  }
0x26: {  	[smem:$0x3F9B] =	sst s1;
	(tag) =	ssettag s2;
	_ =	strace s9  }
0x27: {  	s1 =	sld [smem:$0x3FAB]  }
0x28: {  	s2 =	sld [smem:$0x3FAC]  }
0x29: {  	s4 =	sld [smem:$0x3FAE]  }
0x2a: {  	p0 =	seq.s32 s5, $0x0;
	s5 =	sld [smem:$0x3FAF]  }
0x2b: {  	s6 =	sld [smem:$0x3FB0]  }
0x2c: {  	s7 =	sld [smem:$0x3FB1]  }
0x2d: {  	s3 =	simm.s32 $0x108;
	s8 =	sld [smem:$0x3FB2]  }
0x2e: {  	s3 =	simm.s32 @!p0 $0x1082;
	s9 =	sld [smem:$0x3FB3]  }
0x2f: {  	lr =	sadd.s32 s0, s3;
	s0 =	sld [smem:$0x3FAA]  }
0x30: {  	s3 =	sld [smem:$0x3FAD]  }
0x31: {  	[smem:$0x3FB6] =	sst s10  }
0x32: {  	s10 =	sld [smem:$0x3FB4];
	_ =	sdelay $0x3  }
0x33: {  	p0 =	seq.s32 s10, $0x1;
	s10 =	sld [smem:$0x3FB6];
	_ =	sdelay $0x3  }
0x34: {  	[smem:$0x3FB6] =	sst s10  }
0x35: {  	s10 =	sld [smem:$0x3FB5];
	_ =	sdelay $0x3  }
0x36: {  	p1 =	seq.s32 s10, $0x1;
	s10 =	sld [smem:$0x3FB6];
	_ =	sdelay $0x3  }
0x37: {  	[smem:$0x3FB6] =	sst s10  }
0x38: {  	s10 =	sld [smem:$0x3FB7]  }
0x39: {  	_ = 	snop;
	(pc) =	sbr.ind lr, $3  }
0x3a: {  	_ = 	snop  }
0x3b: {  	_ = 	snop  }
0x3c: {  	p2 =	seq.s32 s10, $0x1;
	s10 =	sld [smem:$0x3FB6]  }
0x3d: {  	_ =	shalt  }
0x3e: {  	_ =	shalt  }
0x3f: {  	_ =	shalt  }
0x40: {  	_ =	shalt  }
0x41: {  	_ =	shalt  }
0x42: {  	_ =	shalt  }
0x43: {  	_ =	shalt  }
0x44: {  	_ =	shalt  }
0x45: {  	_ =	shalt  }
0x46: {  	_ =	shalt  }
0x47: {  	_ =	shalt  }
0x48: {  	_ =	shalt  }
0x49: {  	_ =	shalt  }
0x4a: {  	_ =	shalt  }
0x4b: {  	_ =	shalt  }
0x4c: {  	_ =	shalt  }
0x4d: {  	_ =	shalt  }
0x4e: {  	_ =	shalt  }
0x4f: {  	_ =	shalt  }
0x50: {  	_ =	shalt  }
0x51: {  	_ =	shalt  }
0x52: {  	_ =	shalt  }
0x53: {  	_ =	shalt  }
0x54: {  	_ =	shalt  }
0x55: {  	_ =	shalt  }
0x56: {  	_ =	shalt  }
0x57: {  	_ =	shalt  }
0x58: {  	_ =	shalt  }
0x59: {  	_ =	shalt  }
0x5a: {  	_ =	shalt  }
0x5b: {  	_ =	shalt  }
0x5c: {  	_ =	shalt  }
0x5d: {  	_ =	shalt  }
0x5e: {  	_ =	shalt  }
0x5f: {  	_ =	shalt  }
0x60: {  	_ =	shalt  }
0x61: {  	_ =	shalt  }
0x62: {  	_ =	shalt  }
0x63: {  	_ =	shalt  }
0x64: {  	_ =	shalt  }
0x65: {  	_ =	shalt  }
0x66: {  	_ =	shalt  }
0x67: {  	_ =	shalt  }
0x68: {  	_ =	shalt  }
0x69: {  	_ =	shalt  }
0x6a: {  	_ =	shalt  }
0x6b: {  	_ =	shalt  }
0x6c: {  	_ =	shalt  }
0x6d: {  	_ =	shalt  }
0x6e: {  	_ =	shalt  }
0x6f: {  	_ =	shalt  }
0x70: {  	_ =	shalt  }
0x71: {  	_ =	shalt  }
0x72: {  	_ =	shalt  }
0x73: {  	_ =	shalt  }
0x74: {  	_ =	shalt  }
0x75: {  	_ =	shalt  }
0x76: {  	_ =	shalt  }
0x77: {  	_ =	shalt  }
0x78: {  	_ =	shalt  }
0x79: {  	_ =	shalt  }
0x7a: {  	_ =	shalt  }
0x7b: {  	_ =	shalt  }
0x7c: {  	_ =	shalt  }
0x7d: {  	_ =	shalt  }
0x7e: {  	_ =	shalt  }
0x7f: {  	_ =	shalt  }
0x80: {  	_ =	shalt  }
0x81: {  	_ =	shalt  }
0x82: {  	_ =	shalt  }
0x83: {  	_ =	shalt  }
0x84: {  	_ =	shalt  }
0x85: {  	_ =	shalt  }
0x86: {  	_ =	shalt  }
0x87: {  	_ =	shalt  }
.Lfunc_end0:
.L_simem_size_0:
called_computation.2_lowered:
.L_overlay_start_0:
0x88: {  	s2 =	sld [smem:$0x3FD9]  }
0x89: {  	s3 =	sld [smem:$0x3FFE];
	_ =	sdelay $0x1  }
0x8a: {  	s1 =	srdreg.scid  }
0x8b: {  	s0 =	sand.u32 $0x1, s1  }
0x8c: {  	s17 =	sshll.u32 s0, $0xA;
	s2 =	sadd.s32 s3, s2  }
0x8d: {  	s2 =	sadd.s32 s2, s17  }
0x8e: {  	[smem:$0x3FC2] =	sst s2  }
0x8f: {  	_ = 	snop  }
0x90: {  	s2 =	sld [smem:$0x3FD0];
	(tm) =	ssettm $0x1  }
0x91: {  	s18 =	sld [smem:$0x3FFB];
	_ =	sdelay $0x3  }
0x92: {  	_ =	strace s18  }
0x93: {  	s3 =	sld [smem:$0x3FFC];
	_ =	sdelay $0x3  }
0x94: {  	_ =	strace s3  }
0x95: {  	s3 =	sld [smem:$0x3FFD];
	_ =	sdelay $0x3  }
0x96: {  	_ =	strace s3  }
0x97: {  	_ =	strace $0x8FFFFFFF  }
0x98: {  	s19 =	sld [smem:$0x3FDB];
	_ =	sdelay $0x1  }
0x99: {  	s4 =	simm.s32 $_scs_section_size  }
0x9a: {  	s5 =	simm.s32 $_size__tile_overlayer_lowered;
	s6 =	simm.s32 $_tile_overlayer_lowered  }
0x9b: {  	s22 =	simm.s32 $0x1BFF;
	s21 =	sshll.u32 s6, $0x1;
	s3 =	sadd.s32 s4, s19  }
0x9c: {  	s7 =	simm.s32 $0x0;
	s20 =	sshll.u32 s5, $0x1;
	s5 =	sadd.s32 s21, s3  }
0x9d: {  	[timem:s7], [sflag:s22] =	dma.local [hbm:s5], s20  }
0x9e: {  	_ =	swait.ge [sflag:s22], s20  }
0x9f: {  	s4 =	ssub.s32 $0x0, s20;
	[sflag:s22] =	ssyncset.done $0x0  }
0xa0: {  	[sflag:s22] =	ssyncadd.s32 s4;
	_ =	sdelay $0x1  }
0xa1: {  	s23 =	simm.s32 $0x1B8B  }
0xa2: {  	_ =	swait.ge [sflag:s23], $0x1  }
0xa3: {  	[sflag:s23] =	ssyncset.done $0x0  }
0xa4: {  	s25 =	simm.s32 $0x1B8E;
	s24 =	sld [smem:$0x3FFE];
	[sflag:s23] =	ssyncadd.s32 $0xFFFFFFFF  }
0xa5: {  	s26 =	simm.s32 $execute0_lowered;
	[smem:$0x3FD2] =	sst s25  }
0xa6: {  	s5 =	sshll.u32 s26, $0x1;
	_ =	strace $0x8000004C;
	[dreg:$0x1] =	wrdreg $0xFFFFFFFF  }
0xa7: {  	s28 =	simm.s32 $_size_execute0_lowered;
	s3 =	sadd.s32 s3, s5;
	[dreg:$0x0] =	wrdreg $0x0  }
0xa8: {  	s5 =	sshll.u32 s28, $0x1;
	[dreg:$0x2] =	wrdreg s3  }
0xa9: {  	[dreg:$0x3] =	wrdreg s5  }
0xaa: {  	[dreg:$0x4] =	wrdreg $0xC0  }
0xab: {  	_ =	task [dreg:s7], $0x5FFFF  }
0xac: {  	[dreg:$0x1] =	wrdreg $0xFFFFFFFF  }
0xad: {  	[dreg:$0x0] =	wrdreg $0x60  }
0xae: {  	[dreg:$0x2] =	wrdreg s24  }
0xaf: {  	[dreg:$0x3] =	wrdreg s2  }
0xb0: {  	[dreg:$0x4] =	wrdreg $0x0  }
0xb1: {  	[dreg:$0x5] =	wrdreg $0x9  }
0xb2: {  	_ =	task.clear_ibuf [dreg:s7], $0x6FFFF;
	_ =	strace $0x9000004C  }
0xb3: {  	s29 =	simm.s32 $0x9;
	_ =	strace $0x8000004E  }
0xb4: {  	_ =	swait.ge [sflag:s29], $0x1  }
0xb5: {  	[sflag:s29] =	ssyncadd.s32 $0xFFFFFFFF  }
0xb6: {  	_ =	strace $0x9000004E  }
0xb7: {  	_ =	sfence  }
0xb8: {  	s30 =	sld [smem:$0x0];
	_ =	sdelay $0x2  }
0xb9: {  	s31 =	sshll.u32 s1, $0xD;
	s1 =	sshrl.u32 s1, $0x2  }
0xba: {  	s3 =	sand.u32 $0x4000, s31;
	s1 =	sadd.s32 s1, s30  }
0xbb: {  	s0 =	sor.u32 s3, s0;
	s1 =	sshll.u32 s1, $0x11  }
0xbc: {  	s0 =	sor.u32 s1, s0  }
0xbd: {  	s0 =	sadd.s32 $0x8F2B, s0  }
0xbe: {  	[sflag:s0] =	ssyncadd.remote.s32 $0x1  }
0xbf: {  	_ =	sfence.sel $0xFFFF  }
0xc0: {  	[dreg:$0x0] =	wrdreg $0xFFFFFFFF;
	(pc) =	sbr.abs _section_cstart, $3  }
0xc1: {  	[dreg:$0x1] =	wrdreg $0xFFFFFFFF  }
0xc2: {  	_ =	task.clear_ibuf [dreg:s7], $0x2FFFF;
	_ =	strace $0x9FFFFFFF  }
0xc3: {  	(tm) =	ssettm $0x7FFFFFFF  }
tec
execute0_lowered:
.L_overlay_start_1:
0x0: {  	(tag) =	ssettag $0x1  }
0x1: {  	s0 =	rddreg [dreg:$0x0]  }
0x2: {  	s2 =	rddreg [dreg:$0x1]  }
0x3: {  	s1 =	rddreg [dreg:$0x2];
	s3 =	srdreg.scid  }
0x4: {  	s14 =	stileid.u32;
	s18 =	simm.s32 $0x9;
	s28 =	simm.s32 $0x3  }
0x5: {  	s29 =	simm.s32 $0x1;
	s30 =	simm.s32 $0x2;
	s31 =	simm.s32 $0x4  }
0x6: {  	s5 =	sand.u32 $0x1, s3;
	s3 =	simm.s32 $0x0;
	s10 =	smul.u32 $0x50000, s14  }
0x7: {  	s8 =	sadd.s32 $0x48000, s0;
	s11 =	sadd.s32 $0x16000, s0;
	s13 =	smul.u32 $0x2800, s14  }
0x8: {  	s26 =	sshll.u32 s14, $0x6;
	s4 =	sshll.u32 s5, $0x4;
	[smem:$0x7FF] =	sst s3  }
0x9: {  	s6 =	smul.u32 $0x28000, s5;
	s9 =	ssub.s32 $0x2, s5;
	p0 =	seq.s32 s5, $0x0  }
0xa: {  	s7 =	sor.u32 s14, s4;
	_ =	strace $0x8000004D;
	s4 =	sadd.s32 $0x20000, s0  }
0xb: {  	s12 =	sshrl.u32 s9, $0x1;
	s10 =	sshrl.u32 s10, $0x2;
	[dreg:$0xa] =	wrdreg s26  }
0xc: {  	s7 =	smul.u32 $0x2800, s7;
	s0 =	sadd.s32 s6, s0;
	s9 =	ssub.s32 s9, s12  }
0xd: {  	s10 =	sadd.s32 s10, s1;
	s8 =	smov.u32 @p0 s4;
	s23 =	sadd.s32 s13, s6  }
0xe: {  	s0 =	sadd.s32 $0x70000, s0;
	s22 =	smax.u32 s9, $0x1;
	s24 =	sadd.s32 s8, s13  }
0xf: {  	s25 =	sor.u32 $0x200, s23;
	s16 =	sshrl.u32 s10, $0x3;
	[dreg:$0x8] =	wrdreg s22  }
0x10: {  	s7 =	sshrl.u32 s7, $0x3;
	[dreg:$0x9] =	wrdreg s24;
	s6 =	sshrl.u32 s25, $0x3  }
0x11: {  	s22 =	simm.s32 $0x16A00;
	s24 =	sadd.s32 s13, s0;
	s25 =	simm.s32 $0x16900  }
0x12: {  	s0 =	simm.s32 $0x7;
	s5 =	sadd.s32 s11, s7;
	s2 =	sadd.s32 s2, s7  }
0x13: {  	s7 =	sor.u32 $0x1C03, s26;
	s14 =	sadd.s32 s6, s11;
	[dreg:$0x4] =	wrdreg s2  }
0x14: {  	s26 =	simm.s32 $0x16980;
	s19 =	sadd.s32 $0x10, s5;
	[dreg:$0xb] =	wrdreg s7  }
0x15: {  	s6 =	simm.s32 $0x0;
	s20 =	sadd.s32 $0x20, s5;
	[dreg:$0x5] =	wrdreg s19  }
0x16: {  	s21 =	sadd.s32 $0x30, s5;
	s2 =	sor.u32 $0x280, s23;
	[dreg:$0x6] =	wrdreg s20  }
0x17: {  	s23 =	simm.s32 $0x1AA00;
	[dreg:$0x7] =	wrdreg s21;
	s2 =	sshrl.u32 s2, $0x3  }
0x18: {  	s21 =	simm.s32 $0x80;
	s15 =	sadd.s32 s2, s11;
	s2 =	simm.s32 $0x8  }
.LBB2_1:
0x19: {  	s7 =	rddreg [dreg:$0x9]  }
0x1a: {  	s8 =	rddreg [dreg:$0xb]  }
0x1b: {  	[spmem:s16], [sflag:s8] =	dma.local [hbm:s7], $0x2800  }
0x1c: {  	s19 =	simm.s32 $0x14000;
	s7 =	rddreg [dreg:$0x4]  }
0x1d: {  	[tilespmem:s19], [sflag:$0x9] =	stream.linear.gather [hbm4b:s7+s3], $0x2800, $0x38;
	[tilespmem:$0x1EA00] =	vst v63  }
0x1e: {  	_ =	swait.ge [sflag:s18], $0x2800  }
0x1f: {  	[sflag:s18] =	ssyncset.done $0x0  }
0x20: {  	s9 =	simm.s32 $0x16800;
	[sflag:s18] =	ssyncadd.s32 $0xFFFFD800  }
0x21: {  	[tilespmem:s9], [sflag:$0x9] =	stream.linear.gather [hbm4b:s5+s3], $0x80, $0x38;
	[tilespmem:$0x1EA00] =	vst v63  }
0x22: {  	_ =	swait.ge [sflag:s18], $0x80  }
0x23: {  	[sflag:s18] =	ssyncset.done $0x0  }
0x24: {  	s10 =	simm.s32 $0x16880;
	s20 =	rddreg [dreg:$0x5];
	[sflag:s18] =	ssyncadd.s32 $0xFFFFFF80  }
0x25: {  	[tilespmem:s10], [sflag:$0x9] =	stream.linear.gather [hbm4b:s20+s3], $0x80, $0x38;
	[tilespmem:$0x1EA00] =	vst v63  }
0x26: {  	_ =	swait.ge [sflag:s18], $0x80  }
0x27: {  	[sflag:s18] =	ssyncset.done $0x0  }
0x28: {  	[sflag:s18] =	ssyncadd.s32 $0xFFFFFF80  }
0x29: {  	[tilespmem:s22], [sflag:$0x1] =	stream.indirect.gather [hbm4b:s4+s21], $0x80, s9, s21, $0xb8;
	[tilespmem:$0x1EA00] =	vst v63  }
0x2a: {  	_ = 	snop  }
0x2b: {  	[tilespmem:s23], [sflag:$0x2] =	stream.indirect.gather [hbm4b:s4+s21], $0x80, s10, s21, $0xb8;
	[tilespmem:$0x1EA00] =	vst v63  }
0x2c: {  	s10 =	rddreg [dreg:$0x6]  }
0x2d: {  	[tilespmem:s25], [sflag:$0x7] =	stream.linear.gather [hbm4b:s10+s3], $0x80, $0x38;
	[tilespmem:$0x1EA00] =	vst v63  }
0x2e: {  	s11 =	rddreg [dreg:$0x7]  }
0x2f: {  	[tilespmem:s26], [sflag:$0x8] =	stream.linear.gather [hbm4b:s11+s3], $0x80, $0x38;
	[tilespmem:$0x1EA00] =	vst v63  }
0x30: {  	_ =	swait.ge [sflag:s28], $0x2800  }
0x31: {  	[sflag:s28] =	ssyncset.done $0x0  }
0x32: {  	[sflag:s28] =	ssyncadd.s32 $0xFFFFD800  }
0x33: {  	[bflag:$0x0] =	sbarrier.arrive $0xFFFF  }
0x34: {  	_ =	swait.ge [sflag:s29], $0x4000  }
0x35: {  	[sflag:s29] =	ssyncset.done $0x0  }
0x36: {  	s12 =	simm.s32 $0x4;
	s13 =	simm.s32 $0x2;
	[sflag:s29] =	ssyncadd.s32 $0xFFFFC000  }
0x37: {  	[spmem:s1] =	stream.indirect.scatter.add.f32 [tilespmem:s22], [sflag:$0x3], $0x80, s19, s21, $0xb8;
	[tilespmem:$0x1EA00] =	vst v63  }
0x38: {  	s8 =	sand.u32 $0x2, s13;
	s7 =	sand.u32 $0x2, s12;
	_ =	swait.ge [sflag:s28], $0x4000  }
0x39: {  	s17 =	sshll.u32 s7, $0x7;
	s7 =	sor.u32 $0x5, s7;
	[sflag:s28] =	ssyncset.done $0x0  }
0x3a: {  	s9 =	sor.u32 $0x16800, s17;
	s19 =	sor.u32 $0x5, s8;
	[sflag:s28] =	ssyncadd.s32 $0xFFFFC000  }
0x3b: {  	[tilespmem:s9], [sflag:s7] =	stream.linear.gather [hbm4b:s14+s3], $0x80, $0x38;
	[tilespmem:$0x1EA00] =	vst v63  }
0x3c: {  	_ =	swait.ge [sflag:s19], $0x80  }
0x3d: {  	s20 =	sshll.u32 s8, $0x7;
	[sflag:s19] =	ssyncset.done $0x0  }
0x3e: {  	s12 =	sor.u32 $0x16800, s20;
	[sflag:s19] =	ssyncadd.s32 $0xFFFFFF80  }
0x3f: {  	[tilespmem:s22], [sflag:$0x1] =	stream.indirect.gather [hbm4b:s4+s21], $0x80, s12, s21, $0xb8;
	[tilespmem:$0x1EA00] =	vst v63  }
0x40: {  	_ =	swait.ge [sflag:s30], $0x4000  }
0x41: {  	[sflag:s30] =	ssyncset.done $0x0  }
0x42: {  	s13 =	simm.s32 $0x5;
	s17 =	simm.s32 $0x14080;
	[sflag:s30] =	ssyncadd.s32 $0xFFFFC000  }
0x43: {  	[spmem:s1] =	stream.indirect.scatter.add.f32 [tilespmem:s23], [sflag:$0x4], $0x80, s17, s21, $0xb8;
	[tilespmem:$0x1EA00] =	vst v63  }
0x44: {  	s7 =	sand.u32 $0x3, s13;
	_ =	swait.ge [sflag:s31], $0x4000  }
0x45: {  	s8 =	sadd.s32 $0x6, s8;
	s19 =	sshll.u32 s7, $0x7;
	[sflag:s31] =	ssyncset.done $0x0  }
0x46: {  	s7 =	sadd.s32 $0x5, s7;
	s10 =	sor.u32 $0x16800, s19;
	[sflag:s31] =	ssyncadd.s32 $0xFFFFC000  }
0x47: {  	[tilespmem:s10], [sflag:s7] =	stream.linear.gather [hbm4b:s15+s3], $0x80, $0x38;
	[tilespmem:$0x1EA00] =	vst v63  }
0x48: {  	_ =	swait.ge [sflag:s8], $0x80  }
0x49: {  	[sflag:s8] =	ssyncset.done $0x0  }
0x4a: {  	s20 =	sor.u32 $0x16880, s20;
	s11 =	simm.s32 $0x14100;
	[sflag:s8] =	ssyncadd.s32 $0xFFFFFF80  }
0x4b: {  	[tilespmem:s23], [sflag:$0x2] =	stream.indirect.gather [hbm4b:s4+s21], $0x80, s20, s21, $0xb8;
	[tilespmem:$0x1EA00] =	vst v63  }
0x4c: {  	s9 =	sadd.s32 $0x20, s14;
	s10 =	simm.s32 $0x7;
	_ =	swait.ge [sflag:s29], $0x4000  }
0x4d: {  	s7 =	sadd.s32 $0x20, s15;
	s8 =	simm.s32 $0x14200;
	[sflag:s29] =	ssyncset.done $0x0  }
.LBB2_2:
0x4e: {  	s17 =	sadd.s32 $0xFFFFFFFF, s10  }
0x4f: {  	[sflag:s29] =	ssyncadd.s32 $0xFFFFC000;
	s19 =	smov.u32 s10;
	s13 =	sadd.s32 $0x2, s10  }
0x50: {  	[spmem:s1] =	stream.indirect.scatter.add.f32 [tilespmem:s22], [sflag:$0x3], $0x80, s11, s21, $0xb8;
	[tilespmem:$0x1EA00] =	vst v63  }
0x51: {  	s11 =	sadd.s32 $0xFFFFFFFD, s19;
	s17 =	sand.u32 $0x2, s17;
	_ =	swait.ge [sflag:s28], $0x4000  }
0x52: {  	s20 =	sshll.u32 s17, $0x7;
	s17 =	sor.u32 $0x5, s17;
	[sflag:s28] =	ssyncset.done $0x0  }
0x53: {  	s12 =	sand.u32 $0x2, s11;
	s20 =	sor.u32 $0x16800, s20;
	[sflag:s28] =	ssyncadd.s32 $0xFFFFC000  }
0x54: {  	[tilespmem:s20], [sflag:s17] =	stream.linear.gather [hbm4b:s9+s3], $0x80, $0x38;
	[tilespmem:$0x1EA00] =	vst v63  }
0x55: {  	p0 =	sne.s32 s10, $0x4F;
	s17 =	sor.u32 $0x5, s12;
	s20 =	sshll.u32 s12, $0x7  }
0x56: {  	s11 =	smov.u32 s8;
	_ =	swait.ge [sflag:s17], $0x80  }
0x57: {  	s10 =	sor.u32 $0x16800, s20;
	[sflag:s17] =	ssyncset.done $0x0  }
0x58: {  	[sflag:s17] =	ssyncadd.s32 $0xFFFFFF80  }
0x59: {  	[tilespmem:s22], [sflag:$0x1] =	stream.indirect.gather [hbm4b:s4+s21], $0x80, s10, s21, $0xb8;
	[tilespmem:$0x1EA00] =	vst v63  }
0x5a: {  	_ =	swait.ge [sflag:s30], $0x4000  }
0x5b: {  	s10 =	sadd.s32 $0xFFFFFF80, s8;
	[sflag:s30] =	ssyncset.done $0x0  }
0x5c: {  	s17 =	sand.u32 $0x3, s19;
	[sflag:s30] =	ssyncadd.s32 $0xFFFFC000  }
0x5d: {  	[spmem:s1] =	stream.indirect.scatter.add.f32 [tilespmem:s23], [sflag:$0x4], $0x80, s10, s21, $0xb8;
	[tilespmem:$0x1EA00] =	vst v63  }
0x5e: {  	s10 =	sshll.u32 s17, $0x7;
	_ =	swait.ge [sflag:s31], $0x4000  }
0x5f: {  	s17 =	sadd.s32 $0x5, s17;
	s10 =	sor.u32 $0x16800, s10;
	[sflag:s31] =	ssyncset.done $0x0  }
0x60: {  	s12 =	sadd.s32 $0x6, s12;
	[sflag:s31] =	ssyncadd.s32 $0xFFFFC000  }
0x61: {  	[tilespmem:s10], [sflag:s17] =	stream.linear.gather [hbm4b:s7+s3], $0x80, $0x38;
	[tilespmem:$0x1EA00] =	vst v63  }
0x62: {  	_ =	swait.ge [sflag:s12], $0x80  }
.Ltmp0:
0x63: {  	s10 =	sor.u32 $0x16880, s20;
	[sflag:s12] =	ssyncset.done $0x0;
	(pc) =	sbr.rel @p0 .LBB2_2-.Ltmp0, $4  }
0x64: {  	[sflag:s12] =	ssyncadd.s32 $0xFFFFFF80  }
0x65: {  	[tilespmem:s23], [sflag:$0x2] =	stream.indirect.gather [hbm4b:s4+s21], $0x80, s10, s21, $0xb8;
	[tilespmem:$0x1EA00] =	vst v63  }
0x66: {  	s9 =	sadd.s32 $0x20, s9;
	s7 =	sadd.s32 $0x20, s7;
	_ =	swait.ge [sflag:s29], $0x4000  }
0x67: {  	s8 =	sadd.s32 $0x100, s8;
	s10 =	smov.u32 s13;
	[sflag:s29] =	ssyncset.done $0x0  }
0x68: {  	[sflag:s29] =	ssyncadd.s32 $0xFFFFC000  }
0x69: {  	[spmem:s1] =	stream.indirect.scatter.add.f32 [tilespmem:s22], [sflag:$0x3], $0x80, s11, s21, $0xb8;
	[tilespmem:$0x1EA00] =	vst v63  }
0x6a: {  	_ =	swait.ge [sflag:s28], $0x4000  }
0x6b: {  	[sflag:s28] =	ssyncset.done $0x0  }
0x6c: {  	[sflag:s28] =	ssyncadd.s32 $0xFFFFC000  }
0x6d: {  	_ =	swait.ge [sflag:s0], $0x80  }
0x6e: {  	[sflag:s0] =	ssyncset.done $0x0  }
0x6f: {  	[sflag:s0] =	ssyncadd.s32 $0xFFFFFF80  }
0x70: {  	[tilespmem:s22], [sflag:$0x1] =	stream.indirect.gather [hbm4b:s4+s21], $0x80, s25, s21, $0xb8;
	[tilespmem:$0x1EA00] =	vst v63  }
0x71: {  	_ =	swait.ge [sflag:s30], $0x4000  }
0x72: {  	[sflag:s30] =	ssyncset.done $0x0  }
0x73: {  	s7 =	simm.s32 $0x16680;
	[sflag:s30] =	ssyncadd.s32 $0xFFFFC000  }
0x74: {  	[spmem:s1] =	stream.indirect.scatter.add.f32 [tilespmem:s23], [sflag:$0x4], $0x80, s7, s21, $0xb8;
	[tilespmem:$0x1EA00] =	vst v63  }
0x75: {  	_ =	swait.ge [sflag:s31], $0x4000  }
0x76: {  	[sflag:s31] =	ssyncset.done $0x0  }
0x77: {  	[sflag:s31] =	ssyncadd.s32 $0xFFFFC000  }
0x78: {  	_ =	swait.ge [sflag:s2], $0x80  }
0x79: {  	[sflag:s2] =	ssyncset.done $0x0  }
0x7a: {  	[sflag:s2] =	ssyncadd.s32 $0xFFFFFF80  }
0x7b: {  	[tilespmem:s23], [sflag:$0x2] =	stream.indirect.gather [hbm4b:s4+s21], $0x80, s26, s21, $0xb8;
	[tilespmem:$0x1EA00] =	vst v63  }
0x7c: {  	_ =	swait.ge [sflag:s29], $0x4000  }
0x7d: {  	[sflag:s29] =	ssyncset.done $0x0  }
0x7e: {  	s13 =	simm.s32 $0x16700;
	[sflag:s29] =	ssyncadd.s32 $0xFFFFC000  }
0x7f: {  	[spmem:s1] =	stream.indirect.scatter.add.f32 [tilespmem:s22], [sflag:$0x3], $0x80, s13, s21, $0xb8;
	[tilespmem:$0x1EA00] =	vst v63  }
0x80: {  	_ =	swait.ge [sflag:s30], $0x4000  }
0x81: {  	[sflag:s30] =	ssyncset.done $0x0  }
0x82: {  	s17 =	simm.s32 $0x16780;
	[sflag:s30] =	ssyncadd.s32 $0xFFFFC000  }
0x83: {  	[spmem:s1] =	stream.indirect.scatter.add.f32 [tilespmem:s23], [sflag:$0x4], $0x80, s17, s21, $0xb8;
	[tilespmem:$0x1EA00] =	vst v63  }
0x84: {  	_ =	swait.ge [sflag:s28], $0x4000  }
0x85: {  	[sflag:s28] =	ssyncset.done $0x0  }
0x86: {  	[sflag:s28] =	ssyncadd.s32 $0xFFFFC000  }
0x87: {  	_ =	swait.ge [sflag:s31], $0x4000  }
0x88: {  	[sflag:s31] =	ssyncset.done $0x0  }
0x89: {  	[sflag:s31] =	ssyncadd.s32 $0xFFFFC000  }
0x8a: {  	[bflag:$0x0] =	sbarrier.arrive $0xFFFF  }
0x8b: {  	s19 =	rddreg [dreg:$0xa]  }
0x8c: {  	s7 =	sor.u32 $0x1C09, s19  }
0x8d: {  	[hbm:s24], [sflag:s7] =	dma.local [spmem:s16], $0x2800  }
0x8e: {  	_ =	swait.ge [sflag:s18], $0x2800  }
0x8f: {  	s6 =	sadd.s32 $0x1, s6;
	s20 =	rddreg [dreg:$0x8]  }
0x90: {  	p0 =	sne.s32 s6, s20  }
.Ltmp1:
0x91: {  	_ = 	snop;
	(pc) =	sbr.rel @p0 .LBB2_1-.Ltmp1, $3  }
0x92: {  	_ =	sdelay $0x1  }
0x93: {  	[sflag:s18] =	ssyncset.done $0x0  }
0x94: {  	[sflag:s18] =	ssyncadd.s32 $0xFFFFD800  }
0x95: {  	_ =	sfence.sel $0x180000  }
0x96: {  	[bflag:$0x0] =	sbarrier.arrive $0xFFFF  }
0x97: {  	_ =	strace $0x9000004D  }
0x98: {  	s0 =	stileid.u32;
	[bflag:$0x2] =	sbarrier.arrive $0xFFFF  }
0x99: {  	p0 =	sne.s32 s0, $0x0;
	s0 =	rddreg [dreg:$0x3]  }
0x9a: {  	s0 =	sadd.s32 @!p0 $0x100000, s0  }
0x9b: {  	[sflag:s0] =	ssyncadd.tile.s32 @!p0 $0x1;
	_ =	shalt  }
.Lfunc_end2:
_tile_overlayer_lowered:
.L_overlay_start_2:
0x9c: {  	(tag) =	ssettag $0x2  }
0x9d: {  	s0 =	rddreg [dreg:$0x0];
	s2 =	stileid.u32  }
0x9e: {  	s1 =	rddreg [dreg:$0x1];
	p0 =	sne.s32 s2, $0x0  }
0x9f: {  	s3 =	rddreg [dreg:$0x2];
	[bflag:$0x3] =	sbarrier.arrive $0xFFFF;
	s2 =	simm.s32 @!p0 $0x1C09  }
0xa0: {  	[timem:s3], [sflag:s2] =	dma.local @!p0 [hbm:s0], s1  }
0xa1: {  	s0 =	simm.s32 @!p0 $0x9  }
0xa2: {  	_ =	swait.ge @!p0 [sflag:s0], s1  }
0xa3: {  	s1 =	ssub.s32 @!p0 $0x0, s1;
	[sflag:s0] =	ssyncset.done @!p0 $0x0  }
0xa4: {  	[sflag:s0] =	ssyncadd.s32 @!p0 s1  }
0xa5: {  	[bflag:$0x3] =	sbarrier.arrive $0xFFFF  }
0xa6: {  	_ =	shalt  }

</sc_bundles>
